<compile_context>
chip_gen: v7x
topology: tpu7x:2x2x1
jax: 0.10.2.dev20260603
libtpu: 0.0.44.dev20260713+nightly
codegen_flags: <defaults>
</compile_context>

<pallas_src>
import functools

import jax
import jax.numpy as jnp
from jax import lax
from jax.experimental import pallas as pl
from jax.experimental.pallas import tpu as pltpu
from jax.experimental.pallas import tpu_sc as plsc

B, N, M, C = 2, 4096, 4096, 128
K = 3
TM = 1024
ROWS = B * M * K
NW = 32
RPW = ROWS // NW
CH = 128


def _feat_body(p_ref, win_ref, bin_ref, w0_ref, b0_ref, w1_ref, b1_ref,
               w2_ref, b2_ref, r1f_ref, r1g_ref, rb1_ref, z_ref, g_ref):
    p = p_ref[0]
    dn = (((0,), (0,)), ((), ()))
    f = jnp.maximum(
        lax.dot_general(win_ref[...], p, dn,
                        preferred_element_type=jnp.float32)
        + bin_ref[...].reshape(C, 1), 0.0)
    z = lax.dot_general(f, r1f_ref[0], dn,
                        preferred_element_type=jnp.float32)
    for i, (w_r, b_r) in enumerate(((w0_ref, b0_ref), (w1_ref, b1_ref),
                                    (w2_ref, b2_ref))):
        f = jnp.maximum(
            lax.dot_general(w_r[...], f, dn,
                            preferred_element_type=jnp.float32)
            + b_r[...].reshape(C, 1), 0.0)
        z = z + lax.dot_general(f, r1f_ref[i + 1], dn,
                                preferred_element_type=jnp.float32)
    z_ref[0] = z
    gmax = jnp.max(f, axis=1)
    g = lax.dot_general(gmax.reshape(1, C), r1g_ref[...],
                        (((1,), (0,)), ((), ())),
                        preferred_element_type=jnp.float32)
    g_ref[0] = g + rb1_ref[...]


def _feat_call(orig, w_in, b_in, w0, b0, w1, b1, w2, b2, r1f, r1g, rb1):
    return pl.pallas_call(
        _feat_body,
        grid=(B,),
        in_specs=[
            pl.BlockSpec((1, 3, N), lambda b: (b, 0, 0)),
            pl.BlockSpec((3, C), lambda b: (0, 0)),
            pl.BlockSpec((1, C), lambda b: (0, 0)),
            pl.BlockSpec((C, C), lambda b: (0, 0)),
            pl.BlockSpec((1, C), lambda b: (0, 0)),
            pl.BlockSpec((C, C), lambda b: (0, 0)),
            pl.BlockSpec((1, C), lambda b: (0, 0)),
            pl.BlockSpec((C, C), lambda b: (0, 0)),
            pl.BlockSpec((1, C), lambda b: (0, 0)),
            pl.BlockSpec((4, C, 256), lambda b: (0, 0, 0)),
            pl.BlockSpec((C, 256), lambda b: (0, 0)),
            pl.BlockSpec((1, 256), lambda b: (0, 0)),
        ],
        out_specs=[
            pl.BlockSpec((1, N, 256), lambda b: (b, 0, 0)),
            pl.BlockSpec((1, 1, 256), lambda b: (b, 0, 0)),
        ],
        out_shape=[
            jax.ShapeDtypeStruct((B, N, 256), jnp.float32),
            jax.ShapeDtypeStruct((B, 1, 256), jnp.float32),
        ],
    )(orig, w_in, b_in, w0, b0, w1, b1, w2, b2, r1f, r1g, rb1)


def _knn_body(q_ref, p_ref, idx_ref):
    b = pl.program_id(0)
    q = q_ref[0]
    p = p_ref[0]
    p2 = jnp.sum(p * p, axis=0)
    inner = lax.dot_general(-2.0 * q, p, (((0,), (0,)), ((), ())),
                            preferred_element_type=jnp.float32)
    s = inner + p2[None, :]
    big = jnp.float32(3e38)
    s0 = jnp.full((TM, 128), big, jnp.float32)
    s1 = jnp.full((TM, 128), big, jnp.float32)
    j0 = jnp.zeros((TM, 128), jnp.int32)
    j1 = jnp.zeros((TM, 128), jnp.int32)
    for j in range(N // 128):
        v = s[:, j * 128:(j + 1) * 128]
        c0 = v < s0
        c1 = v < s1
        s1 = jnp.where(c0, s0, jnp.where(c1, v, s1))
        j1 = jnp.where(c0, j0, jnp.where(c1, j, j1))
        s0 = jnp.where(c0, v, s0)
        j0 = jnp.where(c0, j, j0)
    lane = lax.broadcasted_iota(jnp.int32, (TM, 128), 1)
    vals = jnp.concatenate([s0, s1], axis=1)
    gidx = jnp.concatenate([j0 * 128 + lane, j1 * 128 + lane], axis=1)
    for k in range(K):
        v = jnp.min(vals, axis=1)
        sel = vals == v[:, None]
        i = jnp.min(jnp.where(sel, gidx, jnp.int32(1 << 30)), axis=1)
        idx_ref[0, k, :] = i + b * N
        if k < K - 1:
            vals = jnp.where(sel, big, vals)


def _knn_call(query, orig):
    return pl.pallas_call(
        _knn_body,
        grid=(B, M // TM),
        in_specs=[
            pl.BlockSpec((1, 3, TM), lambda b, t: (b, 0, t)),
            pl.BlockSpec((1, 3, N), lambda b, t: (b, 0, 0)),
        ],
        out_specs=pl.BlockSpec((1, K, TM), lambda b, t: (b, 0, t)),
        out_shape=jax.ShapeDtypeStruct((B, K, M), jnp.int32),
    )(query, orig)


def _sc_gather(zflat, ct, idxflat):
    mesh = plsc.VectorSubcoreMesh(core_axis_name="c", subcore_axis_name="s")

    @functools.partial(
        pl.kernel,
        out_type=[
            jax.ShapeDtypeStruct((ROWS, 256), jnp.float32),
            jax.ShapeDtypeStruct((ROWS, 128), jnp.float32),
        ],
        mesh=mesh,
        scratch_types=[
            pltpu.VMEM((2, CH), jnp.int32),
            pltpu.VMEM((2, CH, 256), jnp.float32),
            pltpu.VMEM((2, CH, 128), jnp.float32),
            pltpu.SemaphoreType.DMA,
            pltpu.SemaphoreType.DMA,
        ],
    )
    def gk(z_hbm, ct_hbm, idx_hbm, gout_hbm, xout_hbm, idx_v, rows_v, xyz_v,
           sem0, sem1):
        wid = lax.axis_index("s") * 2 + lax.axis_index("c")
        base = wid * RPW
        nch = RPW // CH
        sems = (sem0, sem1)

        def fire(i):
            s = i % 2
            off = base + i * CH
            pltpu.sync_copy(idx_hbm.at[pl.ds(off, CH)], idx_v.at[s])
            pltpu.async_copy(z_hbm.at[idx_v.at[s]], rows_v.at[s], sems[s])
            pltpu.async_copy(ct_hbm.at[idx_v.at[s]], xyz_v.at[s], sems[s])

        def drain(i):
            s = i % 2
            off = base + i * CH
            pltpu.make_async_copy(z_hbm.at[idx_v.at[s]], rows_v.at[s],
                                  sems[s]).wait()
            pltpu.make_async_copy(ct_hbm.at[idx_v.at[s]], xyz_v.at[s],
                                  sems[s]).wait()
            pltpu.sync_copy(rows_v.at[s], gout_hbm.at[pl.ds(off, CH)])
            pltpu.sync_copy(xyz_v.at[s], xout_hbm.at[pl.ds(off, CH)])

        fire(0)
        for i in range(1, nch):
            fire(i)
            drain(i - 1)
        drain(nch - 1)

    return gk(zflat, ct, idxflat)


def _reg_body(g3_ref, xyz_ref, q_ref, gcon_ref, r1q_ref, r2_ref, rb2_ref,
              r3_ref, rb3_ref, out_ref):
    q = q_ref[0]
    recips = []
    for k in range(K):
        xk = xyz_ref[0, k]
        dd0 = xk[:, 0] - q[0]
        dd1 = xk[:, 1] - q[1]
        dd2 = xk[:, 2] - q[2]
        dist = jnp.sqrt(dd0 * dd0 + dd1 * dd1 + dd2 * dd2 + 1e-12)
        recips.append(1.0 / (dist + 1e-8))
    rsum = recips[0] + recips[1] + recips[2]
    acc = ((recips[0] / rsum)[:, None] * g3_ref[0, 0]
           + (recips[1] / rsum)[:, None] * g3_ref[0, 1]
           + (recips[2] / rsum)[:, None] * g3_ref[0, 2])
    acc = acc + lax.dot_general(q, r1q_ref[...],
                                (((0,), (0,)), ((), ())),
                                preferred_element_type=jnp.float32)
    h1 = jnp.maximum(acc + gcon_ref[0], 0.0)
    h2 = jnp.maximum(
        lax.dot_general(h1, r2_ref[...], (((1,), (0,)), ((), ())),
                        preferred_element_type=jnp.float32)
        + rb2_ref[...], 0.0)
    o = lax.dot_general(h2, r3_ref[...], (((1,), (0,)), ((), ())),
                        preferred_element_type=jnp.float32)
    out_ref[0, 0, :] = o[:, 0] + rb3_ref[0, 0]


def _reg_call(g4, xyz, query, gcon, r1q, r2, rb2, r3, rb3):
    return pl.pallas_call(
        _reg_body,
        grid=(B, M // TM),
        in_specs=[
            pl.BlockSpec((1, K, TM, 256), lambda b, t: (b, 0, t, 0)),
            pl.BlockSpec((1, K, TM, 128), lambda b, t: (b, 0, t, 0)),
            pl.BlockSpec((1, 3, TM), lambda b, t: (b, 0, t)),
            pl.BlockSpec((1, 1, 256), lambda b, t: (b, 0, 0)),
            pl.BlockSpec((3, 256), lambda b, t: (0, 0)),
            pl.BlockSpec((256, 64), lambda b, t: (0, 0)),
            pl.BlockSpec((1, 64), lambda b, t: (0, 0)),
            pl.BlockSpec((64, 1), lambda b, t: (0, 0)),
            pl.BlockSpec((1, 1), lambda b, t: (0, 0)),
        ],
        out_specs=pl.BlockSpec((1, 1, TM), lambda b, t: (b, 0, t)),
        out_shape=jax.ShapeDtypeStruct((B, 1, M), jnp.float32),
    )(g4, xyz, query, gcon, r1q, r2, rb2, r3, rb3)


def kernel(original_pts, query_pts, W_in, b_in, W_b0, b_b0, W_b1, b_b1,
           W_b2, b_b2, R1, Rb1, R2, Rb2, R3, Rb3):
    r1q = R1[0:3]
    r1f = R1[3:3 + 4 * C].reshape(4, C, 256)
    r1g = R1[3 + 4 * C:]
    z, gcon = _feat_call(original_pts, W_in, b_in.reshape(1, C),
                         W_b0, b_b0.reshape(1, C), W_b1, b_b1.reshape(1, C),
                         W_b2, b_b2.reshape(1, C), r1f, r1g,
                         Rb1.reshape(1, 256))
    idx = _knn_call(query_pts, original_pts)
    ct = jnp.pad(jnp.transpose(original_pts, (0, 2, 1)),
                 ((0, 0), (0, 0), (0, 125))).reshape(B * N, 128)
    g, xyz = _sc_gather(z.reshape(B * N, 256), ct, idx.reshape(ROWS))
    out = _reg_call(g.reshape(B, K, M, 256), xyz.reshape(B, K, M, 128),
                    query_pts, gcon, r1q, R2, Rb2.reshape(1, 64), R3,
                    Rb3.reshape(1, 1))
    return out

# --- scband reference (transcript-rebuilt; emitter-appended) ---
"""Pipeline reference for scband-p2-pnet-multi-scale-17781164606028 (READ-ONLY COPY).

The authoritative reference and input builder live on the scoring server;
editing this copy changes nothing except your own understanding.
"""

import jax, jax.numpy as jnp
import numpy as np

B, N, M, C = 2, 4096, 4096, 128
BLOCKS = 3
K = 3
REG_IN = 3 + (BLOCKS + 1) * C + C


def _knn(original_pts, query_pts, k):
    # original_pts: (b,3,n), query_pts: (b,3,m)
    q2 = jnp.sum(query_pts ** 2, axis=1)            # (b,m)
    p2 = jnp.sum(original_pts ** 2, axis=1)         # (b,n)
    inner = jnp.einsum('bcm,bcn->bmn', query_pts, original_pts)
    d2 = jnp.maximum(q2[:, :, None] + p2[:, None, :] - 2.0 * inner, 0.0)
    _, idx = jax.lax.top_k(-d2, k)                  # (b,m,k) nearest neighbors
    knn_pts = jax.vmap(lambda p, i: p[:, i])(original_pts, idx)  # (b,3,m,k)
    return knn_pts, idx


def _index_points(feat, idx):
    # feat: (b,c,n), idx: (b,m,k) -> (b,c,m,k)
    return jax.vmap(lambda f, i: f[:, i])(feat, idx)


def _interpolate(original_pts, query_pts, feat):
    knn_pts, idx = _knn(original_pts, query_pts, K)
    diff = knn_pts - query_pts[:, :, :, None]
    dist = jnp.sqrt(jnp.sum(diff ** 2, axis=1) + 1e-12)   # (b,m,k)
    dist_recip = 1.0 / (dist + 1e-08)
    norm = jnp.sum(dist_recip, axis=2, keepdims=True)
    weight = dist_recip / norm
    knn_feat = _index_points(feat, idx)                   # (b,c,m,k)
    return jnp.sum(knn_feat * weight[:, None, :, :], axis=-1)  # (b,c,m)


def _pointwise(W, b, x):
    # W: (cin,cout), x: (b,cin,n) -> (b,cout,n)
    return jnp.einsum('ic,bin->bcn', W, x) + b[None, :, None]


def setup_inputs(seed: int = 0):
    key = jax.random.key(seed)
    ks = jax.random.split(key, 16)
    inp = {}
    inp['original_pts'] = jax.random.normal(ks[0], (B, 3, N), dtype=jnp.float32)
    inp['query_pts'] = jax.random.normal(ks[1], (B, 3, M), dtype=jnp.float32)
    inp['W_in'] = jax.random.normal(ks[2], (3, C), dtype=jnp.float32) * 0.1
    inp['b_in'] = jnp.zeros((C,), dtype=jnp.float32)
    inp['W_b0'] = jax.random.normal(ks[3], (C, C), dtype=jnp.float32) * 0.05
    inp['b_b0'] = jnp.zeros((C,), dtype=jnp.float32)
    inp['W_b1'] = jax.random.normal(ks[4], (C, C), dtype=jnp.float32) * 0.05
    inp['b_b1'] = jnp.zeros((C,), dtype=jnp.float32)
    inp['W_b2'] = jax.random.normal(ks[5], (C, C), dtype=jnp.float32) * 0.05
    inp['b_b2'] = jnp.zeros((C,), dtype=jnp.float32)
    inp['R1'] = jax.random.normal(ks[6], (REG_IN, 256), dtype=jnp.float32) * 0.03
    inp['Rb1'] = jnp.zeros((256,), dtype=jnp.float32)
    inp['R2'] = jax.random.normal(ks[7], (256, 64), dtype=jnp.float32) * 0.05
    inp['Rb2'] = jnp.zeros((64,), dtype=jnp.float32)
    inp['R3'] = jax.random.normal(ks[8], (64, 1), dtype=jnp.float32) * 0.05
    inp['Rb3'] = jnp.zeros((1,), dtype=jnp.float32)
    return inp


def reference(original_pts, query_pts, W_in, b_in, W_b0, b_b0, W_b1, b_b1,
              W_b2, b_b2, R1, Rb1, R2, Rb2, R3, Rb3):
    # MultiScaleFeatureExtractor: pointwise MLP blocks; local feats after each block
    f = jax.nn.relu(_pointwise(W_in, b_in, original_pts))
    local_feats = [f]
    for W, b in ((W_b0, b_b0), (W_b1, b_b1), (W_b2, b_b2)):
        f = jax.nn.relu(_pointwise(W, b, f))
        local_feats.append(f)
    global_feats = jnp.max(f, axis=-1)                    # (b,c)
    # regress_distance
    g = jnp.broadcast_to(global_feats[:, :, None],
                         (global_feats.shape[0], global_feats.shape[1], query_pts.shape[-1]))
    interpolated = [_interpolate(original_pts, query_pts, lf) for lf in local_feats]
    agg_local = jnp.concatenate(interpolated, axis=1)
    agg = jnp.concatenate((query_pts, agg_local, g), axis=1)   # (b, REG_IN, m)
    h = jax.nn.relu(_pointwise(R1, Rb1, agg))
    h = jax.nn.relu(_pointwise(R2, Rb2, h))
    p2p = _pointwise(R3, Rb3, h)                          # (b,1,m)
    return p2p

if __name__ == "__main__":
    import jax
    _d = setup_inputs()
    print(jax.jit(kernel)(*tuple(_d.values())))

</pallas_src>

<mosaic_0001>
#map = affine_map<(d0, d1) -> (0, 0)>
#map1 = affine_map<(d0, d1) -> (0)>
module attributes {stable_mosaic.version = 14 : i64} {
  func.func @gk(%arg0: i32, %arg1: i32, %arg2: memref<8192x256xf32, #tpu.memory_space<hbm>>, %arg3: memref<8192x128xf32, #tpu.memory_space<hbm>>, %arg4: memref<24576xi32, #tpu.memory_space<hbm>>, %arg5: memref<24576x256xf32, #tpu.memory_space<hbm>>, %arg6: memref<24576x128xf32, #tpu.memory_space<hbm>>, %arg7: memref<2x128xi32, #tpu.memory_space<vmem>>, %arg8: memref<2x128x256xf32, #tpu.memory_space<vmem>>, %arg9: memref<2x128x128xf32, #tpu.memory_space<vmem>>, %arg10: memref<!tpu.dma_semaphore, #tpu.memory_space<semaphore_mem>>, %arg11: memref<!tpu.dma_semaphore, #tpu.memory_space<semaphore_mem>>) attributes {dimension_semantics = [#tpu.dimension_semantics<core_parallel>, #tpu.dimension_semantics<subcore_parallel>], iteration_bounds = array<i64: 2, 16>, scalar_prefetch = 0 : i64, scratch_operands = 5 : i64, tpu.core_type = #tpu.core_type<sc_vector_subcore>, window_params = [{transform_indices = #map}, {transform_indices = #map}, {transform_indices = #map1}, {transform_indices = #map}, {transform_indices = #map}]} {
    %mul3A = arith.constant 2 : i32
    %mul3A_0 = arith.muli %arg1, %mul3A : i32
    %add3A = arith.addi %mul3A_0, %arg0 : i32
    %mul3A_1 = arith.constant 768 : i32
    %mul3A_2 = arith.muli %add3A, %mul3A_1 : i32
    %add3A_3 = arith.constant 0 : i32
    %add3A_4 = arith.addi %mul3A_2, %add3A_3 : i32
    %run_scoped3A = arith.constant 0 : i32
    "tpu.region"() ({
      %run_scoped3A_330 = tpu.sem_alloc : memref<!tpu.dma_semaphore, #tpu.memory_space<semaphore_mem>>
      %dma_start3A_331 = arith.constant 0 : i32
      %dma_start3A_332 = tpu.memref_slice %arg7[%run_scoped3A, %dma_start3A_331] : memref<2x128xi32, #tpu.memory_space<vmem>> -> memref<1x128xi32, #tpu.memory_space<vmem>>
      %dma_start3A_333 = tpu.memref_squeeze %dma_start3A_332 : memref<1x128xi32, #tpu.memory_space<vmem>> -> memref<128xi32, #tpu.memory_space<vmem>>
      %dma_start3A_334 = tpu.memref_slice %arg4[%add3A_4] : memref<24576xi32, #tpu.memory_space<hbm>> -> memref<128xi32, #tpu.memory_space<hbm>>
      %dma_start3A_335 = arith.constant 0 : i32
      %dma_start3A_336 = tpu.memref_slice %arg7[%run_scoped3A, %dma_start3A_335] : memref<2x128xi32, #tpu.memory_space<vmem>> -> memref<1x128xi32, #tpu.memory_space<vmem>>
      %dma_start3A_337 = tpu.memref_squeeze %dma_start3A_336 : memref<1x128xi32, #tpu.memory_space<vmem>> -> memref<128xi32, #tpu.memory_space<vmem>>
      %dma_start3A_338 = tpu.memref_slice %arg4[%add3A_4] : memref<24576xi32, #tpu.memory_space<hbm>> -> memref<128xi32, #tpu.memory_space<hbm>>
      tpu.enqueue_dma source(%dma_start3A_338 : memref<128xi32, #tpu.memory_space<hbm>>) target(%dma_start3A_337 : memref<128xi32, #tpu.memory_space<vmem>>) target_semaphore(%run_scoped3A_330 : memref<!tpu.dma_semaphore, #tpu.memory_space<semaphore_mem>>)
      %dma_wait3A_339 = arith.constant 0 : i32
      %dma_wait3A_340 = tpu.memref_slice %arg7[%run_scoped3A, %dma_wait3A_339] : memref<2x128xi32, #tpu.memory_space<vmem>> -> memref<1x128xi32, #tpu.memory_space<vmem>>
      %dma_wait3A_341 = tpu.memref_squeeze %dma_wait3A_340 : memref<1x128xi32, #tpu.memory_space<vmem>> -> memref<128xi32, #tpu.memory_space<vmem>>
      %dma_wait3A_342 = tpu.memref_slice %arg4[%add3A_4] : memref<24576xi32, #tpu.memory_space<hbm>> -> memref<128xi32, #tpu.memory_space<hbm>>
      %dma_wait3A_343 = arith.constant 0 : i32
      %dma_wait3A_344 = tpu.memref_slice %arg7[%run_scoped3A, %dma_wait3A_343] : memref<2x128xi32, #tpu.memory_space<vmem>> -> memref<1x128xi32, #tpu.memory_space<vmem>>
      %dma_wait3A_345 = tpu.memref_squeeze %dma_wait3A_344 : memref<1x128xi32, #tpu.memory_space<vmem>> -> memref<128xi32, #tpu.memory_space<vmem>>
      %dma_wait3A_346 = tpu.memref_slice %arg4[%add3A_4] : memref<24576xi32, #tpu.memory_space<hbm>> -> memref<128xi32, #tpu.memory_space<hbm>>
      tpu.wait_dma2 semaphore(%run_scoped3A_330 : memref<!tpu.dma_semaphore, #tpu.memory_space<semaphore_mem>>) src(%dma_wait3A_346 : memref<128xi32, #tpu.memory_space<hbm>>) dst(%dma_wait3A_345 : memref<128xi32, #tpu.memory_space<vmem>>)
      tpu.yield
    }) : () -> ()
    %dma_start3A = arith.constant 0 : i32
    %dma_start3A_5 = arith.constant 0 : i32
    %dma_start3A_6 = arith.constant 0 : i32
    %dma_start3A_7 = arith.constant 0 : i32
    %dma_start3A_8 = tpu.memref_slice %arg8[%dma_start3A_5, %dma_start3A_6, %dma_start3A_7] : memref<2x128x256xf32, #tpu.memory_space<vmem>> -> memref<1x128x256xf32, #tpu.memory_space<vmem>>
    %dma_start3A_9 = tpu.memref_squeeze %dma_start3A_8 : memref<1x128x256xf32, #tpu.memory_space<vmem>> -> memref<128x256xf32, #tpu.memory_space<vmem>>
    %dma_start3A_10 = arith.constant 0 : i32
    %dma_start3A_11 = tpu.memref_slice %arg7[%dma_start3A, %dma_start3A_10] : memref<2x128xi32, #tpu.memory_space<vmem>> -> memref<1x128xi32, #tpu.memory_space<vmem>>
    %dma_start3A_12 = tpu.memref_squeeze %dma_start3A_11 : memref<1x128xi32, #tpu.memory_space<vmem>> -> memref<128xi32, #tpu.memory_space<vmem>>
    %dma_start3A_13 = arith.constant 0 : i32
    %dma_start3A_14 = arith.constant 0 : i32
    %dma_start3A_15 = tpu.memref_slice %arg2[%dma_start3A_13, %dma_start3A_14] : memref<8192x256xf32, #tpu.memory_space<hbm>> -> memref<8192x256xf32, #tpu.memory_space<hbm>>
    tpu.enqueue_indirect_dma source(%dma_start3A_15 : memref<8192x256xf32, #tpu.memory_space<hbm>>) target(%dma_start3A_9 : memref<128x256xf32, #tpu.memory_space<vmem>>) offsets(%dma_start3A_12 : memref<128xi32, #tpu.memory_space<vmem>>) semaphore(%arg10 : memref<!tpu.dma_semaphore, #tpu.memory_space<semaphore_mem>>)
    %dma_start3A_16 = arith.constant 0 : i32
    %dma_start3A_17 = arith.constant 0 : i32
    %dma_start3A_18 = arith.constant 0 : i32
    %dma_start3A_19 = arith.constant 0 : i32
    %dma_start3A_20 = tpu.memref_slice %arg9[%dma_start3A_17, %dma_start3A_18, %dma_start3A_19] : memref<2x128x128xf32, #tpu.memory_space<vmem>> -> memref<1x128x128xf32, #tpu.memory_space<vmem>>
    %dma_start3A_21 = tpu.memref_squeeze %dma_start3A_20 : memref<1x128x128xf32, #tpu.memory_space<vmem>> -> memref<128x128xf32, #tpu.memory_space<vmem>>
    %dma_start3A_22 = arith.constant 0 : i32
    %dma_start3A_23 = tpu.memref_slice %arg7[%dma_start3A_16, %dma_start3A_22] : memref<2x128xi32, #tpu.memory_space<vmem>> -> memref<1x128xi32, #tpu.memory_space<vmem>>
    %dma_start3A_24 = tpu.memref_squeeze %dma_start3A_23 : memref<1x128xi32, #tpu.memory_space<vmem>> -> memref<128xi32, #tpu.memory_space<vmem>>
    %dma_start3A_25 = arith.constant 0 : i32
    %dma_start3A_26 = arith.constant 0 : i32
    %dma_start3A_27 = tpu.memref_slice %arg3[%dma_start3A_25, %dma_start3A_26] : memref<8192x128xf32, #tpu.memory_space<hbm>> -> memref<8192x128xf32, #tpu.memory_space<hbm>>
    tpu.enqueue_indirect_dma source(%dma_start3A_27 : memref<8192x128xf32, #tpu.memory_space<hbm>>) target(%dma_start3A_21 : memref<128x128xf32, #tpu.memory_space<vmem>>) offsets(%dma_start3A_24 : memref<128xi32, #tpu.memory_space<vmem>>) semaphore(%arg10 : memref<!tpu.dma_semaphore, #tpu.memory_space<semaphore_mem>>)
    %add3A_28 = arith.constant 128 : i32
    %add3A_29 = arith.addi %mul3A_2, %add3A_28 : i32
    %run_scoped3A_30 = arith.constant 1 : i32
    "tpu.region"() ({
      %run_scoped3A_330 = tpu.sem_alloc : memref<!tpu.dma_semaphore, #tpu.memory_space<semaphore_mem>>
      %dma_start3A_331 = arith.constant 0 : i32
      %dma_start3A_332 = tpu.memref_slice %arg7[%run_scoped3A_30, %dma_start3A_331] : memref<2x128xi32, #tpu.memory_space<vmem>> -> memref<1x128xi32, #tpu.memory_space<vmem>>
      %dma_start3A_333 = tpu.memref_squeeze %dma_start3A_332 : memref<1x128xi32, #tpu.memory_space<vmem>> -> memref<128xi32, #tpu.memory_space<vmem>>
      %dma_start3A_334 = tpu.memref_slice %arg4[%add3A_29] : memref<24576xi32, #tpu.memory_space<hbm>> -> memref<128xi32, #tpu.memory_space<hbm>>
      %dma_start3A_335 = arith.constant 0 : i32
      %dma_start3A_336 = tpu.memref_slice %arg7[%run_scoped3A_30, %dma_start3A_335] : memref<2x128xi32, #tpu.memory_space<vmem>> -> memref<1x128xi32, #tpu.memory_space<vmem>>
      %dma_start3A_337 = tpu.memref_squeeze %dma_start3A_336 : memref<1x128xi32, #tpu.memory_space<vmem>> -> memref<128xi32, #tpu.memory_space<vmem>>
      %dma_start3A_338 = tpu.memref_slice %arg4[%add3A_29] : memref<24576xi32, #tpu.memory_space<hbm>> -> memref<128xi32, #tpu.memory_space<hbm>>
      tpu.enqueue_dma source(%dma_start3A_338 : memref<128xi32, #tpu.memory_space<hbm>>) target(%dma_start3A_337 : memref<128xi32, #tpu.memory_space<vmem>>) target_semaphore(%run_scoped3A_330 : memref<!tpu.dma_semaphore, #tpu.memory_space<semaphore_mem>>)
      %dma_wait3A_339 = arith.constant 0 : i32
      %dma_wait3A_340 = tpu.memref_slice %arg7[%run_scoped3A_30, %dma_wait3A_339] : memref<2x128xi32, #tpu.memory_space<vmem>> -> memref<1x128xi32, #tpu.memory_space<vmem>>
      %dma_wait3A_341 = tpu.memref_squeeze %dma_wait3A_340 : memref<1x128xi32, #tpu.memory_space<vmem>> -> memref<128xi32, #tpu.memory_space<vmem>>
      %dma_wait3A_342 = tpu.memref_slice %arg4[%add3A_29] : memref<24576xi32, #tpu.memory_space<hbm>> -> memref<128xi32, #tpu.memory_space<hbm>>
      %dma_wait3A_343 = arith.constant 0 : i32
      %dma_wait3A_344 = tpu.memref_slice %arg7[%run_scoped3A_30, %dma_wait3A_343] : memref<2x128xi32, #tpu.memory_space<vmem>> -> memref<1x128xi32, #tpu.memory_space<vmem>>
      %dma_wait3A_345 = tpu.memref_squeeze %dma_wait3A_344 : memref<1x128xi32, #tpu.memory_space<vmem>> -> memref<128xi32, #tpu.memory_space<vmem>>
      %dma_wait3A_346 = tpu.memref_slice %arg4[%add3A_29] : memref<24576xi32, #tpu.memory_space<hbm>> -> memref<128xi32, #tpu.memory_space<hbm>>
      tpu.wait_dma2 semaphore(%run_scoped3A_330 : memref<!tpu.dma_semaphore, #tpu.memory_space<semaphore_mem>>) src(%dma_wait3A_346 : memref<128xi32, #tpu.memory_space<hbm>>) dst(%dma_wait3A_345 : memref<128xi32, #tpu.memory_space<vmem>>)
      tpu.yield
    }) : () -> ()
    %dma_start3A_31 = arith.constant 1 : i32
    %dma_start3A_32 = arith.constant 1 : i32
    %dma_start3A_33 = arith.constant 0 : i32
    %dma_start3A_34 = arith.constant 0 : i32
    %dma_start3A_35 = tpu.memref_slice %arg8[%dma_start3A_32, %dma_start3A_33, %dma_start3A_34] : memref<2x128x256xf32, #tpu.memory_space<vmem>> -> memref<1x128x256xf32, #tpu.memory_space<vmem>>
    %dma_start3A_36 = tpu.memref_squeeze %dma_start3A_35 : memref<1x128x256xf32, #tpu.memory_space<vmem>> -> memref<128x256xf32, #tpu.memory_space<vmem>>
    %dma_start3A_37 = arith.constant 0 : i32
    %dma_start3A_38 = tpu.memref_slice %arg7[%dma_start3A_31, %dma_start3A_37] : memref<2x128xi32, #tpu.memory_space<vmem>> -> memref<1x128xi32, #tpu.memory_space<vmem>>
    %dma_start3A_39 = tpu.memref_squeeze %dma_start3A_38 : memref<1x128xi32, #tpu.memory_space<vmem>> -> memref<128xi32, #tpu.memory_space<vmem>>
    %dma_start3A_40 = arith.constant 0 : i32
    %dma_start3A_41 = arith.constant 0 : i32
    %dma_start3A_42 = tpu.memref_slice %arg2[%dma_start3A_40, %dma_start3A_41] : memref<8192x256xf32, #tpu.memory_space<hbm>> -> memref<8192x256xf32, #tpu.memory_space<hbm>>
    tpu.enqueue_indirect_dma source(%dma_start3A_42 : memref<8192x256xf32, #tpu.memory_space<hbm>>) target(%dma_start3A_36 : memref<128x256xf32, #tpu.memory_space<vmem>>) offsets(%dma_start3A_39 : memref<128xi32, #tpu.memory_space<vmem>>) semaphore(%arg11 : memref<!tpu.dma_semaphore, #tpu.memory_space<semaphore_mem>>)
    %dma_start3A_43 = arith.constant 1 : i32
    %dma_start3A_44 = arith.constant 1 : i32
    %dma_start3A_45 = arith.constant 0 : i32
    %dma_start3A_46 = arith.constant 0 : i32
    %dma_start3A_47 = tpu.memref_slice %arg9[%dma_start3A_44, %dma_start3A_45, %dma_start3A_46] : memref<2x128x128xf32, #tpu.memory_space<vmem>> -> memref<1x128x128xf32, #tpu.memory_space<vmem>>
    %dma_start3A_48 = tpu.memref_squeeze %dma_start3A_47 : memref<1x128x128xf32, #tpu.memory_space<vmem>> -> memref<128x128xf32, #tpu.memory_space<vmem>>
    %dma_start3A_49 = arith.constant 0 : i32
    %dma_start3A_50 = tpu.memref_slice %arg7[%dma_start3A_43, %dma_start3A_49] : memref<2x128xi32, #tpu.memory_space<vmem>> -> memref<1x128xi32, #tpu.memory_space<vmem>>
    %dma_start3A_51 = tpu.memref_squeeze %dma_start3A_50 : memref<1x128xi32, #tpu.memory_space<vmem>> -> memref<128xi32, #tpu.memory_space<vmem>>
    %dma_start3A_52 = arith.constant 0 : i32
    %dma_start3A_53 = arith.constant 0 : i32
    %dma_start3A_54 = tpu.memref_slice %arg3[%dma_start3A_52, %dma_start3A_53] : memref<8192x128xf32, #tpu.memory_space<hbm>> -> memref<8192x128xf32, #tpu.memory_space<hbm>>
    tpu.enqueue_indirect_dma source(%dma_start3A_54 : memref<8192x128xf32, #tpu.memory_space<hbm>>) target(%dma_start3A_48 : memref<128x128xf32, #tpu.memory_space<vmem>>) offsets(%dma_start3A_51 : memref<128xi32, #tpu.memory_space<vmem>>) semaphore(%arg11 : memref<!tpu.dma_semaphore, #tpu.memory_space<semaphore_mem>>)
    %add3A_55 = arith.constant 0 : i32
    %add3A_56 = arith.addi %mul3A_2, %add3A_55 : i32
    %dma_wait3A = arith.constant 0 : i32
    %dma_wait3A_57 = arith.constant 0 : i32
    %dma_wait3A_58 = arith.constant 0 : i32
    %dma_wait3A_59 = arith.constant 0 : i32
    %dma_wait3A_60 = tpu.memref_slice %arg8[%dma_wait3A_57, %dma_wait3A_58, %dma_wait3A_59] : memref<2x128x256xf32, #tpu.memory_space<vmem>> -> memref<1x128x256xf32, #tpu.memory_space<vmem>>
    %dma_wait3A_61 = tpu.memref_squeeze %dma_wait3A_60 : memref<1x128x256xf32, #tpu.memory_space<vmem>> -> memref<128x256xf32, #tpu.memory_space<vmem>>
    %dma_wait3A_62 = arith.constant 0 : i32
    %dma_wait3A_63 = tpu.memref_slice %arg7[%dma_wait3A, %dma_wait3A_62] : memref<2x128xi32, #tpu.memory_space<vmem>> -> memref<1x128xi32, #tpu.memory_space<vmem>>
    %dma_wait3A_64 = tpu.memref_squeeze %dma_wait3A_63 : memref<1x128xi32, #tpu.memory_space<vmem>> -> memref<128xi32, #tpu.memory_space<vmem>>
    %dma_wait3A_65 = arith.constant 0 : i32
    %dma_wait3A_66 = arith.constant 0 : i32
    %dma_wait3A_67 = tpu.memref_slice %arg2[%dma_wait3A_65, %dma_wait3A_66] : memref<8192x256xf32, #tpu.memory_space<hbm>> -> memref<8192x256xf32, #tpu.memory_space<hbm>>
    tpu.wait_indirect_dma semaphore(%arg10 : memref<!tpu.dma_semaphore, #tpu.memory_space<semaphore_mem>>) src(%dma_wait3A_67 : memref<8192x256xf32, #tpu.memory_space<hbm>>) dst(%dma_wait3A_61 : memref<128x256xf32, #tpu.memory_space<vmem>>)
    %dma_wait3A_68 = arith.constant 0 : i32
    %dma_wait3A_69 = arith.constant 0 : i32
    %dma_wait3A_70 = arith.constant 0 : i32
    %dma_wait3A_71 = arith.constant 0 : i32
    %dma_wait3A_72 = tpu.memref_slice %arg9[%dma_wait3A_69, %dma_wait3A_70, %dma_wait3A_71] : memref<2x128x128xf32, #tpu.memory_space<vmem>> -> memref<1x128x128xf32, #tpu.memory_space<vmem>>
    %dma_wait3A_73 = tpu.memref_squeeze %dma_wait3A_72 : memref<1x128x128xf32, #tpu.memory_space<vmem>> -> memref<128x128xf32, #tpu.memory_space<vmem>>
    %dma_wait3A_74 = arith.constant 0 : i32
    %dma_wait3A_75 = tpu.memref_slice %arg7[%dma_wait3A_68, %dma_wait3A_74] : memref<2x128xi32, #tpu.memory_space<vmem>> -> memref<1x128xi32, #tpu.memory_space<vmem>>
    %dma_wait3A_76 = tpu.memref_squeeze %dma_wait3A_75 : memref<1x128xi32, #tpu.memory_space<vmem>> -> memref<128xi32, #tpu.memory_space<vmem>>
    %dma_wait3A_77 = arith.constant 0 : i32
    %dma_wait3A_78 = arith.constant 0 : i32
    %dma_wait3A_79 = tpu.memref_slice %arg3[%dma_wait3A_77, %dma_wait3A_78] : memref<8192x128xf32, #tpu.memory_space<hbm>> -> memref<8192x128xf32, #tpu.memory_space<hbm>>
    tpu.wait_indirect_dma semaphore(%arg10 : memref<!tpu.dma_semaphore, #tpu.memory_space<semaphore_mem>>) src(%dma_wait3A_79 : memref<8192x128xf32, #tpu.memory_space<hbm>>) dst(%dma_wait3A_73 : memref<128x128xf32, #tpu.memory_space<vmem>>)
    %run_scoped3A_80 = arith.constant 0 : i32
    "tpu.region"() ({
      %run_scoped3A_330 = tpu.sem_alloc : memref<!tpu.dma_semaphore, #tpu.memory_space<semaphore_mem>>
      %dma_start3A_331 = arith.constant 0 : i32
      %dma_start3A_332 = arith.constant 0 : i32
      %dma_start3A_333 = tpu.memref_slice %arg8[%run_scoped3A_80, %dma_start3A_331, %dma_start3A_332] : memref<2x128x256xf32, #tpu.memory_space<vmem>> -> memref<1x128x256xf32, #tpu.memory_space<vmem>>
      %dma_start3A_334 = tpu.memref_squeeze %dma_start3A_333 : memref<1x128x256xf32, #tpu.memory_space<vmem>> -> memref<128x256xf32, #tpu.memory_space<vmem>>
      %dma_start3A_335 = arith.constant 0 : i32
      %dma_start3A_336 = tpu.memref_slice %arg5[%add3A_56, %dma_start3A_335] : memref<24576x256xf32, #tpu.memory_space<hbm>> -> memref<128x256xf32, #tpu.memory_space<hbm>>
      %dma_start3A_337 = arith.constant 0 : i32
      %dma_start3A_338 = tpu.memref_slice %arg5[%add3A_56, %dma_start3A_337] : memref<24576x256xf32, #tpu.memory_space<hbm>> -> memref<128x256xf32, #tpu.memory_space<hbm>>
      %dma_start3A_339 = arith.constant 0 : i32
      %dma_start3A_340 = arith.constant 0 : i32
      %dma_start3A_341 = tpu.memref_slice %arg8[%run_scoped3A_80, %dma_start3A_339, %dma_start3A_340] : memref<2x128x256xf32, #tpu.memory_space<vmem>> -> memref<1x128x256xf32, #tpu.memory_space<vmem>>
      %dma_start3A_342 = tpu.memref_squeeze %dma_start3A_341 : memref<1x128x256xf32, #tpu.memory_space<vmem>> -> memref<128x256xf32, #tpu.memory_space<vmem>>
      tpu.enqueue_dma source(%dma_start3A_342 : memref<128x256xf32, #tpu.memory_space<vmem>>) target(%dma_start3A_338 : memref<128x256xf32, #tpu.memory_space<hbm>>) target_semaphore(%run_scoped3A_330 : memref<!tpu.dma_semaphore, #tpu.memory_space<semaphore_mem>>)
      %dma_wait3A_343 = arith.constant 0 : i32
      %dma_wait3A_344 = arith.constant 0 : i32
      %dma_wait3A_345 = tpu.memref_slice %arg8[%run_scoped3A_80, %dma_wait3A_343, %dma_wait3A_344] : memref<2x128x256xf32, #tpu.memory_space<vmem>> -> memref<1x128x256xf32, #tpu.memory_space<vmem>>
      %dma_wait3A_346 = tpu.memref_squeeze %dma_wait3A_345 : memref<1x128x256xf32, #tpu.memory_space<vmem>> -> memref<128x256xf32, #tpu.memory_space<vmem>>
      %dma_wait3A_347 = arith.constant 0 : i32
      %dma_wait3A_348 = tpu.memref_slice %arg5[%add3A_56, %dma_wait3A_347] : memref<24576x256xf32, #tpu.memory_space<hbm>> -> memref<128x256xf32, #tpu.memory_space<hbm>>
      %dma_wait3A_349 = arith.constant 0 : i32
      %dma_wait3A_350 = tpu.memref_slice %arg5[%add3A_56, %dma_wait3A_349] : memref<24576x256xf32, #tpu.memory_space<hbm>> -> memref<128x256xf32, #tpu.memory_space<hbm>>
      %dma_wait3A_351 = arith.constant 0 : i32
      %dma_wait3A_352 = arith.constant 0 : i32
      %dma_wait3A_353 = tpu.memref_slice %arg8[%run_scoped3A_80, %dma_wait3A_351, %dma_wait3A_352] : memref<2x128x256xf32, #tpu.memory_space<vmem>> -> memref<1x128x256xf32, #tpu.memory_space<vmem>>
      %dma_wait3A_354 = tpu.memref_squeeze %dma_wait3A_353 : memref<1x128x256xf32, #tpu.memory_space<vmem>> -> memref<128x256xf32, #tpu.memory_space<vmem>>
      tpu.wait_dma2 semaphore(%run_scoped3A_330 : memref<!tpu.dma_semaphore, #tpu.memory_space<semaphore_mem>>) src(%dma_wait3A_354 : memref<128x256xf32, #tpu.memory_space<vmem>>) dst(%dma_wait3A_350 : memref<128x256xf32, #tpu.memory_space<hbm>>)
      tpu.yield
    }) : () -> ()
    %run_scoped3A_81 = arith.constant 0 : i32
    "tpu.region"() ({
      %run_scoped3A_330 = tpu.sem_alloc : memref<!tpu.dma_semaphore, #tpu.memory_space<semaphore_mem>>
      %dma_start3A_331 = arith.constant 0 : i32
      %dma_start3A_332 = arith.constant 0 : i32
      %dma_start3A_333 = tpu.memref_slice %arg9[%run_scoped3A_81, %dma_start3A_331, %dma_start3A_332] : memref<2x128x128xf32, #tpu.memory_space<vmem>> -> memref<1x128x128xf32, #tpu.memory_space<vmem>>
      %dma_start3A_334 = tpu.memref_squeeze %dma_start3A_333 : memref<1x128x128xf32, #tpu.memory_space<vmem>> -> memref<128x128xf32, #tpu.memory_space<vmem>>
      %dma_start3A_335 = arith.constant 0 : i32
      %dma_start3A_336 = tpu.memref_slice %arg6[%add3A_56, %dma_start3A_335] : memref<24576x128xf32, #tpu.memory_space<hbm>> -> memref<128x128xf32, #tpu.memory_space<hbm>>
      %dma_start3A_337 = arith.constant 0 : i32
      %dma_start3A_338 = tpu.memref_slice %arg6[%add3A_56, %dma_start3A_337] : memref<24576x128xf32, #tpu.memory_space<hbm>> -> memref<128x128xf32, #tpu.memory_space<hbm>>
      %dma_start3A_339 = arith.constant 0 : i32
      %dma_start3A_340 = arith.constant 0 : i32
      %dma_start3A_341 = tpu.memref_slice %arg9[%run_scoped3A_81, %dma_start3A_339, %dma_start3A_340] : memref<2x128x128xf32, #tpu.memory_space<vmem>> -> memref<1x128x128xf32, #tpu.memory_space<vmem>>
      %dma_start3A_342 = tpu.memref_squeeze %dma_start3A_341 : memref<1x128x128xf32, #tpu.memory_space<vmem>> -> memref<128x128xf32, #tpu.memory_space<vmem>>
      tpu.enqueue_dma source(%dma_start3A_342 : memref<128x128xf32, #tpu.memory_space<vmem>>) target(%dma_start3A_338 : memref<128x128xf32, #tpu.memory_space<hbm>>) target_semaphore(%run_scoped3A_330 : memref<!tpu.dma_semaphore, #tpu.memory_space<semaphore_mem>>)
      %dma_wait3A_343 = arith.constant 0 : i32
      %dma_wait3A_344 = arith.constant 0 : i32
      %dma_wait3A_345 = tpu.memref_slice %arg9[%run_scoped3A_81, %dma_wait3A_343, %dma_wait3A_344] : memref<2x128x128xf32, #tpu.memory_space<vmem>> -> memref<1x128x128xf32, #tpu.memory_space<vmem>>
      %dma_wait3A_346 = tpu.memref_squeeze %dma_wait3A_345 : memref<1x128x128xf32, #tpu.memory_space<vmem>> -> memref<128x128xf32, #tpu.memory_space<vmem>>
      %dma_wait3A_347 = arith.constant 0 : i32
      %dma_wait3A_348 = tpu.memref_slice %arg6[%add3A_56, %dma_wait3A_347] : memref<24576x128xf32, #tpu.memory_space<hbm>> -> memref<128x128xf32, #tpu.memory_space<hbm>>
      %dma_wait3A_349 = arith.constant 0 : i32
      %dma_wait3A_350 = tpu.memref_slice %arg6[%add3A_56, %dma_wait3A_349] : memref<24576x128xf32, #tpu.memory_space<hbm>> -> memref<128x128xf32, #tpu.memory_space<hbm>>
      %dma_wait3A_351 = arith.constant 0 : i32
      %dma_wait3A_352 = arith.constant 0 : i32
      %dma_wait3A_353 = tpu.memref_slice %arg9[%run_scoped3A_81, %dma_wait3A_351, %dma_wait3A_352] : memref<2x128x128xf32, #tpu.memory_space<vmem>> -> memref<1x128x128xf32, #tpu.memory_space<vmem>>
      %dma_wait3A_354 = tpu.memref_squeeze %dma_wait3A_353 : memref<1x128x128xf32, #tpu.memory_space<vmem>> -> memref<128x128xf32, #tpu.memory_space<vmem>>
      tpu.wait_dma2 semaphore(%run_scoped3A_330 : memref<!tpu.dma_semaphore, #tpu.memory_space<semaphore_mem>>) src(%dma_wait3A_354 : memref<128x128xf32, #tpu.memory_space<vmem>>) dst(%dma_wait3A_350 : memref<128x128xf32, #tpu.memory_space<hbm>>)
      tpu.yield
    }) : () -> ()
    %add3A_82 = arith.constant 256 : i32
    %add3A_83 = arith.addi %mul3A_2, %add3A_82 : i32
    %run_scoped3A_84 = arith.constant 0 : i32
    "tpu.region"() ({
      %run_scoped3A_330 = tpu.sem_alloc : memref<!tpu.dma_semaphore, #tpu.memory_space<semaphore_mem>>
      %dma_start3A_331 = arith.constant 0 : i32
      %dma_start3A_332 = tpu.memref_slice %arg7[%run_scoped3A_84, %dma_start3A_331] : memref<2x128xi32, #tpu.memory_space<vmem>> -> memref<1x128xi32, #tpu.memory_space<vmem>>
      %dma_start3A_333 = tpu.memref_squeeze %dma_start3A_332 : memref<1x128xi32, #tpu.memory_space<vmem>> -> memref<128xi32, #tpu.memory_space<vmem>>
      %dma_start3A_334 = tpu.memref_slice %arg4[%add3A_83] : memref<24576xi32, #tpu.memory_space<hbm>> -> memref<128xi32, #tpu.memory_space<hbm>>
      %dma_start3A_335 = arith.constant 0 : i32
      %dma_start3A_336 = tpu.memref_slice %arg7[%run_scoped3A_84, %dma_start3A_335] : memref<2x128xi32, #tpu.memory_space<vmem>> -> memref<1x128xi32, #tpu.memory_space<vmem>>
      %dma_start3A_337 = tpu.memref_squeeze %dma_start3A_336 : memref<1x128xi32, #tpu.memory_space<vmem>> -> memref<128xi32, #tpu.memory_space<vmem>>
      %dma_start3A_338 = tpu.memref_slice %arg4[%add3A_83] : memref<24576xi32, #tpu.memory_space<hbm>> -> memref<128xi32, #tpu.memory_space<hbm>>
      tpu.enqueue_dma source(%dma_start3A_338 : memref<128xi32, #tpu.memory_space<hbm>>) target(%dma_start3A_337 : memref<128xi32, #tpu.memory_space<vmem>>) target_semaphore(%run_scoped3A_330 : memref<!tpu.dma_semaphore, #tpu.memory_space<semaphore_mem>>)
      %dma_wait3A_339 = arith.constant 0 : i32
      %dma_wait3A_340 = tpu.memref_slice %arg7[%run_scoped3A_84, %dma_wait3A_339] : memref<2x128xi32, #tpu.memory_space<vmem>> -> memref<1x128xi32, #tpu.memory_space<vmem>>
      %dma_wait3A_341 = tpu.memref_squeeze %dma_wait3A_340 : memref<1x128xi32, #tpu.memory_space<vmem>> -> memref<128xi32, #tpu.memory_space<vmem>>
      %dma_wait3A_342 = tpu.memref_slice %arg4[%add3A_83] : memref<24576xi32, #tpu.memory_space<hbm>> -> memref<128xi32, #tpu.memory_space<hbm>>
      %dma_wait3A_343 = arith.constant 0 : i32
      %dma_wait3A_344 = tpu.memref_slice %arg7[%run_scoped3A_84, %dma_wait3A_343] : memref<2x128xi32, #tpu.memory_space<vmem>> -> memref<1x128xi32, #tpu.memory_space<vmem>>
      %dma_wait3A_345 = tpu.memref_squeeze %dma_wait3A_344 : memref<1x128xi32, #tpu.memory_space<vmem>> -> memref<128xi32, #tpu.memory_space<vmem>>
      %dma_wait3A_346 = tpu.memref_slice %arg4[%add3A_83] : memref<24576xi32, #tpu.memory_space<hbm>> -> memref<128xi32, #tpu.memory_space<hbm>>
      tpu.wait_dma2 semaphore(%run_scoped3A_330 : memref<!tpu.dma_semaphore, #tpu.memory_space<semaphore_mem>>) src(%dma_wait3A_346 : memref<128xi32, #tpu.memory_space<hbm>>) dst(%dma_wait3A_345 : memref<128xi32, #tpu.memory_space<vmem>>)
      tpu.yield
    }) : () -> ()
    %dma_start3A_85 = arith.constant 0 : i32
    %dma_start3A_86 = arith.constant 0 : i32
    %dma_start3A_87 = arith.constant 0 : i32
    %dma_start3A_88 = arith.constant 0 : i32
    %dma_start3A_89 = tpu.memref_slice %arg8[%dma_start3A_86, %dma_start3A_87, %dma_start3A_88] : memref<2x128x256xf32, #tpu.memory_space<vmem>> -> memref<1x128x256xf32, #tpu.memory_space<vmem>>
    %dma_start3A_90 = tpu.memref_squeeze %dma_start3A_89 : memref<1x128x256xf32, #tpu.memory_space<vmem>> -> memref<128x256xf32, #tpu.memory_space<vmem>>
    %dma_start3A_91 = arith.constant 0 : i32
    %dma_start3A_92 = tpu.memref_slice %arg7[%dma_start3A_85, %dma_start3A_91] : memref<2x128xi32, #tpu.memory_space<vmem>> -> memref<1x128xi32, #tpu.memory_space<vmem>>
    %dma_start3A_93 = tpu.memref_squeeze %dma_start3A_92 : memref<1x128xi32, #tpu.memory_space<vmem>> -> memref<128xi32, #tpu.memory_space<vmem>>
    %dma_start3A_94 = arith.constant 0 : i32
    %dma_start3A_95 = arith.constant 0 : i32
    %dma_start3A_96 = tpu.memref_slice %arg2[%dma_start3A_94, %dma_start3A_95] : memref<8192x256xf32, #tpu.memory_space<hbm>> -> memref<8192x256xf32, #tpu.memory_space<hbm>>
    tpu.enqueue_indirect_dma source(%dma_start3A_96 : memref<8192x256xf32, #tpu.memory_space<hbm>>) target(%dma_start3A_90 : memref<128x256xf32, #tpu.memory_space<vmem>>) offsets(%dma_start3A_93 : memref<128xi32, #tpu.memory_space<vmem>>) semaphore(%arg10 : memref<!tpu.dma_semaphore, #tpu.memory_space<semaphore_mem>>)
    %dma_start3A_97 = arith.constant 0 : i32
    %dma_start3A_98 = arith.constant 0 : i32
    %dma_start3A_99 = arith.constant 0 : i32
    %dma_start3A_100 = arith.constant 0 : i32
    %dma_start3A_101 = tpu.memref_slice %arg9[%dma_start3A_98, %dma_start3A_99, %dma_start3A_100] : memref<2x128x128xf32, #tpu.memory_space<vmem>> -> memref<1x128x128xf32, #tpu.memory_space<vmem>>
    %dma_start3A_102 = tpu.memref_squeeze %dma_start3A_101 : memref<1x128x128xf32, #tpu.memory_space<vmem>> -> memref<128x128xf32, #tpu.memory_space<vmem>>
    %dma_start3A_103 = arith.constant 0 : i32
    %dma_start3A_104 = tpu.memref_slice %arg7[%dma_start3A_97, %dma_start3A_103] : memref<2x128xi32, #tpu.memory_space<vmem>> -> memref<1x128xi32, #tpu.memory_space<vmem>>
    %dma_start3A_105 = tpu.memref_squeeze %dma_start3A_104 : memref<1x128xi32, #tpu.memory_space<vmem>> -> memref<128xi32, #tpu.memory_space<vmem>>
    %dma_start3A_106 = arith.constant 0 : i32
    %dma_start3A_107 = arith.constant 0 : i32
    %dma_start3A_108 = tpu.memref_slice %arg3[%dma_start3A_106, %dma_start3A_107] : memref<8192x128xf32, #tpu.memory_space<hbm>> -> memref<8192x128xf32, #tpu.memory_space<hbm>>
    tpu.enqueue_indirect_dma source(%dma_start3A_108 : memref<8192x128xf32, #tpu.memory_space<hbm>>) target(%dma_start3A_102 : memref<128x128xf32, #tpu.memory_space<vmem>>) offsets(%dma_start3A_105 : memref<128xi32, #tpu.memory_space<vmem>>) semaphore(%arg10 : memref<!tpu.dma_semaphore, #tpu.memory_space<semaphore_mem>>)
    %add3A_109 = arith.constant 128 : i32
    %add3A_110 = arith.addi %mul3A_2, %add3A_109 : i32
    %dma_wait3A_111 = arith.constant 1 : i32
    %dma_wait3A_112 = arith.constant 1 : i32
    %dma_wait3A_113 = arith.constant 0 : i32
    %dma_wait3A_114 = arith.constant 0 : i32
    %dma_wait3A_115 = tpu.memref_slice %arg8[%dma_wait3A_112, %dma_wait3A_113, %dma_wait3A_114] : memref<2x128x256xf32, #tpu.memory_space<vmem>> -> memref<1x128x256xf32, #tpu.memory_space<vmem>>
    %dma_wait3A_116 = tpu.memref_squeeze %dma_wait3A_115 : memref<1x128x256xf32, #tpu.memory_space<vmem>> -> memref<128x256xf32, #tpu.memory_space<vmem>>
    %dma_wait3A_117 = arith.constant 0 : i32
    %dma_wait3A_118 = tpu.memref_slice %arg7[%dma_wait3A_111, %dma_wait3A_117] : memref<2x128xi32, #tpu.memory_space<vmem>> -> memref<1x128xi32, #tpu.memory_space<vmem>>
    %dma_wait3A_119 = tpu.memref_squeeze %dma_wait3A_118 : memref<1x128xi32, #tpu.memory_space<vmem>> -> memref<128xi32, #tpu.memory_space<vmem>>
    %dma_wait3A_120 = arith.constant 0 : i32
    %dma_wait3A_121 = arith.constant 0 : i32
    %dma_wait3A_122 = tpu.memref_slice %arg2[%dma_wait3A_120, %dma_wait3A_121] : memref<8192x256xf32, #tpu.memory_space<hbm>> -> memref<8192x256xf32, #tpu.memory_space<hbm>>
    tpu.wait_indirect_dma semaphore(%arg11 : memref<!tpu.dma_semaphore, #tpu.memory_space<semaphore_mem>>) src(%dma_wait3A_122 : memref<8192x256xf32, #tpu.memory_space<hbm>>) dst(%dma_wait3A_116 : memref<128x256xf32, #tpu.memory_space<vmem>>)
    %dma_wait3A_123 = arith.constant 1 : i32
    %dma_wait3A_124 = arith.constant 1 : i32
    %dma_wait3A_125 = arith.constant 0 : i32
    %dma_wait3A_126 = arith.constant 0 : i32
    %dma_wait3A_127 = tpu.memref_slice %arg9[%dma_wait3A_124, %dma_wait3A_125, %dma_wait3A_126] : memref<2x128x128xf32, #tpu.memory_space<vmem>> -> memref<1x128x128xf32, #tpu.memory_space<vmem>>
    %dma_wait3A_128 = tpu.memref_squeeze %dma_wait3A_127 : memref<1x128x128xf32, #tpu.memory_space<vmem>> -> memref<128x128xf32, #tpu.memory_space<vmem>>
    %dma_wait3A_129 = arith.constant 0 : i32
    %dma_wait3A_130 = tpu.memref_slice %arg7[%dma_wait3A_123, %dma_wait3A_129] : memref<2x128xi32, #tpu.memory_space<vmem>> -> memref<1x128xi32, #tpu.memory_space<vmem>>
    %dma_wait3A_131 = tpu.memref_squeeze %dma_wait3A_130 : memref<1x128xi32, #tpu.memory_space<vmem>> -> memref<128xi32, #tpu.memory_space<vmem>>
    %dma_wait3A_132 = arith.constant 0 : i32
    %dma_wait3A_133 = arith.constant 0 : i32
    %dma_wait3A_134 = tpu.memref_slice %arg3[%dma_wait3A_132, %dma_wait3A_133] : memref<8192x128xf32, #tpu.memory_space<hbm>> -> memref<8192x128xf32, #tpu.memory_space<hbm>>
    tpu.wait_indirect_dma semaphore(%arg11 : memref<!tpu.dma_semaphore, #tpu.memory_space<semaphore_mem>>) src(%dma_wait3A_134 : memref<8192x128xf32, #tpu.memory_space<hbm>>) dst(%dma_wait3A_128 : memref<128x128xf32, #tpu.memory_space<vmem>>)
    %run_scoped3A_135 = arith.constant 1 : i32
    "tpu.region"() ({
      %run_scoped3A_330 = tpu.sem_alloc : memref<!tpu.dma_semaphore, #tpu.memory_space<semaphore_mem>>
      %dma_start3A_331 = arith.constant 0 : i32
      %dma_start3A_332 = arith.constant 0 : i32
      %dma_start3A_333 = tpu.memref_slice %arg8[%run_scoped3A_135, %dma_start3A_331, %dma_start3A_332] : memref<2x128x256xf32, #tpu.memory_space<vmem>> -> memref<1x128x256xf32, #tpu.memory_space<vmem>>
      %dma_start3A_334 = tpu.memref_squeeze %dma_start3A_333 : memref<1x128x256xf32, #tpu.memory_space<vmem>> -> memref<128x256xf32, #tpu.memory_space<vmem>>
      %dma_start3A_335 = arith.constant 0 : i32
      %dma_start3A_336 = tpu.memref_slice %arg5[%add3A_110, %dma_start3A_335] : memref<24576x256xf32, #tpu.memory_space<hbm>> -> memref<128x256xf32, #tpu.memory_space<hbm>>
      %dma_start3A_337 = arith.constant 0 : i32
      %dma_start3A_338 = tpu.memref_slice %arg5[%add3A_110, %dma_start3A_337] : memref<24576x256xf32, #tpu.memory_space<hbm>> -> memref<128x256xf32, #tpu.memory_space<hbm>>
      %dma_start3A_339 = arith.constant 0 : i32
      %dma_start3A_340 = arith.constant 0 : i32
      %dma_start3A_341 = tpu.memref_slice %arg8[%run_scoped3A_135, %dma_start3A_339, %dma_start3A_340] : memref<2x128x256xf32, #tpu.memory_space<vmem>> -> memref<1x128x256xf32, #tpu.memory_space<vmem>>
      %dma_start3A_342 = tpu.memref_squeeze %dma_start3A_341 : memref<1x128x256xf32, #tpu.memory_space<vmem>> -> memref<128x256xf32, #tpu.memory_space<vmem>>
      tpu.enqueue_dma source(%dma_start3A_342 : memref<128x256xf32, #tpu.memory_space<vmem>>) target(%dma_start3A_338 : memref<128x256xf32, #tpu.memory_space<hbm>>) target_semaphore(%run_scoped3A_330 : memref<!tpu.dma_semaphore, #tpu.memory_space<semaphore_mem>>)
      %dma_wait3A_343 = arith.constant 0 : i32
      %dma_wait3A_344 = arith.constant 0 : i32
      %dma_wait3A_345 = tpu.memref_slice %arg8[%run_scoped3A_135, %dma_wait3A_343, %dma_wait3A_344] : memref<2x128x256xf32, #tpu.memory_space<vmem>> -> memref<1x128x256xf32, #tpu.memory_space<vmem>>
      %dma_wait3A_346 = tpu.memref_squeeze %dma_wait3A_345 : memref<1x128x256xf32, #tpu.memory_space<vmem>> -> memref<128x256xf32, #tpu.memory_space<vmem>>
      %dma_wait3A_347 = arith.constant 0 : i32
      %dma_wait3A_348 = tpu.memref_slice %arg5[%add3A_110, %dma_wait3A_347] : memref<24576x256xf32, #tpu.memory_space<hbm>> -> memref<128x256xf32, #tpu.memory_space<hbm>>
      %dma_wait3A_349 = arith.constant 0 : i32
      %dma_wait3A_350 = tpu.memref_slice %arg5[%add3A_110, %dma_wait3A_349] : memref<24576x256xf32, #tpu.memory_space<hbm>> -> memref<128x256xf32, #tpu.memory_space<hbm>>
      %dma_wait3A_351 = arith.constant 0 : i32
      %dma_wait3A_352 = arith.constant 0 : i32
      %dma_wait3A_353 = tpu.memref_slice %arg8[%run_scoped3A_135, %dma_wait3A_351, %dma_wait3A_352] : memref<2x128x256xf32, #tpu.memory_space<vmem>> -> memref<1x128x256xf32, #tpu.memory_space<vmem>>
      %dma_wait3A_354 = tpu.memref_squeeze %dma_wait3A_353 : memref<1x128x256xf32, #tpu.memory_space<vmem>> -> memref<128x256xf32, #tpu.memory_space<vmem>>
      tpu.wait_dma2 semaphore(%run_scoped3A_330 : memref<!tpu.dma_semaphore, #tpu.memory_space<semaphore_mem>>) src(%dma_wait3A_354 : memref<128x256xf32, #tpu.memory_space<vmem>>) dst(%dma_wait3A_350 : memref<128x256xf32, #tpu.memory_space<hbm>>)
      tpu.yield
    }) : () -> ()
    %run_scoped3A_136 = arith.constant 1 : i32
    "tpu.region"() ({
      %run_scoped3A_330 = tpu.sem_alloc : memref<!tpu.dma_semaphore, #tpu.memory_space<semaphore_mem>>
      %dma_start3A_331 = arith.constant 0 : i32
      %dma_start3A_332 = arith.constant 0 : i32
      %dma_start3A_333 = tpu.memref_slice %arg9[%run_scoped3A_136, %dma_start3A_331, %dma_start3A_332] : memref<2x128x128xf32, #tpu.memory_space<vmem>> -> memref<1x128x128xf32, #tpu.memory_space<vmem>>
      %dma_start3A_334 = tpu.memref_squeeze %dma_start3A_333 : memref<1x128x128xf32, #tpu.memory_space<vmem>> -> memref<128x128xf32, #tpu.memory_space<vmem>>
      %dma_start3A_335 = arith.constant 0 : i32
      %dma_start3A_336 = tpu.memref_slice %arg6[%add3A_110, %dma_start3A_335] : memref<24576x128xf32, #tpu.memory_space<hbm>> -> memref<128x128xf32, #tpu.memory_space<hbm>>
      %dma_start3A_337 = arith.constant 0 : i32
      %dma_start3A_338 = tpu.memref_slice %arg6[%add3A_110, %dma_start3A_337] : memref<24576x128xf32, #tpu.memory_space<hbm>> -> memref<128x128xf32, #tpu.memory_space<hbm>>
      %dma_start3A_339 = arith.constant 0 : i32
      %dma_start3A_340 = arith.constant 0 : i32
      %dma_start3A_341 = tpu.memref_slice %arg9[%run_scoped3A_136, %dma_start3A_339, %dma_start3A_340] : memref<2x128x128xf32, #tpu.memory_space<vmem>> -> memref<1x128x128xf32, #tpu.memory_space<vmem>>
      %dma_start3A_342 = tpu.memref_squeeze %dma_start3A_341 : memref<1x128x128xf32, #tpu.memory_space<vmem>> -> memref<128x128xf32, #tpu.memory_space<vmem>>
      tpu.enqueue_dma source(%dma_start3A_342 : memref<128x128xf32, #tpu.memory_space<vmem>>) target(%dma_start3A_338 : memref<128x128xf32, #tpu.memory_space<hbm>>) target_semaphore(%run_scoped3A_330 : memref<!tpu.dma_semaphore, #tpu.memory_space<semaphore_mem>>)
      %dma_wait3A_343 = arith.constant 0 : i32
      %dma_wait3A_344 = arith.constant 0 : i32
      %dma_wait3A_345 = tpu.memref_slice %arg9[%run_scoped3A_136, %dma_wait3A_343, %dma_wait3A_344] : memref<2x128x128xf32, #tpu.memory_space<vmem>> -> memref<1x128x128xf32, #tpu.memory_space<vmem>>
      %dma_wait3A_346 = tpu.memref_squeeze %dma_wait3A_345 : memref<1x128x128xf32, #tpu.memory_space<vmem>> -> memref<128x128xf32, #tpu.memory_space<vmem>>
      %dma_wait3A_347 = arith.constant 0 : i32
      %dma_wait3A_348 = tpu.memref_slice %arg6[%add3A_110, %dma_wait3A_347] : memref<24576x128xf32, #tpu.memory_space<hbm>> -> memref<128x128xf32, #tpu.memory_space<hbm>>
      %dma_wait3A_349 = arith.constant 0 : i32
      %dma_wait3A_350 = tpu.memref_slice %arg6[%add3A_110, %dma_wait3A_349] : memref<24576x128xf32, #tpu.memory_space<hbm>> -> memref<128x128xf32, #tpu.memory_space<hbm>>
      %dma_wait3A_351 = arith.constant 0 : i32
      %dma_wait3A_352 = arith.constant 0 : i32
      %dma_wait3A_353 = tpu.memref_slice %arg9[%run_scoped3A_136, %dma_wait3A_351, %dma_wait3A_352] : memref<2x128x128xf32, #tpu.memory_space<vmem>> -> memref<1x128x128xf32, #tpu.memory_space<vmem>>
      %dma_wait3A_354 = tpu.memref_squeeze %dma_wait3A_353 : memref<1x128x128xf32, #tpu.memory_space<vmem>> -> memref<128x128xf32, #tpu.memory_space<vmem>>
      tpu.wait_dma2 semaphore(%run_scoped3A_330 : memref<!tpu.dma_semaphore, #tpu.memory_space<semaphore_mem>>) src(%dma_wait3A_354 : memref<128x128xf32, #tpu.memory_space<vmem>>) dst(%dma_wait3A_350 : memref<128x128xf32, #tpu.memory_space<hbm>>)
      tpu.yield
    }) : () -> ()
    %add3A_137 = arith.constant 384 : i32
    %add3A_138 = arith.addi %mul3A_2, %add3A_137 : i32
    %run_scoped3A_139 = arith.constant 1 : i32
    "tpu.region"() ({
      %run_scoped3A_330 = tpu.sem_alloc : memref<!tpu.dma_semaphore, #tpu.memory_space<semaphore_mem>>
      %dma_start3A_331 = arith.constant 0 : i32
      %dma_start3A_332 = tpu.memref_slice %arg7[%run_scoped3A_139, %dma_start3A_331] : memref<2x128xi32, #tpu.memory_space<vmem>> -> memref<1x128xi32, #tpu.memory_space<vmem>>
      %dma_start3A_333 = tpu.memref_squeeze %dma_start3A_332 : memref<1x128xi32, #tpu.memory_space<vmem>> -> memref<128xi32, #tpu.memory_space<vmem>>
      %dma_start3A_334 = tpu.memref_slice %arg4[%add3A_138] : memref<24576xi32, #tpu.memory_space<hbm>> -> memref<128xi32, #tpu.memory_space<hbm>>
      %dma_start3A_335 = arith.constant 0 : i32
      %dma_start3A_336 = tpu.memref_slice %arg7[%run_scoped3A_139, %dma_start3A_335] : memref<2x128xi32, #tpu.memory_space<vmem>> -> memref<1x128xi32, #tpu.memory_space<vmem>>
      %dma_start3A_337 = tpu.memref_squeeze %dma_start3A_336 : memref<1x128xi32, #tpu.memory_space<vmem>> -> memref<128xi32, #tpu.memory_space<vmem>>
      %dma_start3A_338 = tpu.memref_slice %arg4[%add3A_138] : memref<24576xi32, #tpu.memory_space<hbm>> -> memref<128xi32, #tpu.memory_space<hbm>>
      tpu.enqueue_dma source(%dma_start3A_338 : memref<128xi32, #tpu.memory_space<hbm>>) target(%dma_start3A_337 : memref<128xi32, #tpu.memory_space<vmem>>) target_semaphore(%run_scoped3A_330 : memref<!tpu.dma_semaphore, #tpu.memory_space<semaphore_mem>>)
      %dma_wait3A_339 = arith.constant 0 : i32
      %dma_wait3A_340 = tpu.memref_slice %arg7[%run_scoped3A_139, %dma_wait3A_339] : memref<2x128xi32, #tpu.memory_space<vmem>> -> memref<1x128xi32, #tpu.memory_space<vmem>>
      %dma_wait3A_341 = tpu.memref_squeeze %dma_wait3A_340 : memref<1x128xi32, #tpu.memory_space<vmem>> -> memref<128xi32, #tpu.memory_space<vmem>>
      %dma_wait3A_342 = tpu.memref_slice %arg4[%add3A_138] : memref<24576xi32, #tpu.memory_space<hbm>> -> memref<128xi32, #tpu.memory_space<hbm>>
      %dma_wait3A_343 = arith.constant 0 : i32
      %dma_wait3A_344 = tpu.memref_slice %arg7[%run_scoped3A_139, %dma_wait3A_343] : memref<2x128xi32, #tpu.memory_space<vmem>> -> memref<1x128xi32, #tpu.memory_space<vmem>>
      %dma_wait3A_345 = tpu.memref_squeeze %dma_wait3A_344 : memref<1x128xi32, #tpu.memory_space<vmem>> -> memref<128xi32, #tpu.memory_space<vmem>>
      %dma_wait3A_346 = tpu.memref_slice %arg4[%add3A_138] : memref<24576xi32, #tpu.memory_space<hbm>> -> memref<128xi32, #tpu.memory_space<hbm>>
      tpu.wait_dma2 semaphore(%run_scoped3A_330 : memref<!tpu.dma_semaphore, #tpu.memory_space<semaphore_mem>>) src(%dma_wait3A_346 : memref<128xi32, #tpu.memory_space<hbm>>) dst(%dma_wait3A_345 : memref<128xi32, #tpu.memory_space<vmem>>)
      tpu.yield
    }) : () -> ()
    %dma_start3A_140 = arith.constant 1 : i32
    %dma_start3A_141 = arith.constant 1 : i32
    %dma_start3A_142 = arith.constant 0 : i32
    %dma_start3A_143 = arith.constant 0 : i32
    %dma_start3A_144 = tpu.memref_slice %arg8[%dma_start3A_141, %dma_start3A_142, %dma_start3A_143] : memref<2x128x256xf32, #tpu.memory_space<vmem>> -> memref<1x128x256xf32, #tpu.memory_space<vmem>>
    %dma_start3A_145 = tpu.memref_squeeze %dma_start3A_144 : memref<1x128x256xf32, #tpu.memory_space<vmem>> -> memref<128x256xf32, #tpu.memory_space<vmem>>
    %dma_start3A_146 = arith.constant 0 : i32
    %dma_start3A_147 = tpu.memref_slice %arg7[%dma_start3A_140, %dma_start3A_146] : memref<2x128xi32, #tpu.memory_space<vmem>> -> memref<1x128xi32, #tpu.memory_space<vmem>>
    %dma_start3A_148 = tpu.memref_squeeze %dma_start3A_147 : memref<1x128xi32, #tpu.memory_space<vmem>> -> memref<128xi32, #tpu.memory_space<vmem>>
    %dma_start3A_149 = arith.constant 0 : i32
    %dma_start3A_150 = arith.constant 0 : i32
    %dma_start3A_151 = tpu.memref_slice %arg2[%dma_start3A_149, %dma_start3A_150] : memref<8192x256xf32, #tpu.memory_space<hbm>> -> memref<8192x256xf32, #tpu.memory_space<hbm>>
    tpu.enqueue_indirect_dma source(%dma_start3A_151 : memref<8192x256xf32, #tpu.memory_space<hbm>>) target(%dma_start3A_145 : memref<128x256xf32, #tpu.memory_space<vmem>>) offsets(%dma_start3A_148 : memref<128xi32, #tpu.memory_space<vmem>>) semaphore(%arg11 : memref<!tpu.dma_semaphore, #tpu.memory_space<semaphore_mem>>)
    %dma_start3A_152 = arith.constant 1 : i32
    %dma_start3A_153 = arith.constant 1 : i32
    %dma_start3A_154 = arith.constant 0 : i32
    %dma_start3A_155 = arith.constant 0 : i32
    %dma_start3A_156 = tpu.memref_slice %arg9[%dma_start3A_153, %dma_start3A_154, %dma_start3A_155] : memref<2x128x128xf32, #tpu.memory_space<vmem>> -> memref<1x128x128xf32, #tpu.memory_space<vmem>>
    %dma_start3A_157 = tpu.memref_squeeze %dma_start3A_156 : memref<1x128x128xf32, #tpu.memory_space<vmem>> -> memref<128x128xf32, #tpu.memory_space<vmem>>
    %dma_start3A_158 = arith.constant 0 : i32
    %dma_start3A_159 = tpu.memref_slice %arg7[%dma_start3A_152, %dma_start3A_158] : memref<2x128xi32, #tpu.memory_space<vmem>> -> memref<1x128xi32, #tpu.memory_space<vmem>>
    %dma_start3A_160 = tpu.memref_squeeze %dma_start3A_159 : memref<1x128xi32, #tpu.memory_space<vmem>> -> memref<128xi32, #tpu.memory_space<vmem>>
    %dma_start3A_161 = arith.constant 0 : i32
    %dma_start3A_162 = arith.constant 0 : i32
    %dma_start3A_163 = tpu.memref_slice %arg3[%dma_start3A_161, %dma_start3A_162] : memref<8192x128xf32, #tpu.memory_space<hbm>> -> memref<8192x128xf32, #tpu.memory_space<hbm>>
    tpu.enqueue_indirect_dma source(%dma_start3A_163 : memref<8192x128xf32, #tpu.memory_space<hbm>>) target(%dma_start3A_157 : memref<128x128xf32, #tpu.memory_space<vmem>>) offsets(%dma_start3A_160 : memref<128xi32, #tpu.memory_space<vmem>>) semaphore(%arg11 : memref<!tpu.dma_semaphore, #tpu.memory_space<semaphore_mem>>)
    %add3A_164 = arith.constant 256 : i32
    %add3A_165 = arith.addi %mul3A_2, %add3A_164 : i32
    %dma_wait3A_166 = arith.constant 0 : i32
    %dma_wait3A_167 = arith.constant 0 : i32
    %dma_wait3A_168 = arith.constant 0 : i32
    %dma_wait3A_169 = arith.constant 0 : i32
    %dma_wait3A_170 = tpu.memref_slice %arg8[%dma_wait3A_167, %dma_wait3A_168, %dma_wait3A_169] : memref<2x128x256xf32, #tpu.memory_space<vmem>> -> memref<1x128x256xf32, #tpu.memory_space<vmem>>
    %dma_wait3A_171 = tpu.memref_squeeze %dma_wait3A_170 : memref<1x128x256xf32, #tpu.memory_space<vmem>> -> memref<128x256xf32, #tpu.memory_space<vmem>>
    %dma_wait3A_172 = arith.constant 0 : i32
    %dma_wait3A_173 = tpu.memref_slice %arg7[%dma_wait3A_166, %dma_wait3A_172] : memref<2x128xi32, #tpu.memory_space<vmem>> -> memref<1x128xi32, #tpu.memory_space<vmem>>
    %dma_wait3A_174 = tpu.memref_squeeze %dma_wait3A_173 : memref<1x128xi32, #tpu.memory_space<vmem>> -> memref<128xi32, #tpu.memory_space<vmem>>
    %dma_wait3A_175 = arith.constant 0 : i32
    %dma_wait3A_176 = arith.constant 0 : i32
    %dma_wait3A_177 = tpu.memref_slice %arg2[%dma_wait3A_175, %dma_wait3A_176] : memref<8192x256xf32, #tpu.memory_space<hbm>> -> memref<8192x256xf32, #tpu.memory_space<hbm>>
    tpu.wait_indirect_dma semaphore(%arg10 : memref<!tpu.dma_semaphore, #tpu.memory_space<semaphore_mem>>) src(%dma_wait3A_177 : memref<8192x256xf32, #tpu.memory_space<hbm>>) dst(%dma_wait3A_171 : memref<128x256xf32, #tpu.memory_space<vmem>>)
    %dma_wait3A_178 = arith.constant 0 : i32
    %dma_wait3A_179 = arith.constant 0 : i32
    %dma_wait3A_180 = arith.constant 0 : i32
    %dma_wait3A_181 = arith.constant 0 : i32
    %dma_wait3A_182 = tpu.memref_slice %arg9[%dma_wait3A_179, %dma_wait3A_180, %dma_wait3A_181] : memref<2x128x128xf32, #tpu.memory_space<vmem>> -> memref<1x128x128xf32, #tpu.memory_space<vmem>>
    %dma_wait3A_183 = tpu.memref_squeeze %dma_wait3A_182 : memref<1x128x128xf32, #tpu.memory_space<vmem>> -> memref<128x128xf32, #tpu.memory_space<vmem>>
    %dma_wait3A_184 = arith.constant 0 : i32
    %dma_wait3A_185 = tpu.memref_slice %arg7[%dma_wait3A_178, %dma_wait3A_184] : memref<2x128xi32, #tpu.memory_space<vmem>> -> memref<1x128xi32, #tpu.memory_space<vmem>>
    %dma_wait3A_186 = tpu.memref_squeeze %dma_wait3A_185 : memref<1x128xi32, #tpu.memory_space<vmem>> -> memref<128xi32, #tpu.memory_space<vmem>>
    %dma_wait3A_187 = arith.constant 0 : i32
    %dma_wait3A_188 = arith.constant 0 : i32
    %dma_wait3A_189 = tpu.memref_slice %arg3[%dma_wait3A_187, %dma_wait3A_188] : memref<8192x128xf32, #tpu.memory_space<hbm>> -> memref<8192x128xf32, #tpu.memory_space<hbm>>
    tpu.wait_indirect_dma semaphore(%arg10 : memref<!tpu.dma_semaphore, #tpu.memory_space<semaphore_mem>>) src(%dma_wait3A_189 : memref<8192x128xf32, #tpu.memory_space<hbm>>) dst(%dma_wait3A_183 : memref<128x128xf32, #tpu.memory_space<vmem>>)
    %run_scoped3A_190 = arith.constant 0 : i32
    "tpu.region"() ({
      %run_scoped3A_330 = tpu.sem_alloc : memref<!tpu.dma_semaphore, #tpu.memory_space<semaphore_mem>>
      %dma_start3A_331 = arith.constant 0 : i32
      %dma_start3A_332 = arith.constant 0 : i32
      %dma_start3A_333 = tpu.memref_slice %arg8[%run_scoped3A_190, %dma_start3A_331, %dma_start3A_332] : memref<2x128x256xf32, #tpu.memory_space<vmem>> -> memref<1x128x256xf32, #tpu.memory_space<vmem>>
      %dma_start3A_334 = tpu.memref_squeeze %dma_start3A_333 : memref<1x128x256xf32, #tpu.memory_space<vmem>> -> memref<128x256xf32, #tpu.memory_space<vmem>>
      %dma_start3A_335 = arith.constant 0 : i32
      %dma_start3A_336 = tpu.memref_slice %arg5[%add3A_165, %dma_start3A_335] : memref<24576x256xf32, #tpu.memory_space<hbm>> -> memref<128x256xf32, #tpu.memory_space<hbm>>
      %dma_start3A_337 = arith.constant 0 : i32
      %dma_start3A_338 = tpu.memref_slice %arg5[%add3A_165, %dma_start3A_337] : memref<24576x256xf32, #tpu.memory_space<hbm>> -> memref<128x256xf32, #tpu.memory_space<hbm>>
      %dma_start3A_339 = arith.constant 0 : i32
      %dma_start3A_340 = arith.constant 0 : i32
      %dma_start3A_341 = tpu.memref_slice %arg8[%run_scoped3A_190, %dma_start3A_339, %dma_start3A_340] : memref<2x128x256xf32, #tpu.memory_space<vmem>> -> memref<1x128x256xf32, #tpu.memory_space<vmem>>
      %dma_start3A_342 = tpu.memref_squeeze %dma_start3A_341 : memref<1x128x256xf32, #tpu.memory_space<vmem>> -> memref<128x256xf32, #tpu.memory_space<vmem>>
      tpu.enqueue_dma source(%dma_start3A_342 : memref<128x256xf32, #tpu.memory_space<vmem>>) target(%dma_start3A_338 : memref<128x256xf32, #tpu.memory_space<hbm>>) target_semaphore(%run_scoped3A_330 : memref<!tpu.dma_semaphore, #tpu.memory_space<semaphore_mem>>)
      %dma_wait3A_343 = arith.constant 0 : i32
      %dma_wait3A_344 = arith.constant 0 : i32
      %dma_wait3A_345 = tpu.memref_slice %arg8[%run_scoped3A_190, %dma_wait3A_343, %dma_wait3A_344] : memref<2x128x256xf32, #tpu.memory_space<vmem>> -> memref<1x128x256xf32, #tpu.memory_space<vmem>>
      %dma_wait3A_346 = tpu.memref_squeeze %dma_wait3A_345 : memref<1x128x256xf32, #tpu.memory_space<vmem>> -> memref<128x256xf32, #tpu.memory_space<vmem>>
      %dma_wait3A_347 = arith.constant 0 : i32
      %dma_wait3A_348 = tpu.memref_slice %arg5[%add3A_165, %dma_wait3A_347] : memref<24576x256xf32, #tpu.memory_space<hbm>> -> memref<128x256xf32, #tpu.memory_space<hbm>>
      %dma_wait3A_349 = arith.constant 0 : i32
      %dma_wait3A_350 = tpu.memref_slice %arg5[%add3A_165, %dma_wait3A_349] : memref<24576x256xf32, #tpu.memory_space<hbm>> -> memref<128x256xf32, #tpu.memory_space<hbm>>
      %dma_wait3A_351 = arith.constant 0 : i32
      %dma_wait3A_352 = arith.constant 0 : i32
      %dma_wait3A_353 = tpu.memref_slice %arg8[%run_scoped3A_190, %dma_wait3A_351, %dma_wait3A_352] : memref<2x128x256xf32, #tpu.memory_space<vmem>> -> memref<1x128x256xf32, #tpu.memory_space<vmem>>
      %dma_wait3A_354 = tpu.memref_squeeze %dma_wait3A_353 : memref<1x128x256xf32, #tpu.memory_space<vmem>> -> memref<128x256xf32, #tpu.memory_space<vmem>>
      tpu.wait_dma2 semaphore(%run_scoped3A_330 : memref<!tpu.dma_semaphore, #tpu.memory_space<semaphore_mem>>) src(%dma_wait3A_354 : memref<128x256xf32, #tpu.memory_space<vmem>>) dst(%dma_wait3A_350 : memref<128x256xf32, #tpu.memory_space<hbm>>)
      tpu.yield
    }) : () -> ()
    %run_scoped3A_191 = arith.constant 0 : i32
    "tpu.region"() ({
      %run_scoped3A_330 = tpu.sem_alloc : memref<!tpu.dma_semaphore, #tpu.memory_space<semaphore_mem>>
      %dma_start3A_331 = arith.constant 0 : i32
      %dma_start3A_332 = arith.constant 0 : i32
      %dma_start3A_333 = tpu.memref_slice %arg9[%run_scoped3A_191, %dma_start3A_331, %dma_start3A_332] : memref<2x128x128xf32, #tpu.memory_space<vmem>> -> memref<1x128x128xf32, #tpu.memory_space<vmem>>
      %dma_start3A_334 = tpu.memref_squeeze %dma_start3A_333 : memref<1x128x128xf32, #tpu.memory_space<vmem>> -> memref<128x128xf32, #tpu.memory_space<vmem>>
      %dma_start3A_335 = arith.constant 0 : i32
      %dma_start3A_336 = tpu.memref_slice %arg6[%add3A_165, %dma_start3A_335] : memref<24576x128xf32, #tpu.memory_space<hbm>> -> memref<128x128xf32, #tpu.memory_space<hbm>>
      %dma_start3A_337 = arith.constant 0 : i32
      %dma_start3A_338 = tpu.memref_slice %arg6[%add3A_165, %dma_start3A_337] : memref<24576x128xf32, #tpu.memory_space<hbm>> -> memref<128x128xf32, #tpu.memory_space<hbm>>
      %dma_start3A_339 = arith.constant 0 : i32
      %dma_start3A_340 = arith.constant 0 : i32
      %dma_start3A_341 = tpu.memref_slice %arg9[%run_scoped3A_191, %dma_start3A_339, %dma_start3A_340] : memref<2x128x128xf32, #tpu.memory_space<vmem>> -> memref<1x128x128xf32, #tpu.memory_space<vmem>>
      %dma_start3A_342 = tpu.memref_squeeze %dma_start3A_341 : memref<1x128x128xf32, #tpu.memory_space<vmem>> -> memref<128x128xf32, #tpu.memory_space<vmem>>
      tpu.enqueue_dma source(%dma_start3A_342 : memref<128x128xf32, #tpu.memory_space<vmem>>) target(%dma_start3A_338 : memref<128x128xf32, #tpu.memory_space<hbm>>) target_semaphore(%run_scoped3A_330 : memref<!tpu.dma_semaphore, #tpu.memory_space<semaphore_mem>>)
      %dma_wait3A_343 = arith.constant 0 : i32
      %dma_wait3A_344 = arith.constant 0 : i32
      %dma_wait3A_345 = tpu.memref_slice %arg9[%run_scoped3A_191, %dma_wait3A_343, %dma_wait3A_344] : memref<2x128x128xf32, #tpu.memory_space<vmem>> -> memref<1x128x128xf32, #tpu.memory_space<vmem>>
      %dma_wait3A_346 = tpu.memref_squeeze %dma_wait3A_345 : memref<1x128x128xf32, #tpu.memory_space<vmem>> -> memref<128x128xf32, #tpu.memory_space<vmem>>
      %dma_wait3A_347 = arith.constant 0 : i32
      %dma_wait3A_348 = tpu.memref_slice %arg6[%add3A_165, %dma_wait3A_347] : memref<24576x128xf32, #tpu.memory_space<hbm>> -> memref<128x128xf32, #tpu.memory_space<hbm>>
      %dma_wait3A_349 = arith.constant 0 : i32
      %dma_wait3A_350 = tpu.memref_slice %arg6[%add3A_165, %dma_wait3A_349] : memref<24576x128xf32, #tpu.memory_space<hbm>> -> memref<128x128xf32, #tpu.memory_space<hbm>>
      %dma_wait3A_351 = arith.constant 0 : i32
      %dma_wait3A_352 = arith.constant 0 : i32
      %dma_wait3A_353 = tpu.memref_slice %arg9[%run_scoped3A_191, %dma_wait3A_351, %dma_wait3A_352] : memref<2x128x128xf32, #tpu.memory_space<vmem>> -> memref<1x128x128xf32, #tpu.memory_space<vmem>>
      %dma_wait3A_354 = tpu.memref_squeeze %dma_wait3A_353 : memref<1x128x128xf32, #tpu.memory_space<vmem>> -> memref<128x128xf32, #tpu.memory_space<vmem>>
      tpu.wait_dma2 semaphore(%run_scoped3A_330 : memref<!tpu.dma_semaphore, #tpu.memory_space<semaphore_mem>>) src(%dma_wait3A_354 : memref<128x128xf32, #tpu.memory_space<vmem>>) dst(%dma_wait3A_350 : memref<128x128xf32, #tpu.memory_space<hbm>>)
      tpu.yield
    }) : () -> ()
    %add3A_192 = arith.constant 512 : i32
    %add3A_193 = arith.addi %mul3A_2, %add3A_192 : i32
    %run_scoped3A_194 = arith.constant 0 : i32
    "tpu.region"() ({
      %run_scoped3A_330 = tpu.sem_alloc : memref<!tpu.dma_semaphore, #tpu.memory_space<semaphore_mem>>
      %dma_start3A_331 = arith.constant 0 : i32
      %dma_start3A_332 = tpu.memref_slice %arg7[%run_scoped3A_194, %dma_start3A_331] : memref<2x128xi32, #tpu.memory_space<vmem>> -> memref<1x128xi32, #tpu.memory_space<vmem>>
      %dma_start3A_333 = tpu.memref_squeeze %dma_start3A_332 : memref<1x128xi32, #tpu.memory_space<vmem>> -> memref<128xi32, #tpu.memory_space<vmem>>
      %dma_start3A_334 = tpu.memref_slice %arg4[%add3A_193] : memref<24576xi32, #tpu.memory_space<hbm>> -> memref<128xi32, #tpu.memory_space<hbm>>
      %dma_start3A_335 = arith.constant 0 : i32
      %dma_start3A_336 = tpu.memref_slice %arg7[%run_scoped3A_194, %dma_start3A_335] : memref<2x128xi32, #tpu.memory_space<vmem>> -> memref<1x128xi32, #tpu.memory_space<vmem>>
      %dma_start3A_337 = tpu.memref_squeeze %dma_start3A_336 : memref<1x128xi32, #tpu.memory_space<vmem>> -> memref<128xi32, #tpu.memory_space<vmem>>
      %dma_start3A_338 = tpu.memref_slice %arg4[%add3A_193] : memref<24576xi32, #tpu.memory_space<hbm>> -> memref<128xi32, #tpu.memory_space<hbm>>
      tpu.enqueue_dma source(%dma_start3A_338 : memref<128xi32, #tpu.memory_space<hbm>>) target(%dma_start3A_337 : memref<128xi32, #tpu.memory_space<vmem>>) target_semaphore(%run_scoped3A_330 : memref<!tpu.dma_semaphore, #tpu.memory_space<semaphore_mem>>)
      %dma_wait3A_339 = arith.constant 0 : i32
      %dma_wait3A_340 = tpu.memref_slice %arg7[%run_scoped3A_194, %dma_wait3A_339] : memref<2x128xi32, #tpu.memory_space<vmem>> -> memref<1x128xi32, #tpu.memory_space<vmem>>
      %dma_wait3A_341 = tpu.memref_squeeze %dma_wait3A_340 : memref<1x128xi32, #tpu.memory_space<vmem>> -> memref<128xi32, #tpu.memory_space<vmem>>
      %dma_wait3A_342 = tpu.memref_slice %arg4[%add3A_193] : memref<24576xi32, #tpu.memory_space<hbm>> -> memref<128xi32, #tpu.memory_space<hbm>>
      %dma_wait3A_343 = arith.constant 0 : i32
      %dma_wait3A_344 = tpu.memref_slice %arg7[%run_scoped3A_194, %dma_wait3A_343] : memref<2x128xi32, #tpu.memory_space<vmem>> -> memref<1x128xi32, #tpu.memory_space<vmem>>
      %dma_wait3A_345 = tpu.memref_squeeze %dma_wait3A_344 : memref<1x128xi32, #tpu.memory_space<vmem>> -> memref<128xi32, #tpu.memory_space<vmem>>
      %dma_wait3A_346 = tpu.memref_slice %arg4[%add3A_193] : memref<24576xi32, #tpu.memory_space<hbm>> -> memref<128xi32, #tpu.memory_space<hbm>>
      tpu.wait_dma2 semaphore(%run_scoped3A_330 : memref<!tpu.dma_semaphore, #tpu.memory_space<semaphore_mem>>) src(%dma_wait3A_346 : memref<128xi32, #tpu.memory_space<hbm>>) dst(%dma_wait3A_345 : memref<128xi32, #tpu.memory_space<vmem>>)
      tpu.yield
    }) : () -> ()
    %dma_start3A_195 = arith.constant 0 : i32
    %dma_start3A_196 = arith.constant 0 : i32
    %dma_start3A_197 = arith.constant 0 : i32
    %dma_start3A_198 = arith.constant 0 : i32
    %dma_start3A_199 = tpu.memref_slice %arg8[%dma_start3A_196, %dma_start3A_197, %dma_start3A_198] : memref<2x128x256xf32, #tpu.memory_space<vmem>> -> memref<1x128x256xf32, #tpu.memory_space<vmem>>
    %dma_start3A_200 = tpu.memref_squeeze %dma_start3A_199 : memref<1x128x256xf32, #tpu.memory_space<vmem>> -> memref<128x256xf32, #tpu.memory_space<vmem>>
    %dma_start3A_201 = arith.constant 0 : i32
    %dma_start3A_202 = tpu.memref_slice %arg7[%dma_start3A_195, %dma_start3A_201] : memref<2x128xi32, #tpu.memory_space<vmem>> -> memref<1x128xi32, #tpu.memory_space<vmem>>
    %dma_start3A_203 = tpu.memref_squeeze %dma_start3A_202 : memref<1x128xi32, #tpu.memory_space<vmem>> -> memref<128xi32, #tpu.memory_space<vmem>>
    %dma_start3A_204 = arith.constant 0 : i32
    %dma_start3A_205 = arith.constant 0 : i32
    %dma_start3A_206 = tpu.memref_slice %arg2[%dma_start3A_204, %dma_start3A_205] : memref<8192x256xf32, #tpu.memory_space<hbm>> -> memref<8192x256xf32, #tpu.memory_space<hbm>>
    tpu.enqueue_indirect_dma source(%dma_start3A_206 : memref<8192x256xf32, #tpu.memory_space<hbm>>) target(%dma_start3A_200 : memref<128x256xf32, #tpu.memory_space<vmem>>) offsets(%dma_start3A_203 : memref<128xi32, #tpu.memory_space<vmem>>) semaphore(%arg10 : memref<!tpu.dma_semaphore, #tpu.memory_space<semaphore_mem>>)
    %dma_start3A_207 = arith.constant 0 : i32
    %dma_start3A_208 = arith.constant 0 : i32
    %dma_start3A_209 = arith.constant 0 : i32
    %dma_start3A_210 = arith.constant 0 : i32
    %dma_start3A_211 = tpu.memref_slice %arg9[%dma_start3A_208, %dma_start3A_209, %dma_start3A_210] : memref<2x128x128xf32, #tpu.memory_space<vmem>> -> memref<1x128x128xf32, #tpu.memory_space<vmem>>
    %dma_start3A_212 = tpu.memref_squeeze %dma_start3A_211 : memref<1x128x128xf32, #tpu.memory_space<vmem>> -> memref<128x128xf32, #tpu.memory_space<vmem>>
    %dma_start3A_213 = arith.constant 0 : i32
    %dma_start3A_214 = tpu.memref_slice %arg7[%dma_start3A_207, %dma_start3A_213] : memref<2x128xi32, #tpu.memory_space<vmem>> -> memref<1x128xi32, #tpu.memory_space<vmem>>
    %dma_start3A_215 = tpu.memref_squeeze %dma_start3A_214 : memref<1x128xi32, #tpu.memory_space<vmem>> -> memref<128xi32, #tpu.memory_space<vmem>>
    %dma_start3A_216 = arith.constant 0 : i32
    %dma_start3A_217 = arith.constant 0 : i32
    %dma_start3A_218 = tpu.memref_slice %arg3[%dma_start3A_216, %dma_start3A_217] : memref<8192x128xf32, #tpu.memory_space<hbm>> -> memref<8192x128xf32, #tpu.memory_space<hbm>>
    tpu.enqueue_indirect_dma source(%dma_start3A_218 : memref<8192x128xf32, #tpu.memory_space<hbm>>) target(%dma_start3A_212 : memref<128x128xf32, #tpu.memory_space<vmem>>) offsets(%dma_start3A_215 : memref<128xi32, #tpu.memory_space<vmem>>) semaphore(%arg10 : memref<!tpu.dma_semaphore, #tpu.memory_space<semaphore_mem>>)
    %add3A_219 = arith.constant 384 : i32
    %add3A_220 = arith.addi %mul3A_2, %add3A_219 : i32
    %dma_wait3A_221 = arith.constant 1 : i32
    %dma_wait3A_222 = arith.constant 1 : i32
    %dma_wait3A_223 = arith.constant 0 : i32
    %dma_wait3A_224 = arith.constant 0 : i32
    %dma_wait3A_225 = tpu.memref_slice %arg8[%dma_wait3A_222, %dma_wait3A_223, %dma_wait3A_224] : memref<2x128x256xf32, #tpu.memory_space<vmem>> -> memref<1x128x256xf32, #tpu.memory_space<vmem>>
    %dma_wait3A_226 = tpu.memref_squeeze %dma_wait3A_225 : memref<1x128x256xf32, #tpu.memory_space<vmem>> -> memref<128x256xf32, #tpu.memory_space<vmem>>
    %dma_wait3A_227 = arith.constant 0 : i32
    %dma_wait3A_228 = tpu.memref_slice %arg7[%dma_wait3A_221, %dma_wait3A_227] : memref<2x128xi32, #tpu.memory_space<vmem>> -> memref<1x128xi32, #tpu.memory_space<vmem>>
    %dma_wait3A_229 = tpu.memref_squeeze %dma_wait3A_228 : memref<1x128xi32, #tpu.memory_space<vmem>> -> memref<128xi32, #tpu.memory_space<vmem>>
    %dma_wait3A_230 = arith.constant 0 : i32
    %dma_wait3A_231 = arith.constant 0 : i32
    %dma_wait3A_232 = tpu.memref_slice %arg2[%dma_wait3A_230, %dma_wait3A_231] : memref<8192x256xf32, #tpu.memory_space<hbm>> -> memref<8192x256xf32, #tpu.memory_space<hbm>>
    tpu.wait_indirect_dma semaphore(%arg11 : memref<!tpu.dma_semaphore, #tpu.memory_space<semaphore_mem>>) src(%dma_wait3A_232 : memref<8192x256xf32, #tpu.memory_space<hbm>>) dst(%dma_wait3A_226 : memref<128x256xf32, #tpu.memory_space<vmem>>)
    %dma_wait3A_233 = arith.constant 1 : i32
    %dma_wait3A_234 = arith.constant 1 : i32
    %dma_wait3A_235 = arith.constant 0 : i32
    %dma_wait3A_236 = arith.constant 0 : i32
    %dma_wait3A_237 = tpu.memref_slice %arg9[%dma_wait3A_234, %dma_wait3A_235, %dma_wait3A_236] : memref<2x128x128xf32, #tpu.memory_space<vmem>> -> memref<1x128x128xf32, #tpu.memory_space<vmem>>
    %dma_wait3A_238 = tpu.memref_squeeze %dma_wait3A_237 : memref<1x128x128xf32, #tpu.memory_space<vmem>> -> memref<128x128xf32, #tpu.memory_space<vmem>>
    %dma_wait3A_239 = arith.constant 0 : i32
    %dma_wait3A_240 = tpu.memref_slice %arg7[%dma_wait3A_233, %dma_wait3A_239] : memref<2x128xi32, #tpu.memory_space<vmem>> -> memref<1x128xi32, #tpu.memory_space<vmem>>
    %dma_wait3A_241 = tpu.memref_squeeze %dma_wait3A_240 : memref<1x128xi32, #tpu.memory_space<vmem>> -> memref<128xi32, #tpu.memory_space<vmem>>
    %dma_wait3A_242 = arith.constant 0 : i32
    %dma_wait3A_243 = arith.constant 0 : i32
    %dma_wait3A_244 = tpu.memref_slice %arg3[%dma_wait3A_242, %dma_wait3A_243] : memref<8192x128xf32, #tpu.memory_space<hbm>> -> memref<8192x128xf32, #tpu.memory_space<hbm>>
    tpu.wait_indirect_dma semaphore(%arg11 : memref<!tpu.dma_semaphore, #tpu.memory_space<semaphore_mem>>) src(%dma_wait3A_244 : memref<8192x128xf32, #tpu.memory_space<hbm>>) dst(%dma_wait3A_238 : memref<128x128xf32, #tpu.memory_space<vmem>>)
    %run_scoped3A_245 = arith.constant 1 : i32
    "tpu.region"() ({
      %run_scoped3A_330 = tpu.sem_alloc : memref<!tpu.dma_semaphore, #tpu.memory_space<semaphore_mem>>
      %dma_start3A_331 = arith.constant 0 : i32
      %dma_start3A_332 = arith.constant 0 : i32
      %dma_start3A_333 = tpu.memref_slice %arg8[%run_scoped3A_245, %dma_start3A_331, %dma_start3A_332] : memref<2x128x256xf32, #tpu.memory_space<vmem>> -> memref<1x128x256xf32, #tpu.memory_space<vmem>>
      %dma_start3A_334 = tpu.memref_squeeze %dma_start3A_333 : memref<1x128x256xf32, #tpu.memory_space<vmem>> -> memref<128x256xf32, #tpu.memory_space<vmem>>
      %dma_start3A_335 = arith.constant 0 : i32
      %dma_start3A_336 = tpu.memref_slice %arg5[%add3A_220, %dma_start3A_335] : memref<24576x256xf32, #tpu.memory_space<hbm>> -> memref<128x256xf32, #tpu.memory_space<hbm>>
      %dma_start3A_337 = arith.constant 0 : i32
      %dma_start3A_338 = tpu.memref_slice %arg5[%add3A_220, %dma_start3A_337] : memref<24576x256xf32, #tpu.memory_space<hbm>> -> memref<128x256xf32, #tpu.memory_space<hbm>>
      %dma_start3A_339 = arith.constant 0 : i32
      %dma_start3A_340 = arith.constant 0 : i32
      %dma_start3A_341 = tpu.memref_slice %arg8[%run_scoped3A_245, %dma_start3A_339, %dma_start3A_340] : memref<2x128x256xf32, #tpu.memory_space<vmem>> -> memref<1x128x256xf32, #tpu.memory_space<vmem>>
      %dma_start3A_342 = tpu.memref_squeeze %dma_start3A_341 : memref<1x128x256xf32, #tpu.memory_space<vmem>> -> memref<128x256xf32, #tpu.memory_space<vmem>>
      tpu.enqueue_dma source(%dma_start3A_342 : memref<128x256xf32, #tpu.memory_space<vmem>>) target(%dma_start3A_338 : memref<128x256xf32, #tpu.memory_space<hbm>>) target_semaphore(%run_scoped3A_330 : memref<!tpu.dma_semaphore, #tpu.memory_space<semaphore_mem>>)
      %dma_wait3A_343 = arith.constant 0 : i32
      %dma_wait3A_344 = arith.constant 0 : i32
      %dma_wait3A_345 = tpu.memref_slice %arg8[%run_scoped3A_245, %dma_wait3A_343, %dma_wait3A_344] : memref<2x128x256xf32, #tpu.memory_space<vmem>> -> memref<1x128x256xf32, #tpu.memory_space<vmem>>
      %dma_wait3A_346 = tpu.memref_squeeze %dma_wait3A_345 : memref<1x128x256xf32, #tpu.memory_space<vmem>> -> memref<128x256xf32, #tpu.memory_space<vmem>>
      %dma_wait3A_347 = arith.constant 0 : i32
      %dma_wait3A_348 = tpu.memref_slice %arg5[%add3A_220, %dma_wait3A_347] : memref<24576x256xf32, #tpu.memory_space<hbm>> -> memref<128x256xf32, #tpu.memory_space<hbm>>
      %dma_wait3A_349 = arith.constant 0 : i32
      %dma_wait3A_350 = tpu.memref_slice %arg5[%add3A_220, %dma_wait3A_349] : memref<24576x256xf32, #tpu.memory_space<hbm>> -> memref<128x256xf32, #tpu.memory_space<hbm>>
      %dma_wait3A_351 = arith.constant 0 : i32
      %dma_wait3A_352 = arith.constant 0 : i32
      %dma_wait3A_353 = tpu.memref_slice %arg8[%run_scoped3A_245, %dma_wait3A_351, %dma_wait3A_352] : memref<2x128x256xf32, #tpu.memory_space<vmem>> -> memref<1x128x256xf32, #tpu.memory_space<vmem>>
      %dma_wait3A_354 = tpu.memref_squeeze %dma_wait3A_353 : memref<1x128x256xf32, #tpu.memory_space<vmem>> -> memref<128x256xf32, #tpu.memory_space<vmem>>
      tpu.wait_dma2 semaphore(%run_scoped3A_330 : memref<!tpu.dma_semaphore, #tpu.memory_space<semaphore_mem>>) src(%dma_wait3A_354 : memref<128x256xf32, #tpu.memory_space<vmem>>) dst(%dma_wait3A_350 : memref<128x256xf32, #tpu.memory_space<hbm>>)
      tpu.yield
    }) : () -> ()
    %run_scoped3A_246 = arith.constant 1 : i32
    "tpu.region"() ({
      %run_scoped3A_330 = tpu.sem_alloc : memref<!tpu.dma_semaphore, #tpu.memory_space<semaphore_mem>>
      %dma_start3A_331 = arith.constant 0 : i32
      %dma_start3A_332 = arith.constant 0 : i32
      %dma_start3A_333 = tpu.memref_slice %arg9[%run_scoped3A_246, %dma_start3A_331, %dma_start3A_332] : memref<2x128x128xf32, #tpu.memory_space<vmem>> -> memref<1x128x128xf32, #tpu.memory_space<vmem>>
      %dma_start3A_334 = tpu.memref_squeeze %dma_start3A_333 : memref<1x128x128xf32, #tpu.memory_space<vmem>> -> memref<128x128xf32, #tpu.memory_space<vmem>>
      %dma_start3A_335 = arith.constant 0 : i32
      %dma_start3A_336 = tpu.memref_slice %arg6[%add3A_220, %dma_start3A_335] : memref<24576x128xf32, #tpu.memory_space<hbm>> -> memref<128x128xf32, #tpu.memory_space<hbm>>
      %dma_start3A_337 = arith.constant 0 : i32
      %dma_start3A_338 = tpu.memref_slice %arg6[%add3A_220, %dma_start3A_337] : memref<24576x128xf32, #tpu.memory_space<hbm>> -> memref<128x128xf32, #tpu.memory_space<hbm>>
      %dma_start3A_339 = arith.constant 0 : i32
      %dma_start3A_340 = arith.constant 0 : i32
      %dma_start3A_341 = tpu.memref_slice %arg9[%run_scoped3A_246, %dma_start3A_339, %dma_start3A_340] : memref<2x128x128xf32, #tpu.memory_space<vmem>> -> memref<1x128x128xf32, #tpu.memory_space<vmem>>
      %dma_start3A_342 = tpu.memref_squeeze %dma_start3A_341 : memref<1x128x128xf32, #tpu.memory_space<vmem>> -> memref<128x128xf32, #tpu.memory_space<vmem>>
      tpu.enqueue_dma source(%dma_start3A_342 : memref<128x128xf32, #tpu.memory_space<vmem>>) target(%dma_start3A_338 : memref<128x128xf32, #tpu.memory_space<hbm>>) target_semaphore(%run_scoped3A_330 : memref<!tpu.dma_semaphore, #tpu.memory_space<semaphore_mem>>)
      %dma_wait3A_343 = arith.constant 0 : i32
      %dma_wait3A_344 = arith.constant 0 : i32
      %dma_wait3A_345 = tpu.memref_slice %arg9[%run_scoped3A_246, %dma_wait3A_343, %dma_wait3A_344] : memref<2x128x128xf32, #tpu.memory_space<vmem>> -> memref<1x128x128xf32, #tpu.memory_space<vmem>>
      %dma_wait3A_346 = tpu.memref_squeeze %dma_wait3A_345 : memref<1x128x128xf32, #tpu.memory_space<vmem>> -> memref<128x128xf32, #tpu.memory_space<vmem>>
      %dma_wait3A_347 = arith.constant 0 : i32
      %dma_wait3A_348 = tpu.memref_slice %arg6[%add3A_220, %dma_wait3A_347] : memref<24576x128xf32, #tpu.memory_space<hbm>> -> memref<128x128xf32, #tpu.memory_space<hbm>>
      %dma_wait3A_349 = arith.constant 0 : i32
      %dma_wait3A_350 = tpu.memref_slice %arg6[%add3A_220, %dma_wait3A_349] : memref<24576x128xf32, #tpu.memory_space<hbm>> -> memref<128x128xf32, #tpu.memory_space<hbm>>
      %dma_wait3A_351 = arith.constant 0 : i32
      %dma_wait3A_352 = arith.constant 0 : i32
      %dma_wait3A_353 = tpu.memref_slice %arg9[%run_scoped3A_246, %dma_wait3A_351, %dma_wait3A_352] : memref<2x128x128xf32, #tpu.memory_space<vmem>> -> memref<1x128x128xf32, #tpu.memory_space<vmem>>
      %dma_wait3A_354 = tpu.memref_squeeze %dma_wait3A_353 : memref<1x128x128xf32, #tpu.memory_space<vmem>> -> memref<128x128xf32, #tpu.memory_space<vmem>>
      tpu.wait_dma2 semaphore(%run_scoped3A_330 : memref<!tpu.dma_semaphore, #tpu.memory_space<semaphore_mem>>) src(%dma_wait3A_354 : memref<128x128xf32, #tpu.memory_space<vmem>>) dst(%dma_wait3A_350 : memref<128x128xf32, #tpu.memory_space<hbm>>)
      tpu.yield
    }) : () -> ()
    %add3A_247 = arith.constant 640 : i32
    %add3A_248 = arith.addi %mul3A_2, %add3A_247 : i32
    %run_scoped3A_249 = arith.constant 1 : i32
    "tpu.region"() ({
      %run_scoped3A_330 = tpu.sem_alloc : memref<!tpu.dma_semaphore, #tpu.memory_space<semaphore_mem>>
      %dma_start3A_331 = arith.constant 0 : i32
      %dma_start3A_332 = tpu.memref_slice %arg7[%run_scoped3A_249, %dma_start3A_331] : memref<2x128xi32, #tpu.memory_space<vmem>> -> memref<1x128xi32, #tpu.memory_space<vmem>>
      %dma_start3A_333 = tpu.memref_squeeze %dma_start3A_332 : memref<1x128xi32, #tpu.memory_space<vmem>> -> memref<128xi32, #tpu.memory_space<vmem>>
      %dma_start3A_334 = tpu.memref_slice %arg4[%add3A_248] : memref<24576xi32, #tpu.memory_space<hbm>> -> memref<128xi32, #tpu.memory_space<hbm>>
      %dma_start3A_335 = arith.constant 0 : i32
      %dma_start3A_336 = tpu.memref_slice %arg7[%run_scoped3A_249, %dma_start3A_335] : memref<2x128xi32, #tpu.memory_space<vmem>> -> memref<1x128xi32, #tpu.memory_space<vmem>>
      %dma_start3A_337 = tpu.memref_squeeze %dma_start3A_336 : memref<1x128xi32, #tpu.memory_space<vmem>> -> memref<128xi32, #tpu.memory_space<vmem>>
      %dma_start3A_338 = tpu.memref_slice %arg4[%add3A_248] : memref<24576xi32, #tpu.memory_space<hbm>> -> memref<128xi32, #tpu.memory_space<hbm>>
      tpu.enqueue_dma source(%dma_start3A_338 : memref<128xi32, #tpu.memory_space<hbm>>) target(%dma_start3A_337 : memref<128xi32, #tpu.memory_space<vmem>>) target_semaphore(%run_scoped3A_330 : memref<!tpu.dma_semaphore, #tpu.memory_space<semaphore_mem>>)
      %dma_wait3A_339 = arith.constant 0 : i32
      %dma_wait3A_340 = tpu.memref_slice %arg7[%run_scoped3A_249, %dma_wait3A_339] : memref<2x128xi32, #tpu.memory_space<vmem>> -> memref<1x128xi32, #tpu.memory_space<vmem>>
      %dma_wait3A_341 = tpu.memref_squeeze %dma_wait3A_340 : memref<1x128xi32, #tpu.memory_space<vmem>> -> memref<128xi32, #tpu.memory_space<vmem>>
      %dma_wait3A_342 = tpu.memref_slice %arg4[%add3A_248] : memref<24576xi32, #tpu.memory_space<hbm>> -> memref<128xi32, #tpu.memory_space<hbm>>
      %dma_wait3A_343 = arith.constant 0 : i32
      %dma_wait3A_344 = tpu.memref_slice %arg7[%run_scoped3A_249, %dma_wait3A_343] : memref<2x128xi32, #tpu.memory_space<vmem>> -> memref<1x128xi32, #tpu.memory_space<vmem>>
      %dma_wait3A_345 = tpu.memref_squeeze %dma_wait3A_344 : memref<1x128xi32, #tpu.memory_space<vmem>> -> memref<128xi32, #tpu.memory_space<vmem>>
      %dma_wait3A_346 = tpu.memref_slice %arg4[%add3A_248] : memref<24576xi32, #tpu.memory_space<hbm>> -> memref<128xi32, #tpu.memory_space<hbm>>
      tpu.wait_dma2 semaphore(%run_scoped3A_330 : memref<!tpu.dma_semaphore, #tpu.memory_space<semaphore_mem>>) src(%dma_wait3A_346 : memref<128xi32, #tpu.memory_space<hbm>>) dst(%dma_wait3A_345 : memref<128xi32, #tpu.memory_space<vmem>>)
      tpu.yield
    }) : () -> ()
    %dma_start3A_250 = arith.constant 1 : i32
    %dma_start3A_251 = arith.constant 1 : i32
    %dma_start3A_252 = arith.constant 0 : i32
    %dma_start3A_253 = arith.constant 0 : i32
    %dma_start3A_254 = tpu.memref_slice %arg8[%dma_start3A_251, %dma_start3A_252, %dma_start3A_253] : memref<2x128x256xf32, #tpu.memory_space<vmem>> -> memref<1x128x256xf32, #tpu.memory_space<vmem>>
    %dma_start3A_255 = tpu.memref_squeeze %dma_start3A_254 : memref<1x128x256xf32, #tpu.memory_space<vmem>> -> memref<128x256xf32, #tpu.memory_space<vmem>>
    %dma_start3A_256 = arith.constant 0 : i32
    %dma_start3A_257 = tpu.memref_slice %arg7[%dma_start3A_250, %dma_start3A_256] : memref<2x128xi32, #tpu.memory_space<vmem>> -> memref<1x128xi32, #tpu.memory_space<vmem>>
    %dma_start3A_258 = tpu.memref_squeeze %dma_start3A_257 : memref<1x128xi32, #tpu.memory_space<vmem>> -> memref<128xi32, #tpu.memory_space<vmem>>
    %dma_start3A_259 = arith.constant 0 : i32
    %dma_start3A_260 = arith.constant 0 : i32
    %dma_start3A_261 = tpu.memref_slice %arg2[%dma_start3A_259, %dma_start3A_260] : memref<8192x256xf32, #tpu.memory_space<hbm>> -> memref<8192x256xf32, #tpu.memory_space<hbm>>
    tpu.enqueue_indirect_dma source(%dma_start3A_261 : memref<8192x256xf32, #tpu.memory_space<hbm>>) target(%dma_start3A_255 : memref<128x256xf32, #tpu.memory_space<vmem>>) offsets(%dma_start3A_258 : memref<128xi32, #tpu.memory_space<vmem>>) semaphore(%arg11 : memref<!tpu.dma_semaphore, #tpu.memory_space<semaphore_mem>>)
    %dma_start3A_262 = arith.constant 1 : i32
    %dma_start3A_263 = arith.constant 1 : i32
    %dma_start3A_264 = arith.constant 0 : i32
    %dma_start3A_265 = arith.constant 0 : i32
    %dma_start3A_266 = tpu.memref_slice %arg9[%dma_start3A_263, %dma_start3A_264, %dma_start3A_265] : memref<2x128x128xf32, #tpu.memory_space<vmem>> -> memref<1x128x128xf32, #tpu.memory_space<vmem>>
    %dma_start3A_267 = tpu.memref_squeeze %dma_start3A_266 : memref<1x128x128xf32, #tpu.memory_space<vmem>> -> memref<128x128xf32, #tpu.memory_space<vmem>>
    %dma_start3A_268 = arith.constant 0 : i32
    %dma_start3A_269 = tpu.memref_slice %arg7[%dma_start3A_262, %dma_start3A_268] : memref<2x128xi32, #tpu.memory_space<vmem>> -> memref<1x128xi32, #tpu.memory_space<vmem>>
    %dma_start3A_270 = tpu.memref_squeeze %dma_start3A_269 : memref<1x128xi32, #tpu.memory_space<vmem>> -> memref<128xi32, #tpu.memory_space<vmem>>
    %dma_start3A_271 = arith.constant 0 : i32
    %dma_start3A_272 = arith.constant 0 : i32
    %dma_start3A_273 = tpu.memref_slice %arg3[%dma_start3A_271, %dma_start3A_272] : memref<8192x128xf32, #tpu.memory_space<hbm>> -> memref<8192x128xf32, #tpu.memory_space<hbm>>
    tpu.enqueue_indirect_dma source(%dma_start3A_273 : memref<8192x128xf32, #tpu.memory_space<hbm>>) target(%dma_start3A_267 : memref<128x128xf32, #tpu.memory_space<vmem>>) offsets(%dma_start3A_270 : memref<128xi32, #tpu.memory_space<vmem>>) semaphore(%arg11 : memref<!tpu.dma_semaphore, #tpu.memory_space<semaphore_mem>>)
    %add3A_274 = arith.constant 512 : i32
    %add3A_275 = arith.addi %mul3A_2, %add3A_274 : i32
    %dma_wait3A_276 = arith.constant 0 : i32
    %dma_wait3A_277 = arith.constant 0 : i32
    %dma_wait3A_278 = arith.constant 0 : i32
    %dma_wait3A_279 = arith.constant 0 : i32
    %dma_wait3A_280 = tpu.memref_slice %arg8[%dma_wait3A_277, %dma_wait3A_278, %dma_wait3A_279] : memref<2x128x256xf32, #tpu.memory_space<vmem>> -> memref<1x128x256xf32, #tpu.memory_space<vmem>>
    %dma_wait3A_281 = tpu.memref_squeeze %dma_wait3A_280 : memref<1x128x256xf32, #tpu.memory_space<vmem>> -> memref<128x256xf32, #tpu.memory_space<vmem>>
    %dma_wait3A_282 = arith.constant 0 : i32
    %dma_wait3A_283 = tpu.memref_slice %arg7[%dma_wait3A_276, %dma_wait3A_282] : memref<2x128xi32, #tpu.memory_space<vmem>> -> memref<1x128xi32, #tpu.memory_space<vmem>>
    %dma_wait3A_284 = tpu.memref_squeeze %dma_wait3A_283 : memref<1x128xi32, #tpu.memory_space<vmem>> -> memref<128xi32, #tpu.memory_space<vmem>>
    %dma_wait3A_285 = arith.constant 0 : i32
    %dma_wait3A_286 = arith.constant 0 : i32
    %dma_wait3A_287 = tpu.memref_slice %arg2[%dma_wait3A_285, %dma_wait3A_286] : memref<8192x256xf32, #tpu.memory_space<hbm>> -> memref<8192x256xf32, #tpu.memory_space<hbm>>
    tpu.wait_indirect_dma semaphore(%arg10 : memref<!tpu.dma_semaphore, #tpu.memory_space<semaphore_mem>>) src(%dma_wait3A_287 : memref<8192x256xf32, #tpu.memory_space<hbm>>) dst(%dma_wait3A_281 : memref<128x256xf32, #tpu.memory_space<vmem>>)
    %dma_wait3A_288 = arith.constant 0 : i32
    %dma_wait3A_289 = arith.constant 0 : i32
    %dma_wait3A_290 = arith.constant 0 : i32
    %dma_wait3A_291 = arith.constant 0 : i32
    %dma_wait3A_292 = tpu.memref_slice %arg9[%dma_wait3A_289, %dma_wait3A_290, %dma_wait3A_291] : memref<2x128x128xf32, #tpu.memory_space<vmem>> -> memref<1x128x128xf32, #tpu.memory_space<vmem>>
    %dma_wait3A_293 = tpu.memref_squeeze %dma_wait3A_292 : memref<1x128x128xf32, #tpu.memory_space<vmem>> -> memref<128x128xf32, #tpu.memory_space<vmem>>
    %dma_wait3A_294 = arith.constant 0 : i32
    %dma_wait3A_295 = tpu.memref_slice %arg7[%dma_wait3A_288, %dma_wait3A_294] : memref<2x128xi32, #tpu.memory_space<vmem>> -> memref<1x128xi32, #tpu.memory_space<vmem>>
    %dma_wait3A_296 = tpu.memref_squeeze %dma_wait3A_295 : memref<1x128xi32, #tpu.memory_space<vmem>> -> memref<128xi32, #tpu.memory_space<vmem>>
    %dma_wait3A_297 = arith.constant 0 : i32
    %dma_wait3A_298 = arith.constant 0 : i32
    %dma_wait3A_299 = tpu.memref_slice %arg3[%dma_wait3A_297, %dma_wait3A_298] : memref<8192x128xf32, #tpu.memory_space<hbm>> -> memref<8192x128xf32, #tpu.memory_space<hbm>>
    tpu.wait_indirect_dma semaphore(%arg10 : memref<!tpu.dma_semaphore, #tpu.memory_space<semaphore_mem>>) src(%dma_wait3A_299 : memref<8192x128xf32, #tpu.memory_space<hbm>>) dst(%dma_wait3A_293 : memref<128x128xf32, #tpu.memory_space<vmem>>)
    %run_scoped3A_300 = arith.constant 0 : i32
    "tpu.region"() ({
      %run_scoped3A_330 = tpu.sem_alloc : memref<!tpu.dma_semaphore, #tpu.memory_space<semaphore_mem>>
      %dma_start3A_331 = arith.constant 0 : i32
      %dma_start3A_332 = arith.constant 0 : i32
      %dma_start3A_333 = tpu.memref_slice %arg8[%run_scoped3A_300, %dma_start3A_331, %dma_start3A_332] : memref<2x128x256xf32, #tpu.memory_space<vmem>> -> memref<1x128x256xf32, #tpu.memory_space<vmem>>
      %dma_start3A_334 = tpu.memref_squeeze %dma_start3A_333 : memref<1x128x256xf32, #tpu.memory_space<vmem>> -> memref<128x256xf32, #tpu.memory_space<vmem>>
      %dma_start3A_335 = arith.constant 0 : i32
      %dma_start3A_336 = tpu.memref_slice %arg5[%add3A_275, %dma_start3A_335] : memref<24576x256xf32, #tpu.memory_space<hbm>> -> memref<128x256xf32, #tpu.memory_space<hbm>>
      %dma_start3A_337 = arith.constant 0 : i32
      %dma_start3A_338 = tpu.memref_slice %arg5[%add3A_275, %dma_start3A_337] : memref<24576x256xf32, #tpu.memory_space<hbm>> -> memref<128x256xf32, #tpu.memory_space<hbm>>
      %dma_start3A_339 = arith.constant 0 : i32
      %dma_start3A_340 = arith.constant 0 : i32
      %dma_start3A_341 = tpu.memref_slice %arg8[%run_scoped3A_300, %dma_start3A_339, %dma_start3A_340] : memref<2x128x256xf32, #tpu.memory_space<vmem>> -> memref<1x128x256xf32, #tpu.memory_space<vmem>>
      %dma_start3A_342 = tpu.memref_squeeze %dma_start3A_341 : memref<1x128x256xf32, #tpu.memory_space<vmem>> -> memref<128x256xf32, #tpu.memory_space<vmem>>
      tpu.enqueue_dma source(%dma_start3A_342 : memref<128x256xf32, #tpu.memory_space<vmem>>) target(%dma_start3A_338 : memref<128x256xf32, #tpu.memory_space<hbm>>) target_semaphore(%run_scoped3A_330 : memref<!tpu.dma_semaphore, #tpu.memory_space<semaphore_mem>>)
      %dma_wait3A_343 = arith.constant 0 : i32
      %dma_wait3A_344 = arith.constant 0 : i32
      %dma_wait3A_345 = tpu.memref_slice %arg8[%run_scoped3A_300, %dma_wait3A_343, %dma_wait3A_344] : memref<2x128x256xf32, #tpu.memory_space<vmem>> -> memref<1x128x256xf32, #tpu.memory_space<vmem>>
      %dma_wait3A_346 = tpu.memref_squeeze %dma_wait3A_345 : memref<1x128x256xf32, #tpu.memory_space<vmem>> -> memref<128x256xf32, #tpu.memory_space<vmem>>
      %dma_wait3A_347 = arith.constant 0 : i32
      %dma_wait3A_348 = tpu.memref_slice %arg5[%add3A_275, %dma_wait3A_347] : memref<24576x256xf32, #tpu.memory_space<hbm>> -> memref<128x256xf32, #tpu.memory_space<hbm>>
      %dma_wait3A_349 = arith.constant 0 : i32
      %dma_wait3A_350 = tpu.memref_slice %arg5[%add3A_275, %dma_wait3A_349] : memref<24576x256xf32, #tpu.memory_space<hbm>> -> memref<128x256xf32, #tpu.memory_space<hbm>>
      %dma_wait3A_351 = arith.constant 0 : i32
      %dma_wait3A_352 = arith.constant 0 : i32
      %dma_wait3A_353 = tpu.memref_slice %arg8[%run_scoped3A_300, %dma_wait3A_351, %dma_wait3A_352] : memref<2x128x256xf32, #tpu.memory_space<vmem>> -> memref<1x128x256xf32, #tpu.memory_space<vmem>>
      %dma_wait3A_354 = tpu.memref_squeeze %dma_wait3A_353 : memref<1x128x256xf32, #tpu.memory_space<vmem>> -> memref<128x256xf32, #tpu.memory_space<vmem>>
      tpu.wait_dma2 semaphore(%run_scoped3A_330 : memref<!tpu.dma_semaphore, #tpu.memory_space<semaphore_mem>>) src(%dma_wait3A_354 : memref<128x256xf32, #tpu.memory_space<vmem>>) dst(%dma_wait3A_350 : memref<128x256xf32, #tpu.memory_space<hbm>>)
      tpu.yield
    }) : () -> ()
    %run_scoped3A_301 = arith.constant 0 : i32
    "tpu.region"() ({
      %run_scoped3A_330 = tpu.sem_alloc : memref<!tpu.dma_semaphore, #tpu.memory_space<semaphore_mem>>
      %dma_start3A_331 = arith.constant 0 : i32
      %dma_start3A_332 = arith.constant 0 : i32
      %dma_start3A_333 = tpu.memref_slice %arg9[%run_scoped3A_301, %dma_start3A_331, %dma_start3A_332] : memref<2x128x128xf32, #tpu.memory_space<vmem>> -> memref<1x128x128xf32, #tpu.memory_space<vmem>>
      %dma_start3A_334 = tpu.memref_squeeze %dma_start3A_333 : memref<1x128x128xf32, #tpu.memory_space<vmem>> -> memref<128x128xf32, #tpu.memory_space<vmem>>
      %dma_start3A_335 = arith.constant 0 : i32
      %dma_start3A_336 = tpu.memref_slice %arg6[%add3A_275, %dma_start3A_335] : memref<24576x128xf32, #tpu.memory_space<hbm>> -> memref<128x128xf32, #tpu.memory_space<hbm>>
      %dma_start3A_337 = arith.constant 0 : i32
      %dma_start3A_338 = tpu.memref_slice %arg6[%add3A_275, %dma_start3A_337] : memref<24576x128xf32, #tpu.memory_space<hbm>> -> memref<128x128xf32, #tpu.memory_space<hbm>>
      %dma_start3A_339 = arith.constant 0 : i32
      %dma_start3A_340 = arith.constant 0 : i32
      %dma_start3A_341 = tpu.memref_slice %arg9[%run_scoped3A_301, %dma_start3A_339, %dma_start3A_340] : memref<2x128x128xf32, #tpu.memory_space<vmem>> -> memref<1x128x128xf32, #tpu.memory_space<vmem>>
      %dma_start3A_342 = tpu.memref_squeeze %dma_start3A_341 : memref<1x128x128xf32, #tpu.memory_space<vmem>> -> memref<128x128xf32, #tpu.memory_space<vmem>>
      tpu.enqueue_dma source(%dma_start3A_342 : memref<128x128xf32, #tpu.memory_space<vmem>>) target(%dma_start3A_338 : memref<128x128xf32, #tpu.memory_space<hbm>>) target_semaphore(%run_scoped3A_330 : memref<!tpu.dma_semaphore, #tpu.memory_space<semaphore_mem>>)
      %dma_wait3A_343 = arith.constant 0 : i32
      %dma_wait3A_344 = arith.constant 0 : i32
      %dma_wait3A_345 = tpu.memref_slice %arg9[%run_scoped3A_301, %dma_wait3A_343, %dma_wait3A_344] : memref<2x128x128xf32, #tpu.memory_space<vmem>> -> memref<1x128x128xf32, #tpu.memory_space<vmem>>
      %dma_wait3A_346 = tpu.memref_squeeze %dma_wait3A_345 : memref<1x128x128xf32, #tpu.memory_space<vmem>> -> memref<128x128xf32, #tpu.memory_space<vmem>>
      %dma_wait3A_347 = arith.constant 0 : i32
      %dma_wait3A_348 = tpu.memref_slice %arg6[%add3A_275, %dma_wait3A_347] : memref<24576x128xf32, #tpu.memory_space<hbm>> -> memref<128x128xf32, #tpu.memory_space<hbm>>
      %dma_wait3A_349 = arith.constant 0 : i32
      %dma_wait3A_350 = tpu.memref_slice %arg6[%add3A_275, %dma_wait3A_349] : memref<24576x128xf32, #tpu.memory_space<hbm>> -> memref<128x128xf32, #tpu.memory_space<hbm>>
      %dma_wait3A_351 = arith.constant 0 : i32
      %dma_wait3A_352 = arith.constant 0 : i32
      %dma_wait3A_353 = tpu.memref_slice %arg9[%run_scoped3A_301, %dma_wait3A_351, %dma_wait3A_352] : memref<2x128x128xf32, #tpu.memory_space<vmem>> -> memref<1x128x128xf32, #tpu.memory_space<vmem>>
      %dma_wait3A_354 = tpu.memref_squeeze %dma_wait3A_353 : memref<1x128x128xf32, #tpu.memory_space<vmem>> -> memref<128x128xf32, #tpu.memory_space<vmem>>
      tpu.wait_dma2 semaphore(%run_scoped3A_330 : memref<!tpu.dma_semaphore, #tpu.memory_space<semaphore_mem>>) src(%dma_wait3A_354 : memref<128x128xf32, #tpu.memory_space<vmem>>) dst(%dma_wait3A_350 : memref<128x128xf32, #tpu.memory_space<hbm>>)
      tpu.yield
    }) : () -> ()
    %add3A_302 = arith.constant 640 : i32
    %add3A_303 = arith.addi %mul3A_2, %add3A_302 : i32
    %dma_wait3A_304 = arith.constant 1 : i32
    %dma_wait3A_305 = arith.constant 1 : i32
    %dma_wait3A_306 = arith.constant 0 : i32
    %dma_wait3A_307 = arith.constant 0 : i32
    %dma_wait3A_308 = tpu.memref_slice %arg8[%dma_wait3A_305, %dma_wait3A_306, %dma_wait3A_307] : memref<2x128x256xf32, #tpu.memory_space<vmem>> -> memref<1x128x256xf32, #tpu.memory_space<vmem>>
    %dma_wait3A_309 = tpu.memref_squeeze %dma_wait3A_308 : memref<1x128x256xf32, #tpu.memory_space<vmem>> -> memref<128x256xf32, #tpu.memory_space<vmem>>
    %dma_wait3A_310 = arith.constant 0 : i32
    %dma_wait3A_311 = tpu.memref_slice %arg7[%dma_wait3A_304, %dma_wait3A_310] : memref<2x128xi32, #tpu.memory_space<vmem>> -> memref<1x128xi32, #tpu.memory_space<vmem>>
    %dma_wait3A_312 = tpu.memref_squeeze %dma_wait3A_311 : memref<1x128xi32, #tpu.memory_space<vmem>> -> memref<128xi32, #tpu.memory_space<vmem>>
    %dma_wait3A_313 = arith.constant 0 : i32
    %dma_wait3A_314 = arith.constant 0 : i32
    %dma_wait3A_315 = tpu.memref_slice %arg2[%dma_wait3A_313, %dma_wait3A_314] : memref<8192x256xf32, #tpu.memory_space<hbm>> -> memref<8192x256xf32, #tpu.memory_space<hbm>>
    tpu.wait_indirect_dma semaphore(%arg11 : memref<!tpu.dma_semaphore, #tpu.memory_space<semaphore_mem>>) src(%dma_wait3A_315 : memref<8192x256xf32, #tpu.memory_space<hbm>>) dst(%dma_wait3A_309 : memref<128x256xf32, #tpu.memory_space<vmem>>)
    %dma_wait3A_316 = arith.constant 1 : i32
    %dma_wait3A_317 = arith.constant 1 : i32
    %dma_wait3A_318 = arith.constant 0 : i32
    %dma_wait3A_319 = arith.constant 0 : i32
    %dma_wait3A_320 = tpu.memref_slice %arg9[%dma_wait3A_317, %dma_wait3A_318, %dma_wait3A_319] : memref<2x128x128xf32, #tpu.memory_space<vmem>> -> memref<1x128x128xf32, #tpu.memory_space<vmem>>
    %dma_wait3A_321 = tpu.memref_squeeze %dma_wait3A_320 : memref<1x128x128xf32, #tpu.memory_space<vmem>> -> memref<128x128xf32, #tpu.memory_space<vmem>>
    %dma_wait3A_322 = arith.constant 0 : i32
    %dma_wait3A_323 = tpu.memref_slice %arg7[%dma_wait3A_316, %dma_wait3A_322] : memref<2x128xi32, #tpu.memory_space<vmem>> -> memref<1x128xi32, #tpu.memory_space<vmem>>
    %dma_wait3A_324 = tpu.memref_squeeze %dma_wait3A_323 : memref<1x128xi32, #tpu.memory_space<vmem>> -> memref<128xi32, #tpu.memory_space<vmem>>
    %dma_wait3A_325 = arith.constant 0 : i32
    %dma_wait3A_326 = arith.constant 0 : i32
    %dma_wait3A_327 = tpu.memref_slice %arg3[%dma_wait3A_325, %dma_wait3A_326] : memref<8192x128xf32, #tpu.memory_space<hbm>> -> memref<8192x128xf32, #tpu.memory_space<hbm>>
    tpu.wait_indirect_dma semaphore(%arg11 : memref<!tpu.dma_semaphore, #tpu.memory_space<semaphore_mem>>) src(%dma_wait3A_327 : memref<8192x128xf32, #tpu.memory_space<hbm>>) dst(%dma_wait3A_321 : memref<128x128xf32, #tpu.memory_space<vmem>>)
    %run_scoped3A_328 = arith.constant 1 : i32
    "tpu.region"() ({
      %run_scoped3A_330 = tpu.sem_alloc : memref<!tpu.dma_semaphore, #tpu.memory_space<semaphore_mem>>
      %dma_start3A_331 = arith.constant 0 : i32
      %dma_start3A_332 = arith.constant 0 : i32
      %dma_start3A_333 = tpu.memref_slice %arg8[%run_scoped3A_328, %dma_start3A_331, %dma_start3A_332] : memref<2x128x256xf32, #tpu.memory_space<vmem>> -> memref<1x128x256xf32, #tpu.memory_space<vmem>>
      %dma_start3A_334 = tpu.memref_squeeze %dma_start3A_333 : memref<1x128x256xf32, #tpu.memory_space<vmem>> -> memref<128x256xf32, #tpu.memory_space<vmem>>
      %dma_start3A_335 = arith.constant 0 : i32
      %dma_start3A_336 = tpu.memref_slice %arg5[%add3A_303, %dma_start3A_335] : memref<24576x256xf32, #tpu.memory_space<hbm>> -> memref<128x256xf32, #tpu.memory_space<hbm>>
      %dma_start3A_337 = arith.constant 0 : i32
      %dma_start3A_338 = tpu.memref_slice %arg5[%add3A_303, %dma_start3A_337] : memref<24576x256xf32, #tpu.memory_space<hbm>> -> memref<128x256xf32, #tpu.memory_space<hbm>>
      %dma_start3A_339 = arith.constant 0 : i32
      %dma_start3A_340 = arith.constant 0 : i32
      %dma_start3A_341 = tpu.memref_slice %arg8[%run_scoped3A_328, %dma_start3A_339, %dma_start3A_340] : memref<2x128x256xf32, #tpu.memory_space<vmem>> -> memref<1x128x256xf32, #tpu.memory_space<vmem>>
      %dma_start3A_342 = tpu.memref_squeeze %dma_start3A_341 : memref<1x128x256xf32, #tpu.memory_space<vmem>> -> memref<128x256xf32, #tpu.memory_space<vmem>>
      tpu.enqueue_dma source(%dma_start3A_342 : memref<128x256xf32, #tpu.memory_space<vmem>>) target(%dma_start3A_338 : memref<128x256xf32, #tpu.memory_space<hbm>>) target_semaphore(%run_scoped3A_330 : memref<!tpu.dma_semaphore, #tpu.memory_space<semaphore_mem>>)
      %dma_wait3A_343 = arith.constant 0 : i32
      %dma_wait3A_344 = arith.constant 0 : i32
      %dma_wait3A_345 = tpu.memref_slice %arg8[%run_scoped3A_328, %dma_wait3A_343, %dma_wait3A_344] : memref<2x128x256xf32, #tpu.memory_space<vmem>> -> memref<1x128x256xf32, #tpu.memory_space<vmem>>
      %dma_wait3A_346 = tpu.memref_squeeze %dma_wait3A_345 : memref<1x128x256xf32, #tpu.memory_space<vmem>> -> memref<128x256xf32, #tpu.memory_space<vmem>>
      %dma_wait3A_347 = arith.constant 0 : i32
      %dma_wait3A_348 = tpu.memref_slice %arg5[%add3A_303, %dma_wait3A_347] : memref<24576x256xf32, #tpu.memory_space<hbm>> -> memref<128x256xf32, #tpu.memory_space<hbm>>
      %dma_wait3A_349 = arith.constant 0 : i32
      %dma_wait3A_350 = tpu.memref_slice %arg5[%add3A_303, %dma_wait3A_349] : memref<24576x256xf32, #tpu.memory_space<hbm>> -> memref<128x256xf32, #tpu.memory_space<hbm>>
      %dma_wait3A_351 = arith.constant 0 : i32
      %dma_wait3A_352 = arith.constant 0 : i32
      %dma_wait3A_353 = tpu.memref_slice %arg8[%run_scoped3A_328, %dma_wait3A_351, %dma_wait3A_352] : memref<2x128x256xf32, #tpu.memory_space<vmem>> -> memref<1x128x256xf32, #tpu.memory_space<vmem>>
      %dma_wait3A_354 = tpu.memref_squeeze %dma_wait3A_353 : memref<1x128x256xf32, #tpu.memory_space<vmem>> -> memref<128x256xf32, #tpu.memory_space<vmem>>
      tpu.wait_dma2 semaphore(%run_scoped3A_330 : memref<!tpu.dma_semaphore, #tpu.memory_space<semaphore_mem>>) src(%dma_wait3A_354 : memref<128x256xf32, #tpu.memory_space<vmem>>) dst(%dma_wait3A_350 : memref<128x256xf32, #tpu.memory_space<hbm>>)
      tpu.yield
    }) : () -> ()
    %run_scoped3A_329 = arith.constant 1 : i32
    "tpu.region"() ({
      %run_scoped3A_330 = tpu.sem_alloc : memref<!tpu.dma_semaphore, #tpu.memory_space<semaphore_mem>>
      %dma_start3A_331 = arith.constant 0 : i32
      %dma_start3A_332 = arith.constant 0 : i32
      %dma_start3A_333 = tpu.memref_slice %arg9[%run_scoped3A_329, %dma_start3A_331, %dma_start3A_332] : memref<2x128x128xf32, #tpu.memory_space<vmem>> -> memref<1x128x128xf32, #tpu.memory_space<vmem>>
      %dma_start3A_334 = tpu.memref_squeeze %dma_start3A_333 : memref<1x128x128xf32, #tpu.memory_space<vmem>> -> memref<128x128xf32, #tpu.memory_space<vmem>>
      %dma_start3A_335 = arith.constant 0 : i32
      %dma_start3A_336 = tpu.memref_slice %arg6[%add3A_303, %dma_start3A_335] : memref<24576x128xf32, #tpu.memory_space<hbm>> -> memref<128x128xf32, #tpu.memory_space<hbm>>
      %dma_start3A_337 = arith.constant 0 : i32
      %dma_start3A_338 = tpu.memref_slice %arg6[%add3A_303, %dma_start3A_337] : memref<24576x128xf32, #tpu.memory_space<hbm>> -> memref<128x128xf32, #tpu.memory_space<hbm>>
      %dma_start3A_339 = arith.constant 0 : i32
      %dma_start3A_340 = arith.constant 0 : i32
      %dma_start3A_341 = tpu.memref_slice %arg9[%run_scoped3A_329, %dma_start3A_339, %dma_start3A_340] : memref<2x128x128xf32, #tpu.memory_space<vmem>> -> memref<1x128x128xf32, #tpu.memory_space<vmem>>
      %dma_start3A_342 = tpu.memref_squeeze %dma_start3A_341 : memref<1x128x128xf32, #tpu.memory_space<vmem>> -> memref<128x128xf32, #tpu.memory_space<vmem>>
      tpu.enqueue_dma source(%dma_start3A_342 : memref<128x128xf32, #tpu.memory_space<vmem>>) target(%dma_start3A_338 : memref<128x128xf32, #tpu.memory_space<hbm>>) target_semaphore(%run_scoped3A_330 : memref<!tpu.dma_semaphore, #tpu.memory_space<semaphore_mem>>)
      %dma_wait3A_343 = arith.constant 0 : i32
      %dma_wait3A_344 = arith.constant 0 : i32
      %dma_wait3A_345 = tpu.memref_slice %arg9[%run_scoped3A_329, %dma_wait3A_343, %dma_wait3A_344] : memref<2x128x128xf32, #tpu.memory_space<vmem>> -> memref<1x128x128xf32, #tpu.memory_space<vmem>>
      %dma_wait3A_346 = tpu.memref_squeeze %dma_wait3A_345 : memref<1x128x128xf32, #tpu.memory_space<vmem>> -> memref<128x128xf32, #tpu.memory_space<vmem>>
      %dma_wait3A_347 = arith.constant 0 : i32
      %dma_wait3A_348 = tpu.memref_slice %arg6[%add3A_303, %dma_wait3A_347] : memref<24576x128xf32, #tpu.memory_space<hbm>> -> memref<128x128xf32, #tpu.memory_space<hbm>>
      %dma_wait3A_349 = arith.constant 0 : i32
      %dma_wait3A_350 = tpu.memref_slice %arg6[%add3A_303, %dma_wait3A_349] : memref<24576x128xf32, #tpu.memory_space<hbm>> -> memref<128x128xf32, #tpu.memory_space<hbm>>
      %dma_wait3A_351 = arith.constant 0 : i32
      %dma_wait3A_352 = arith.constant 0 : i32
      %dma_wait3A_353 = tpu.memref_slice %arg9[%run_scoped3A_329, %dma_wait3A_351, %dma_wait3A_352] : memref<2x128x128xf32, #tpu.memory_space<vmem>> -> memref<1x128x128xf32, #tpu.memory_space<vmem>>
      %dma_wait3A_354 = tpu.memref_squeeze %dma_wait3A_353 : memref<1x128x128xf32, #tpu.memory_space<vmem>> -> memref<128x128xf32, #tpu.memory_space<vmem>>
      tpu.wait_dma2 semaphore(%run_scoped3A_330 : memref<!tpu.dma_semaphore, #tpu.memory_space<semaphore_mem>>) src(%dma_wait3A_354 : memref<128x128xf32, #tpu.memory_space<vmem>>) dst(%dma_wait3A_350 : memref<128x128xf32, #tpu.memory_space<hbm>>)
      tpu.yield
    }) : () -> ()
    return
  }
}

module attributes {stable_mosaic.version = 14 : i64} {
  func.func @_knn_body(%arg0: i32, %arg1: i32, %arg2: memref<1x3x1024xf32, #tpu.memory_space<vmem>>, %arg3: memref<1x3x4096xf32, #tpu.memory_space<vmem>>, %arg4: memref<1x3x1024xi32, #tpu.memory_space<vmem>>) attributes {dimension_semantics = [#tpu.dimension_semantics<arbitrary>, #tpu.dimension_semantics<arbitrary>], iteration_bounds = array<i64: 2, 4>, scalar_prefetch = 0 : i64, scratch_operands = 0 : i64, tpu.core_type = #tpu.core_type<tc>, window_params = [{transform_indices = @transform_0, window_bounds = array<i64: 1, 3, 1024>}, {transform_indices = @transform_1, window_bounds = array<i64: 1, 3, 4096>}, {transform_indices = @transform_2, window_bounds = array<i64: 1, 3, 1024>}]} {
    %get3A = arith.constant 0 : index
    %get3A_0 = arith.constant 0 : index
    %get3A_1 = arith.constant 0 : index
    %get3A_2 = vector.load %arg2[%get3A, %get3A_0, %get3A_1] : memref<1x3x1024xf32, #tpu.memory_space<vmem>>, vector<1x3x1024xf32>
    %get3A_3 = vector.shape_cast %get3A_2 : vector<1x3x1024xf32> to vector<3x1024xf32>
    %get3A_4 = arith.constant 0 : index
    %get3A_5 = arith.constant 0 : index
    %get3A_6 = arith.constant 0 : index
    %get3A_7 = vector.load %arg3[%get3A_4, %get3A_5, %get3A_6] : memref<1x3x4096xf32, #tpu.memory_space<vmem>>, vector<1x3x4096xf32>
    %get3A_8 = vector.shape_cast %get3A_7 : vector<1x3x4096xf32> to vector<3x4096xf32>
    %mul3A = arith.mulf %get3A_8, %get3A_8 : vector<3x4096xf32>
    %reduce_sum3A = arith.constant dense<0.000000e+00> : vector<4096xf32>
    %reduce_sum3A_9 = vector.multi_reduction <add>, %mul3A, %reduce_sum3A [0] : vector<3x4096xf32> to vector<4096xf32>
    %mul3A_10 = arith.constant -2.000000e+00 : f32
    %mul3A_11 = vector.broadcast %mul3A_10 : f32 to vector<3x1024xf32>
    %mul3A_12 = arith.mulf %mul3A_11, %get3A_3 : vector<3x1024xf32>
    %dot_general3A = arith.constant dense<0.000000e+00> : vector<1024x4096xf32>
    %dot_general3A_13 = tpu.matmul %mul3A_12, %get3A_8, %dot_general3A {dimension_numbers = #tpu.dot_dimension_numbers<[0], [0], [1], [1], [0, 1, 1, 1], [], []>, transpose_lhs_hint = false} : vector<3x1024xf32>, vector<3x4096xf32>, vector<1024x4096xf32> -> vector<1024x4096xf32>
    %broadcast_in_dim3A = vector.shape_cast %reduce_sum3A_9 : vector<4096xf32> to vector<1x4096xf32>
    %add3A = vector.broadcast %broadcast_in_dim3A : vector<1x4096xf32> to vector<1024x4096xf32>
    %add3A_14 = arith.addf %dot_general3A_13, %add3A : vector<1024x4096xf32>
    %broadcast_in_dim3A_15 = arith.constant 3.000000e+38 : f32
    %broadcast_in_dim3A_16 = vector.broadcast %broadcast_in_dim3A_15 : f32 to vector<1024x128xf32>
    %broadcast_in_dim3A_17 = arith.constant 3.000000e+38 : f32
    %broadcast_in_dim3A_18 = vector.broadcast %broadcast_in_dim3A_17 : f32 to vector<1024x128xf32>
    %broadcast_in_dim3A_19 = arith.constant 0 : i32
    %broadcast_in_dim3A_20 = vector.broadcast %broadcast_in_dim3A_19 : i32 to vector<1024x128xi32>
    %broadcast_in_dim3A_21 = arith.constant 0 : i32
    %broadcast_in_dim3A_22 = vector.broadcast %broadcast_in_dim3A_21 : i32 to vector<1024x128xi32>
    %slice3A = vector.extract_strided_slice %add3A_14 {offsets = [0, 0], sizes = [1024, 128], strides = [1, 1]} : vector<1024x4096xf32> to vector<1024x128xf32>
    %lt3A = arith.cmpf olt, %slice3A, %broadcast_in_dim3A_16 : vector<1024x128xf32>
    %lt3A_23 = arith.cmpf olt, %slice3A, %broadcast_in_dim3A_18 : vector<1024x128xf32>
    %select_n3A = arith.select %lt3A_23, %slice3A, %broadcast_in_dim3A_18 : vector<1024x128xi1>, vector<1024x128xf32>
    %select_n3A_24 = arith.select %lt3A, %broadcast_in_dim3A_16, %select_n3A : vector<1024x128xi1>, vector<1024x128xf32>
    %jit3A = arith.constant 0 : i32
    %broadcast_in_dim3A_25 = vector.broadcast %jit3A : i32 to vector<1024x128xi32>
    %select_n3A_26 = arith.select %lt3A_23, %broadcast_in_dim3A_25, %broadcast_in_dim3A_22 : vector<1024x128xi1>, vector<1024x128xi32>
    %select_n3A_27 = arith.select %lt3A, %broadcast_in_dim3A_20, %select_n3A_26 : vector<1024x128xi1>, vector<1024x128xi32>
    %select_n3A_28 = arith.select %lt3A, %slice3A, %broadcast_in_dim3A_16 : vector<1024x128xi1>, vector<1024x128xf32>
    %jit3A_29 = arith.constant 0 : i32
    %broadcast_in_dim3A_30 = vector.broadcast %jit3A_29 : i32 to vector<1024x128xi32>
    %select_n3A_31 = arith.select %lt3A, %broadcast_in_dim3A_30, %broadcast_in_dim3A_20 : vector<1024x128xi1>, vector<1024x128xi32>
    %slice3A_32 = vector.extract_strided_slice %add3A_14 {offsets = [0, 128], sizes = [1024, 128], strides = [1, 1]} : vector<1024x4096xf32> to vector<1024x128xf32>
    %lt3A_33 = arith.cmpf olt, %slice3A_32, %select_n3A_28 : vector<1024x128xf32>
    %lt3A_34 = arith.cmpf olt, %slice3A_32, %select_n3A_24 : vector<1024x128xf32>
    %select_n3A_35 = arith.select %lt3A_34, %slice3A_32, %select_n3A_24 : vector<1024x128xi1>, vector<1024x128xf32>
    %select_n3A_36 = arith.select %lt3A_33, %select_n3A_28, %select_n3A_35 : vector<1024x128xi1>, vector<1024x128xf32>
    %jit3A_37 = arith.constant 1 : i32
    %broadcast_in_dim3A_38 = vector.broadcast %jit3A_37 : i32 to vector<1024x128xi32>
    %select_n3A_39 = arith.select %lt3A_34, %broadcast_in_dim3A_38, %select_n3A_27 : vector<1024x128xi1>, vector<1024x128xi32>
    %select_n3A_40 = arith.select %lt3A_33, %select_n3A_31, %select_n3A_39 : vector<1024x128xi1>, vector<1024x128xi32>
    %select_n3A_41 = arith.select %lt3A_33, %slice3A_32, %select_n3A_28 : vector<1024x128xi1>, vector<1024x128xf32>
    %jit3A_42 = arith.constant 1 : i32
    %broadcast_in_dim3A_43 = vector.broadcast %jit3A_42 : i32 to vector<1024x128xi32>
    %select_n3A_44 = arith.select %lt3A_33, %broadcast_in_dim3A_43, %select_n3A_31 : vector<1024x128xi1>, vector<1024x128xi32>
    %slice3A_45 = vector.extract_strided_slice %add3A_14 {offsets = [0, 256], sizes = [1024, 128], strides = [1, 1]} : vector<1024x4096xf32> to vector<1024x128xf32>
    %lt3A_46 = arith.cmpf olt, %slice3A_45, %select_n3A_41 : vector<1024x128xf32>
    %lt3A_47 = arith.cmpf olt, %slice3A_45, %select_n3A_36 : vector<1024x128xf32>
    %select_n3A_48 = arith.select %lt3A_47, %slice3A_45, %select_n3A_36 : vector<1024x128xi1>, vector<1024x128xf32>
    %select_n3A_49 = arith.select %lt3A_46, %select_n3A_41, %select_n3A_48 : vector<1024x128xi1>, vector<1024x128xf32>
    %jit3A_50 = arith.constant 2 : i32
    %broadcast_in_dim3A_51 = vector.broadcast %jit3A_50 : i32 to vector<1024x128xi32>
    %select_n3A_52 = arith.select %lt3A_47, %broadcast_in_dim3A_51, %select_n3A_40 : vector<1024x128xi1>, vector<1024x128xi32>
    %select_n3A_53 = arith.select %lt3A_46, %select_n3A_44, %select_n3A_52 : vector<1024x128xi1>, vector<1024x128xi32>
    %select_n3A_54 = arith.select %lt3A_46, %slice3A_45, %select_n3A_41 : vector<1024x128xi1>, vector<1024x128xf32>
    %jit3A_55 = arith.constant 2 : i32
    %broadcast_in_dim3A_56 = vector.broadcast %jit3A_55 : i32 to vector<1024x128xi32>
    %select_n3A_57 = arith.select %lt3A_46, %broadcast_in_dim3A_56, %select_n3A_44 : vector<1024x128xi1>, vector<1024x128xi32>
    %slice3A_58 = vector.extract_strided_slice %add3A_14 {offsets = [0, 384], sizes = [1024, 128], strides = [1, 1]} : vector<1024x4096xf32> to vector<1024x128xf32>
    %lt3A_59 = arith.cmpf olt, %slice3A_58, %select_n3A_54 : vector<1024x128xf32>
    %lt3A_60 = arith.cmpf olt, %slice3A_58, %select_n3A_49 : vector<1024x128xf32>
    %select_n3A_61 = arith.select %lt3A_60, %slice3A_58, %select_n3A_49 : vector<1024x128xi1>, vector<1024x128xf32>
    %select_n3A_62 = arith.select %lt3A_59, %select_n3A_54, %select_n3A_61 : vector<1024x128xi1>, vector<1024x128xf32>
    %jit3A_63 = arith.constant 3 : i32
    %broadcast_in_dim3A_64 = vector.broadcast %jit3A_63 : i32 to vector<1024x128xi32>
    %select_n3A_65 = arith.select %lt3A_60, %broadcast_in_dim3A_64, %select_n3A_53 : vector<1024x128xi1>, vector<1024x128xi32>
    %select_n3A_66 = arith.select %lt3A_59, %select_n3A_57, %select_n3A_65 : vector<1024x128xi1>, vector<1024x128xi32>
    %select_n3A_67 = arith.select %lt3A_59, %slice3A_58, %select_n3A_54 : vector<1024x128xi1>, vector<1024x128xf32>
    %jit3A_68 = arith.constant 3 : i32
    %broadcast_in_dim3A_69 = vector.broadcast %jit3A_68 : i32 to vector<1024x128xi32>
    %select_n3A_70 = arith.select %lt3A_59, %broadcast_in_dim3A_69, %select_n3A_57 : vector<1024x128xi1>, vector<1024x128xi32>
    %slice3A_71 = vector.extract_strided_slice %add3A_14 {offsets = [0, 512], sizes = [1024, 128], strides = [1, 1]} : vector<1024x4096xf32> to vector<1024x128xf32>
    %lt3A_72 = arith.cmpf olt, %slice3A_71, %select_n3A_67 : vector<1024x128xf32>
    %lt3A_73 = arith.cmpf olt, %slice3A_71, %select_n3A_62 : vector<1024x128xf32>
    %select_n3A_74 = arith.select %lt3A_73, %slice3A_71, %select_n3A_62 : vector<1024x128xi1>, vector<1024x128xf32>
    %select_n3A_75 = arith.select %lt3A_72, %select_n3A_67, %select_n3A_74 : vector<1024x128xi1>, vector<1024x128xf32>
    %jit3A_76 = arith.constant 4 : i32
    %broadcast_in_dim3A_77 = vector.broadcast %jit3A_76 : i32 to vector<1024x128xi32>
    %select_n3A_78 = arith.select %lt3A_73, %broadcast_in_dim3A_77, %select_n3A_66 : vector<1024x128xi1>, vector<1024x128xi32>
    %select_n3A_79 = arith.select %lt3A_72, %select_n3A_70, %select_n3A_78 : vector<1024x128xi1>, vector<1024x128xi32>
    %select_n3A_80 = arith.select %lt3A_72, %slice3A_71, %select_n3A_67 : vector<1024x128xi1>, vector<1024x128xf32>
    %jit3A_81 = arith.constant 4 : i32
    %broadcast_in_dim3A_82 = vector.broadcast %jit3A_81 : i32 to vector<1024x128xi32>
    %select_n3A_83 = arith.select %lt3A_72, %broadcast_in_dim3A_82, %select_n3A_70 : vector<1024x128xi1>, vector<1024x128xi32>
    %slice3A_84 = vector.extract_strided_slice %add3A_14 {offsets = [0, 640], sizes = [1024, 128], strides = [1, 1]} : vector<1024x4096xf32> to vector<1024x128xf32>
    %lt3A_85 = arith.cmpf olt, %slice3A_84, %select_n3A_80 : vector<1024x128xf32>
    %lt3A_86 = arith.cmpf olt, %slice3A_84, %select_n3A_75 : vector<1024x128xf32>
    %select_n3A_87 = arith.select %lt3A_86, %slice3A_84, %select_n3A_75 : vector<1024x128xi1>, vector<1024x128xf32>
    %select_n3A_88 = arith.select %lt3A_85, %select_n3A_80, %select_n3A_87 : vector<1024x128xi1>, vector<1024x128xf32>
    %jit3A_89 = arith.constant 5 : i32
    %broadcast_in_dim3A_90 = vector.broadcast %jit3A_89 : i32 to vector<1024x128xi32>
    %select_n3A_91 = arith.select %lt3A_86, %broadcast_in_dim3A_90, %select_n3A_79 : vector<1024x128xi1>, vector<1024x128xi32>
    %select_n3A_92 = arith.select %lt3A_85, %select_n3A_83, %select_n3A_91 : vector<1024x128xi1>, vector<1024x128xi32>
    %select_n3A_93 = arith.select %lt3A_85, %slice3A_84, %select_n3A_80 : vector<1024x128xi1>, vector<1024x128xf32>
    %jit3A_94 = arith.constant 5 : i32
    %broadcast_in_dim3A_95 = vector.broadcast %jit3A_94 : i32 to vector<1024x128xi32>
    %select_n3A_96 = arith.select %lt3A_85, %broadcast_in_dim3A_95, %select_n3A_83 : vector<1024x128xi1>, vector<1024x128xi32>
    %slice3A_97 = vector.extract_strided_slice %add3A_14 {offsets = [0, 768], sizes = [1024, 128], strides = [1, 1]} : vector<1024x4096xf32> to vector<1024x128xf32>
    %lt3A_98 = arith.cmpf olt, %slice3A_97, %select_n3A_93 : vector<1024x128xf32>
    %lt3A_99 = arith.cmpf olt, %slice3A_97, %select_n3A_88 : vector<1024x128xf32>
    %select_n3A_100 = arith.select %lt3A_99, %slice3A_97, %select_n3A_88 : vector<1024x128xi1>, vector<1024x128xf32>
    %select_n3A_101 = arith.select %lt3A_98, %select_n3A_93, %select_n3A_100 : vector<1024x128xi1>, vector<1024x128xf32>
    %jit3A_102 = arith.constant 6 : i32
    %broadcast_in_dim3A_103 = vector.broadcast %jit3A_102 : i32 to vector<1024x128xi32>
    %select_n3A_104 = arith.select %lt3A_99, %broadcast_in_dim3A_103, %select_n3A_92 : vector<1024x128xi1>, vector<1024x128xi32>
    %select_n3A_105 = arith.select %lt3A_98, %select_n3A_96, %select_n3A_104 : vector<1024x128xi1>, vector<1024x128xi32>
    %select_n3A_106 = arith.select %lt3A_98, %slice3A_97, %select_n3A_93 : vector<1024x128xi1>, vector<1024x128xf32>
    %jit3A_107 = arith.constant 6 : i32
    %broadcast_in_dim3A_108 = vector.broadcast %jit3A_107 : i32 to vector<1024x128xi32>
    %select_n3A_109 = arith.select %lt3A_98, %broadcast_in_dim3A_108, %select_n3A_96 : vector<1024x128xi1>, vector<1024x128xi32>
    %slice3A_110 = vector.extract_strided_slice %add3A_14 {offsets = [0, 896], sizes = [1024, 128], strides = [1, 1]} : vector<1024x4096xf32> to vector<1024x128xf32>
    %lt3A_111 = arith.cmpf olt, %slice3A_110, %select_n3A_106 : vector<1024x128xf32>
    %lt3A_112 = arith.cmpf olt, %slice3A_110, %select_n3A_101 : vector<1024x128xf32>
    %select_n3A_113 = arith.select %lt3A_112, %slice3A_110, %select_n3A_101 : vector<1024x128xi1>, vector<1024x128xf32>
    %select_n3A_114 = arith.select %lt3A_111, %select_n3A_106, %select_n3A_113 : vector<1024x128xi1>, vector<1024x128xf32>
    %jit3A_115 = arith.constant 7 : i32
    %broadcast_in_dim3A_116 = vector.broadcast %jit3A_115 : i32 to vector<1024x128xi32>
    %select_n3A_117 = arith.select %lt3A_112, %broadcast_in_dim3A_116, %select_n3A_105 : vector<1024x128xi1>, vector<1024x128xi32>
    %select_n3A_118 = arith.select %lt3A_111, %select_n3A_109, %select_n3A_117 : vector<1024x128xi1>, vector<1024x128xi32>
    %select_n3A_119 = arith.select %lt3A_111, %slice3A_110, %select_n3A_106 : vector<1024x128xi1>, vector<1024x128xf32>
    %jit3A_120 = arith.constant 7 : i32
    %broadcast_in_dim3A_121 = vector.broadcast %jit3A_120 : i32 to vector<1024x128xi32>
    %select_n3A_122 = arith.select %lt3A_111, %broadcast_in_dim3A_121, %select_n3A_109 : vector<1024x128xi1>, vector<1024x128xi32>
    %slice3A_123 = vector.extract_strided_slice %add3A_14 {offsets = [0, 1024], sizes = [1024, 128], strides = [1, 1]} : vector<1024x4096xf32> to vector<1024x128xf32>
    %lt3A_124 = arith.cmpf olt, %slice3A_123, %select_n3A_119 : vector<1024x128xf32>
    %lt3A_125 = arith.cmpf olt, %slice3A_123, %select_n3A_114 : vector<1024x128xf32>
    %select_n3A_126 = arith.select %lt3A_125, %slice3A_123, %select_n3A_114 : vector<1024x128xi1>, vector<1024x128xf32>
    %select_n3A_127 = arith.select %lt3A_124, %select_n3A_119, %select_n3A_126 : vector<1024x128xi1>, vector<1024x128xf32>
    %jit3A_128 = arith.constant 8 : i32
    %broadcast_in_dim3A_129 = vector.broadcast %jit3A_128 : i32 to vector<1024x128xi32>
    %select_n3A_130 = arith.select %lt3A_125, %broadcast_in_dim3A_129, %select_n3A_118 : vector<1024x128xi1>, vector<1024x128xi32>
    %select_n3A_131 = arith.select %lt3A_124, %select_n3A_122, %select_n3A_130 : vector<1024x128xi1>, vector<1024x128xi32>
    %select_n3A_132 = arith.select %lt3A_124, %slice3A_123, %select_n3A_119 : vector<1024x128xi1>, vector<1024x128xf32>
    %jit3A_133 = arith.constant 8 : i32
    %broadcast_in_dim3A_134 = vector.broadcast %jit3A_133 : i32 to vector<1024x128xi32>
    %select_n3A_135 = arith.select %lt3A_124, %broadcast_in_dim3A_134, %select_n3A_122 : vector<1024x128xi1>, vector<1024x128xi32>
    %slice3A_136 = vector.extract_strided_slice %add3A_14 {offsets = [0, 1152], sizes = [1024, 128], strides = [1, 1]} : vector<1024x4096xf32> to vector<1024x128xf32>
    %lt3A_137 = arith.cmpf olt, %slice3A_136, %select_n3A_132 : vector<1024x128xf32>
    %lt3A_138 = arith.cmpf olt, %slice3A_136, %select_n3A_127 : vector<1024x128xf32>
    %select_n3A_139 = arith.select %lt3A_138, %slice3A_136, %select_n3A_127 : vector<1024x128xi1>, vector<1024x128xf32>
    %select_n3A_140 = arith.select %lt3A_137, %select_n3A_132, %select_n3A_139 : vector<1024x128xi1>, vector<1024x128xf32>
    %jit3A_141 = arith.constant 9 : i32
    %broadcast_in_dim3A_142 = vector.broadcast %jit3A_141 : i32 to vector<1024x128xi32>
    %select_n3A_143 = arith.select %lt3A_138, %broadcast_in_dim3A_142, %select_n3A_131 : vector<1024x128xi1>, vector<1024x128xi32>
    %select_n3A_144 = arith.select %lt3A_137, %select_n3A_135, %select_n3A_143 : vector<1024x128xi1>, vector<1024x128xi32>
    %select_n3A_145 = arith.select %lt3A_137, %slice3A_136, %select_n3A_132 : vector<1024x128xi1>, vector<1024x128xf32>
    %jit3A_146 = arith.constant 9 : i32
    %broadcast_in_dim3A_147 = vector.broadcast %jit3A_146 : i32 to vector<1024x128xi32>
    %select_n3A_148 = arith.select %lt3A_137, %broadcast_in_dim3A_147, %select_n3A_135 : vector<1024x128xi1>, vector<1024x128xi32>
    %slice3A_149 = vector.extract_strided_slice %add3A_14 {offsets = [0, 1280], sizes = [1024, 128], strides = [1, 1]} : vector<1024x4096xf32> to vector<1024x128xf32>
    %lt3A_150 = arith.cmpf olt, %slice3A_149, %select_n3A_145 : vector<1024x128xf32>
    %lt3A_151 = arith.cmpf olt, %slice3A_149, %select_n3A_140 : vector<1024x128xf32>
    %select_n3A_152 = arith.select %lt3A_151, %slice3A_149, %select_n3A_140 : vector<1024x128xi1>, vector<1024x128xf32>
    %select_n3A_153 = arith.select %lt3A_150, %select_n3A_145, %select_n3A_152 : vector<1024x128xi1>, vector<1024x128xf32>
    %jit3A_154 = arith.constant 10 : i32
    %broadcast_in_dim3A_155 = vector.broadcast %jit3A_154 : i32 to vector<1024x128xi32>
    %select_n3A_156 = arith.select %lt3A_151, %broadcast_in_dim3A_155, %select_n3A_144 : vector<1024x128xi1>, vector<1024x128xi32>
    %select_n3A_157 = arith.select %lt3A_150, %select_n3A_148, %select_n3A_156 : vector<1024x128xi1>, vector<1024x128xi32>
    %select_n3A_158 = arith.select %lt3A_150, %slice3A_149, %select_n3A_145 : vector<1024x128xi1>, vector<1024x128xf32>
    %jit3A_159 = arith.constant 10 : i32
    %broadcast_in_dim3A_160 = vector.broadcast %jit3A_159 : i32 to vector<1024x128xi32>
    %select_n3A_161 = arith.select %lt3A_150, %broadcast_in_dim3A_160, %select_n3A_148 : vector<1024x128xi1>, vector<1024x128xi32>
    %slice3A_162 = vector.extract_strided_slice %add3A_14 {offsets = [0, 1408], sizes = [1024, 128], strides = [1, 1]} : vector<1024x4096xf32> to vector<1024x128xf32>
    %lt3A_163 = arith.cmpf olt, %slice3A_162, %select_n3A_158 : vector<1024x128xf32>
    %lt3A_164 = arith.cmpf olt, %slice3A_162, %select_n3A_153 : vector<1024x128xf32>
    %select_n3A_165 = arith.select %lt3A_164, %slice3A_162, %select_n3A_153 : vector<1024x128xi1>, vector<1024x128xf32>
    %select_n3A_166 = arith.select %lt3A_163, %select_n3A_158, %select_n3A_165 : vector<1024x128xi1>, vector<1024x128xf32>
    %jit3A_167 = arith.constant 11 : i32
    %broadcast_in_dim3A_168 = vector.broadcast %jit3A_167 : i32 to vector<1024x128xi32>
    %select_n3A_169 = arith.select %lt3A_164, %broadcast_in_dim3A_168, %select_n3A_157 : vector<1024x128xi1>, vector<1024x128xi32>
    %select_n3A_170 = arith.select %lt3A_163, %select_n3A_161, %select_n3A_169 : vector<1024x128xi1>, vector<1024x128xi32>
    %select_n3A_171 = arith.select %lt3A_163, %slice3A_162, %select_n3A_158 : vector<1024x128xi1>, vector<1024x128xf32>
    %jit3A_172 = arith.constant 11 : i32
    %broadcast_in_dim3A_173 = vector.broadcast %jit3A_172 : i32 to vector<1024x128xi32>
    %select_n3A_174 = arith.select %lt3A_163, %broadcast_in_dim3A_173, %select_n3A_161 : vector<1024x128xi1>, vector<1024x128xi32>
    %slice3A_175 = vector.extract_strided_slice %add3A_14 {offsets = [0, 1536], sizes = [1024, 128], strides = [1, 1]} : vector<1024x4096xf32> to vector<1024x128xf32>
    %lt3A_176 = arith.cmpf olt, %slice3A_175, %select_n3A_171 : vector<1024x128xf32>
    %lt3A_177 = arith.cmpf olt, %slice3A_175, %select_n3A_166 : vector<1024x128xf32>
    %select_n3A_178 = arith.select %lt3A_177, %slice3A_175, %select_n3A_166 : vector<1024x128xi1>, vector<1024x128xf32>
    %select_n3A_179 = arith.select %lt3A_176, %select_n3A_171, %select_n3A_178 : vector<1024x128xi1>, vector<1024x128xf32>
    %jit3A_180 = arith.constant 12 : i32
    %broadcast_in_dim3A_181 = vector.broadcast %jit3A_180 : i32 to vector<1024x128xi32>
    %select_n3A_182 = arith.select %lt3A_177, %broadcast_in_dim3A_181, %select_n3A_170 : vector<1024x128xi1>, vector<1024x128xi32>
    %select_n3A_183 = arith.select %lt3A_176, %select_n3A_174, %select_n3A_182 : vector<1024x128xi1>, vector<1024x128xi32>
    %select_n3A_184 = arith.select %lt3A_176, %slice3A_175, %select_n3A_171 : vector<1024x128xi1>, vector<1024x128xf32>
    %jit3A_185 = arith.constant 12 : i32
    %broadcast_in_dim3A_186 = vector.broadcast %jit3A_185 : i32 to vector<1024x128xi32>
    %select_n3A_187 = arith.select %lt3A_176, %broadcast_in_dim3A_186, %select_n3A_174 : vector<1024x128xi1>, vector<1024x128xi32>
    %slice3A_188 = vector.extract_strided_slice %add3A_14 {offsets = [0, 1664], sizes = [1024, 128], strides = [1, 1]} : vector<1024x4096xf32> to vector<1024x128xf32>
    %lt3A_189 = arith.cmpf olt, %slice3A_188, %select_n3A_184 : vector<1024x128xf32>
    %lt3A_190 = arith.cmpf olt, %slice3A_188, %select_n3A_179 : vector<1024x128xf32>
    %select_n3A_191 = arith.select %lt3A_190, %slice3A_188, %select_n3A_179 : vector<1024x128xi1>, vector<1024x128xf32>
    %select_n3A_192 = arith.select %lt3A_189, %select_n3A_184, %select_n3A_191 : vector<1024x128xi1>, vector<1024x128xf32>
    %jit3A_193 = arith.constant 13 : i32
    %broadcast_in_dim3A_194 = vector.broadcast %jit3A_193 : i32 to vector<1024x128xi32>
    %select_n3A_195 = arith.select %lt3A_190, %broadcast_in_dim3A_194, %select_n3A_183 : vector<1024x128xi1>, vector<1024x128xi32>
    %select_n3A_196 = arith.select %lt3A_189, %select_n3A_187, %select_n3A_195 : vector<1024x128xi1>, vector<1024x128xi32>
    %select_n3A_197 = arith.select %lt3A_189, %slice3A_188, %select_n3A_184 : vector<1024x128xi1>, vector<1024x128xf32>
    %jit3A_198 = arith.constant 13 : i32
    %broadcast_in_dim3A_199 = vector.broadcast %jit3A_198 : i32 to vector<1024x128xi32>
    %select_n3A_200 = arith.select %lt3A_189, %broadcast_in_dim3A_199, %select_n3A_187 : vector<1024x128xi1>, vector<1024x128xi32>
    %slice3A_201 = vector.extract_strided_slice %add3A_14 {offsets = [0, 1792], sizes = [1024, 128], strides = [1, 1]} : vector<1024x4096xf32> to vector<1024x128xf32>
    %lt3A_202 = arith.cmpf olt, %slice3A_201, %select_n3A_197 : vector<1024x128xf32>
    %lt3A_203 = arith.cmpf olt, %slice3A_201, %select_n3A_192 : vector<1024x128xf32>
    %select_n3A_204 = arith.select %lt3A_203, %slice3A_201, %select_n3A_192 : vector<1024x128xi1>, vector<1024x128xf32>
    %select_n3A_205 = arith.select %lt3A_202, %select_n3A_197, %select_n3A_204 : vector<1024x128xi1>, vector<1024x128xf32>
    %jit3A_206 = arith.constant 14 : i32
    %broadcast_in_dim3A_207 = vector.broadcast %jit3A_206 : i32 to vector<1024x128xi32>
    %select_n3A_208 = arith.select %lt3A_203, %broadcast_in_dim3A_207, %select_n3A_196 : vector<1024x128xi1>, vector<1024x128xi32>
    %select_n3A_209 = arith.select %lt3A_202, %select_n3A_200, %select_n3A_208 : vector<1024x128xi1>, vector<1024x128xi32>
    %select_n3A_210 = arith.select %lt3A_202, %slice3A_201, %select_n3A_197 : vector<1024x128xi1>, vector<1024x128xf32>
    %jit3A_211 = arith.constant 14 : i32
    %broadcast_in_dim3A_212 = vector.broadcast %jit3A_211 : i32 to vector<1024x128xi32>
    %select_n3A_213 = arith.select %lt3A_202, %broadcast_in_dim3A_212, %select_n3A_200 : vector<1024x128xi1>, vector<1024x128xi32>
    %slice3A_214 = vector.extract_strided_slice %add3A_14 {offsets = [0, 1920], sizes = [1024, 128], strides = [1, 1]} : vector<1024x4096xf32> to vector<1024x128xf32>
    %lt3A_215 = arith.cmpf olt, %slice3A_214, %select_n3A_210 : vector<1024x128xf32>
    %lt3A_216 = arith.cmpf olt, %slice3A_214, %select_n3A_205 : vector<1024x128xf32>
    %select_n3A_217 = arith.select %lt3A_216, %slice3A_214, %select_n3A_205 : vector<1024x128xi1>, vector<1024x128xf32>
    %select_n3A_218 = arith.select %lt3A_215, %select_n3A_210, %select_n3A_217 : vector<1024x128xi1>, vector<1024x128xf32>
    %jit3A_219 = arith.constant 15 : i32
    %broadcast_in_dim3A_220 = vector.broadcast %jit3A_219 : i32 to vector<1024x128xi32>
    %select_n3A_221 = arith.select %lt3A_216, %broadcast_in_dim3A_220, %select_n3A_209 : vector<1024x128xi1>, vector<1024x128xi32>
    %select_n3A_222 = arith.select %lt3A_215, %select_n3A_213, %select_n3A_221 : vector<1024x128xi1>, vector<1024x128xi32>
    %select_n3A_223 = arith.select %lt3A_215, %slice3A_214, %select_n3A_210 : vector<1024x128xi1>, vector<1024x128xf32>
    %jit3A_224 = arith.constant 15 : i32
    %broadcast_in_dim3A_225 = vector.broadcast %jit3A_224 : i32 to vector<1024x128xi32>
    %select_n3A_226 = arith.select %lt3A_215, %broadcast_in_dim3A_225, %select_n3A_213 : vector<1024x128xi1>, vector<1024x128xi32>
    %slice3A_227 = vector.extract_strided_slice %add3A_14 {offsets = [0, 2048], sizes = [1024, 128], strides = [1, 1]} : vector<1024x4096xf32> to vector<1024x128xf32>
    %lt3A_228 = arith.cmpf olt, %slice3A_227, %select_n3A_223 : vector<1024x128xf32>
    %lt3A_229 = arith.cmpf olt, %slice3A_227, %select_n3A_218 : vector<1024x128xf32>
    %select_n3A_230 = arith.select %lt3A_229, %slice3A_227, %select_n3A_218 : vector<1024x128xi1>, vector<1024x128xf32>
    %select_n3A_231 = arith.select %lt3A_228, %select_n3A_223, %select_n3A_230 : vector<1024x128xi1>, vector<1024x128xf32>
    %jit3A_232 = arith.constant 16 : i32
    %broadcast_in_dim3A_233 = vector.broadcast %jit3A_232 : i32 to vector<1024x128xi32>
    %select_n3A_234 = arith.select %lt3A_229, %broadcast_in_dim3A_233, %select_n3A_222 : vector<1024x128xi1>, vector<1024x128xi32>
    %select_n3A_235 = arith.select %lt3A_228, %select_n3A_226, %select_n3A_234 : vector<1024x128xi1>, vector<1024x128xi32>
    %select_n3A_236 = arith.select %lt3A_228, %slice3A_227, %select_n3A_223 : vector<1024x128xi1>, vector<1024x128xf32>
    %jit3A_237 = arith.constant 16 : i32
    %broadcast_in_dim3A_238 = vector.broadcast %jit3A_237 : i32 to vector<1024x128xi32>
    %select_n3A_239 = arith.select %lt3A_228, %broadcast_in_dim3A_238, %select_n3A_226 : vector<1024x128xi1>, vector<1024x128xi32>
    %slice3A_240 = vector.extract_strided_slice %add3A_14 {offsets = [0, 2176], sizes = [1024, 128], strides = [1, 1]} : vector<1024x4096xf32> to vector<1024x128xf32>
    %lt3A_241 = arith.cmpf olt, %slice3A_240, %select_n3A_236 : vector<1024x128xf32>
    %lt3A_242 = arith.cmpf olt, %slice3A_240, %select_n3A_231 : vector<1024x128xf32>
    %select_n3A_243 = arith.select %lt3A_242, %slice3A_240, %select_n3A_231 : vector<1024x128xi1>, vector<1024x128xf32>
    %select_n3A_244 = arith.select %lt3A_241, %select_n3A_236, %select_n3A_243 : vector<1024x128xi1>, vector<1024x128xf32>
    %jit3A_245 = arith.constant 17 : i32
    %broadcast_in_dim3A_246 = vector.broadcast %jit3A_245 : i32 to vector<1024x128xi32>
    %select_n3A_247 = arith.select %lt3A_242, %broadcast_in_dim3A_246, %select_n3A_235 : vector<1024x128xi1>, vector<1024x128xi32>
    %select_n3A_248 = arith.select %lt3A_241, %select_n3A_239, %select_n3A_247 : vector<1024x128xi1>, vector<1024x128xi32>
    %select_n3A_249 = arith.select %lt3A_241, %slice3A_240, %select_n3A_236 : vector<1024x128xi1>, vector<1024x128xf32>
    %jit3A_250 = arith.constant 17 : i32
    %broadcast_in_dim3A_251 = vector.broadcast %jit3A_250 : i32 to vector<1024x128xi32>
    %select_n3A_252 = arith.select %lt3A_241, %broadcast_in_dim3A_251, %select_n3A_239 : vector<1024x128xi1>, vector<1024x128xi32>
    %slice3A_253 = vector.extract_strided_slice %add3A_14 {offsets = [0, 2304], sizes = [1024, 128], strides = [1, 1]} : vector<1024x4096xf32> to vector<1024x128xf32>
    %lt3A_254 = arith.cmpf olt, %slice3A_253, %select_n3A_249 : vector<1024x128xf32>
    %lt3A_255 = arith.cmpf olt, %slice3A_253, %select_n3A_244 : vector<1024x128xf32>
    %select_n3A_256 = arith.select %lt3A_255, %slice3A_253, %select_n3A_244 : vector<1024x128xi1>, vector<1024x128xf32>
    %select_n3A_257 = arith.select %lt3A_254, %select_n3A_249, %select_n3A_256 : vector<1024x128xi1>, vector<1024x128xf32>
    %jit3A_258 = arith.constant 18 : i32
    %broadcast_in_dim3A_259 = vector.broadcast %jit3A_258 : i32 to vector<1024x128xi32>
    %select_n3A_260 = arith.select %lt3A_255, %broadcast_in_dim3A_259, %select_n3A_248 : vector<1024x128xi1>, vector<1024x128xi32>
    %select_n3A_261 = arith.select %lt3A_254, %select_n3A_252, %select_n3A_260 : vector<1024x128xi1>, vector<1024x128xi32>
    %select_n3A_262 = arith.select %lt3A_254, %slice3A_253, %select_n3A_249 : vector<1024x128xi1>, vector<1024x128xf32>
    %jit3A_263 = arith.constant 18 : i32
    %broadcast_in_dim3A_264 = vector.broadcast %jit3A_263 : i32 to vector<1024x128xi32>
    %select_n3A_265 = arith.select %lt3A_254, %broadcast_in_dim3A_264, %select_n3A_252 : vector<1024x128xi1>, vector<1024x128xi32>
    %slice3A_266 = vector.extract_strided_slice %add3A_14 {offsets = [0, 2432], sizes = [1024, 128], strides = [1, 1]} : vector<1024x4096xf32> to vector<1024x128xf32>
    %lt3A_267 = arith.cmpf olt, %slice3A_266, %select_n3A_262 : vector<1024x128xf32>
    %lt3A_268 = arith.cmpf olt, %slice3A_266, %select_n3A_257 : vector<1024x128xf32>
    %select_n3A_269 = arith.select %lt3A_268, %slice3A_266, %select_n3A_257 : vector<1024x128xi1>, vector<1024x128xf32>
    %select_n3A_270 = arith.select %lt3A_267, %select_n3A_262, %select_n3A_269 : vector<1024x128xi1>, vector<1024x128xf32>
    %jit3A_271 = arith.constant 19 : i32
    %broadcast_in_dim3A_272 = vector.broadcast %jit3A_271 : i32 to vector<1024x128xi32>
    %select_n3A_273 = arith.select %lt3A_268, %broadcast_in_dim3A_272, %select_n3A_261 : vector<1024x128xi1>, vector<1024x128xi32>
    %select_n3A_274 = arith.select %lt3A_267, %select_n3A_265, %select_n3A_273 : vector<1024x128xi1>, vector<1024x128xi32>
    %select_n3A_275 = arith.select %lt3A_267, %slice3A_266, %select_n3A_262 : vector<1024x128xi1>, vector<1024x128xf32>
    %jit3A_276 = arith.constant 19 : i32
    %broadcast_in_dim3A_277 = vector.broadcast %jit3A_276 : i32 to vector<1024x128xi32>
    %select_n3A_278 = arith.select %lt3A_267, %broadcast_in_dim3A_277, %select_n3A_265 : vector<1024x128xi1>, vector<1024x128xi32>
    %slice3A_279 = vector.extract_strided_slice %add3A_14 {offsets = [0, 2560], sizes = [1024, 128], strides = [1, 1]} : vector<1024x4096xf32> to vector<1024x128xf32>
    %lt3A_280 = arith.cmpf olt, %slice3A_279, %select_n3A_275 : vector<1024x128xf32>
    %lt3A_281 = arith.cmpf olt, %slice3A_279, %select_n3A_270 : vector<1024x128xf32>
    %select_n3A_282 = arith.select %lt3A_281, %slice3A_279, %select_n3A_270 : vector<1024x128xi1>, vector<1024x128xf32>
    %select_n3A_283 = arith.select %lt3A_280, %select_n3A_275, %select_n3A_282 : vector<1024x128xi1>, vector<1024x128xf32>
    %jit3A_284 = arith.constant 20 : i32
    %broadcast_in_dim3A_285 = vector.broadcast %jit3A_284 : i32 to vector<1024x128xi32>
    %select_n3A_286 = arith.select %lt3A_281, %broadcast_in_dim3A_285, %select_n3A_274 : vector<1024x128xi1>, vector<1024x128xi32>
    %select_n3A_287 = arith.select %lt3A_280, %select_n3A_278, %select_n3A_286 : vector<1024x128xi1>, vector<1024x128xi32>
    %select_n3A_288 = arith.select %lt3A_280, %slice3A_279, %select_n3A_275 : vector<1024x128xi1>, vector<1024x128xf32>
    %jit3A_289 = arith.constant 20 : i32
    %broadcast_in_dim3A_290 = vector.broadcast %jit3A_289 : i32 to vector<1024x128xi32>
    %select_n3A_291 = arith.select %lt3A_280, %broadcast_in_dim3A_290, %select_n3A_278 : vector<1024x128xi1>, vector<1024x128xi32>
    %slice3A_292 = vector.extract_strided_slice %add3A_14 {offsets = [0, 2688], sizes = [1024, 128], strides = [1, 1]} : vector<1024x4096xf32> to vector<1024x128xf32>
    %lt3A_293 = arith.cmpf olt, %slice3A_292, %select_n3A_288 : vector<1024x128xf32>
    %lt3A_294 = arith.cmpf olt, %slice3A_292, %select_n3A_283 : vector<1024x128xf32>
    %select_n3A_295 = arith.select %lt3A_294, %slice3A_292, %select_n3A_283 : vector<1024x128xi1>, vector<1024x128xf32>
    %select_n3A_296 = arith.select %lt3A_293, %select_n3A_288, %select_n3A_295 : vector<1024x128xi1>, vector<1024x128xf32>
    %jit3A_297 = arith.constant 21 : i32
    %broadcast_in_dim3A_298 = vector.broadcast %jit3A_297 : i32 to vector<1024x128xi32>
    %select_n3A_299 = arith.select %lt3A_294, %broadcast_in_dim3A_298, %select_n3A_287 : vector<1024x128xi1>, vector<1024x128xi32>
    %select_n3A_300 = arith.select %lt3A_293, %select_n3A_291, %select_n3A_299 : vector<1024x128xi1>, vector<1024x128xi32>
    %select_n3A_301 = arith.select %lt3A_293, %slice3A_292, %select_n3A_288 : vector<1024x128xi1>, vector<1024x128xf32>
    %jit3A_302 = arith.constant 21 : i32
    %broadcast_in_dim3A_303 = vector.broadcast %jit3A_302 : i32 to vector<1024x128xi32>
    %select_n3A_304 = arith.select %lt3A_293, %broadcast_in_dim3A_303, %select_n3A_291 : vector<1024x128xi1>, vector<1024x128xi32>
    %slice3A_305 = vector.extract_strided_slice %add3A_14 {offsets = [0, 2816], sizes = [1024, 128], strides = [1, 1]} : vector<1024x4096xf32> to vector<1024x128xf32>
    %lt3A_306 = arith.cmpf olt, %slice3A_305, %select_n3A_301 : vector<1024x128xf32>
    %lt3A_307 = arith.cmpf olt, %slice3A_305, %select_n3A_296 : vector<1024x128xf32>
    %select_n3A_308 = arith.select %lt3A_307, %slice3A_305, %select_n3A_296 : vector<1024x128xi1>, vector<1024x128xf32>
    %select_n3A_309 = arith.select %lt3A_306, %select_n3A_301, %select_n3A_308 : vector<1024x128xi1>, vector<1024x128xf32>
    %jit3A_310 = arith.constant 22 : i32
    %broadcast_in_dim3A_311 = vector.broadcast %jit3A_310 : i32 to vector<1024x128xi32>
    %select_n3A_312 = arith.select %lt3A_307, %broadcast_in_dim3A_311, %select_n3A_300 : vector<1024x128xi1>, vector<1024x128xi32>
    %select_n3A_313 = arith.select %lt3A_306, %select_n3A_304, %select_n3A_312 : vector<1024x128xi1>, vector<1024x128xi32>
    %select_n3A_314 = arith.select %lt3A_306, %slice3A_305, %select_n3A_301 : vector<1024x128xi1>, vector<1024x128xf32>
    %jit3A_315 = arith.constant 22 : i32
    %broadcast_in_dim3A_316 = vector.broadcast %jit3A_315 : i32 to vector<1024x128xi32>
    %select_n3A_317 = arith.select %lt3A_306, %broadcast_in_dim3A_316, %select_n3A_304 : vector<1024x128xi1>, vector<1024x128xi32>
    %slice3A_318 = vector.extract_strided_slice %add3A_14 {offsets = [0, 2944], sizes = [1024, 128], strides = [1, 1]} : vector<1024x4096xf32> to vector<1024x128xf32>
    %lt3A_319 = arith.cmpf olt, %slice3A_318, %select_n3A_314 : vector<1024x128xf32>
    %lt3A_320 = arith.cmpf olt, %slice3A_318, %select_n3A_309 : vector<1024x128xf32>
    %select_n3A_321 = arith.select %lt3A_320, %slice3A_318, %select_n3A_309 : vector<1024x128xi1>, vector<1024x128xf32>
    %select_n3A_322 = arith.select %lt3A_319, %select_n3A_314, %select_n3A_321 : vector<1024x128xi1>, vector<1024x128xf32>
    %jit3A_323 = arith.constant 23 : i32
    %broadcast_in_dim3A_324 = vector.broadcast %jit3A_323 : i32 to vector<1024x128xi32>
    %select_n3A_325 = arith.select %lt3A_320, %broadcast_in_dim3A_324, %select_n3A_313 : vector<1024x128xi1>, vector<1024x128xi32>
    %select_n3A_326 = arith.select %lt3A_319, %select_n3A_317, %select_n3A_325 : vector<1024x128xi1>, vector<1024x128xi32>
    %select_n3A_327 = arith.select %lt3A_319, %slice3A_318, %select_n3A_314 : vector<1024x128xi1>, vector<1024x128xf32>
    %jit3A_328 = arith.constant 23 : i32
    %broadcast_in_dim3A_329 = vector.broadcast %jit3A_328 : i32 to vector<1024x128xi32>
    %select_n3A_330 = arith.select %lt3A_319, %broadcast_in_dim3A_329, %select_n3A_317 : vector<1024x128xi1>, vector<1024x128xi32>
    %slice3A_331 = vector.extract_strided_slice %add3A_14 {offsets = [0, 3072], sizes = [1024, 128], strides = [1, 1]} : vector<1024x4096xf32> to vector<1024x128xf32>
    %lt3A_332 = arith.cmpf olt, %slice3A_331, %select_n3A_327 : vector<1024x128xf32>
    %lt3A_333 = arith.cmpf olt, %slice3A_331, %select_n3A_322 : vector<1024x128xf32>
    %select_n3A_334 = arith.select %lt3A_333, %slice3A_331, %select_n3A_322 : vector<1024x128xi1>, vector<1024x128xf32>
    %select_n3A_335 = arith.select %lt3A_332, %select_n3A_327, %select_n3A_334 : vector<1024x128xi1>, vector<1024x128xf32>
    %jit3A_336 = arith.constant 24 : i32
    %broadcast_in_dim3A_337 = vector.broadcast %jit3A_336 : i32 to vector<1024x128xi32>
    %select_n3A_338 = arith.select %lt3A_333, %broadcast_in_dim3A_337, %select_n3A_326 : vector<1024x128xi1>, vector<1024x128xi32>
    %select_n3A_339 = arith.select %lt3A_332, %select_n3A_330, %select_n3A_338 : vector<1024x128xi1>, vector<1024x128xi32>
    %select_n3A_340 = arith.select %lt3A_332, %slice3A_331, %select_n3A_327 : vector<1024x128xi1>, vector<1024x128xf32>
    %jit3A_341 = arith.constant 24 : i32
    %broadcast_in_dim3A_342 = vector.broadcast %jit3A_341 : i32 to vector<1024x128xi32>
    %select_n3A_343 = arith.select %lt3A_332, %broadcast_in_dim3A_342, %select_n3A_330 : vector<1024x128xi1>, vector<1024x128xi32>
    %slice3A_344 = vector.extract_strided_slice %add3A_14 {offsets = [0, 3200], sizes = [1024, 128], strides = [1, 1]} : vector<1024x4096xf32> to vector<1024x128xf32>
    %lt3A_345 = arith.cmpf olt, %slice3A_344, %select_n3A_340 : vector<1024x128xf32>
    %lt3A_346 = arith.cmpf olt, %slice3A_344, %select_n3A_335 : vector<1024x128xf32>
    %select_n3A_347 = arith.select %lt3A_346, %slice3A_344, %select_n3A_335 : vector<1024x128xi1>, vector<1024x128xf32>
    %select_n3A_348 = arith.select %lt3A_345, %select_n3A_340, %select_n3A_347 : vector<1024x128xi1>, vector<1024x128xf32>
    %jit3A_349 = arith.constant 25 : i32
    %broadcast_in_dim3A_350 = vector.broadcast %jit3A_349 : i32 to vector<1024x128xi32>
    %select_n3A_351 = arith.select %lt3A_346, %broadcast_in_dim3A_350, %select_n3A_339 : vector<1024x128xi1>, vector<1024x128xi32>
    %select_n3A_352 = arith.select %lt3A_345, %select_n3A_343, %select_n3A_351 : vector<1024x128xi1>, vector<1024x128xi32>
    %select_n3A_353 = arith.select %lt3A_345, %slice3A_344, %select_n3A_340 : vector<1024x128xi1>, vector<1024x128xf32>
    %jit3A_354 = arith.constant 25 : i32
    %broadcast_in_dim3A_355 = vector.broadcast %jit3A_354 : i32 to vector<1024x128xi32>
    %select_n3A_356 = arith.select %lt3A_345, %broadcast_in_dim3A_355, %select_n3A_343 : vector<1024x128xi1>, vector<1024x128xi32>
    %slice3A_357 = vector.extract_strided_slice %add3A_14 {offsets = [0, 3328], sizes = [1024, 128], strides = [1, 1]} : vector<1024x4096xf32> to vector<1024x128xf32>
    %lt3A_358 = arith.cmpf olt, %slice3A_357, %select_n3A_353 : vector<1024x128xf32>
    %lt3A_359 = arith.cmpf olt, %slice3A_357, %select_n3A_348 : vector<1024x128xf32>
    %select_n3A_360 = arith.select %lt3A_359, %slice3A_357, %select_n3A_348 : vector<1024x128xi1>, vector<1024x128xf32>
    %select_n3A_361 = arith.select %lt3A_358, %select_n3A_353, %select_n3A_360 : vector<1024x128xi1>, vector<1024x128xf32>
    %jit3A_362 = arith.constant 26 : i32
    %broadcast_in_dim3A_363 = vector.broadcast %jit3A_362 : i32 to vector<1024x128xi32>
    %select_n3A_364 = arith.select %lt3A_359, %broadcast_in_dim3A_363, %select_n3A_352 : vector<1024x128xi1>, vector<1024x128xi32>
    %select_n3A_365 = arith.select %lt3A_358, %select_n3A_356, %select_n3A_364 : vector<1024x128xi1>, vector<1024x128xi32>
    %select_n3A_366 = arith.select %lt3A_358, %slice3A_357, %select_n3A_353 : vector<1024x128xi1>, vector<1024x128xf32>
    %jit3A_367 = arith.constant 26 : i32
    %broadcast_in_dim3A_368 = vector.broadcast %jit3A_367 : i32 to vector<1024x128xi32>
    %select_n3A_369 = arith.select %lt3A_358, %broadcast_in_dim3A_368, %select_n3A_356 : vector<1024x128xi1>, vector<1024x128xi32>
    %slice3A_370 = vector.extract_strided_slice %add3A_14 {offsets = [0, 3456], sizes = [1024, 128], strides = [1, 1]} : vector<1024x4096xf32> to vector<1024x128xf32>
    %lt3A_371 = arith.cmpf olt, %slice3A_370, %select_n3A_366 : vector<1024x128xf32>
    %lt3A_372 = arith.cmpf olt, %slice3A_370, %select_n3A_361 : vector<1024x128xf32>
    %select_n3A_373 = arith.select %lt3A_372, %slice3A_370, %select_n3A_361 : vector<1024x128xi1>, vector<1024x128xf32>
    %select_n3A_374 = arith.select %lt3A_371, %select_n3A_366, %select_n3A_373 : vector<1024x128xi1>, vector<1024x128xf32>
    %jit3A_375 = arith.constant 27 : i32
    %broadcast_in_dim3A_376 = vector.broadcast %jit3A_375 : i32 to vector<1024x128xi32>
    %select_n3A_377 = arith.select %lt3A_372, %broadcast_in_dim3A_376, %select_n3A_365 : vector<1024x128xi1>, vector<1024x128xi32>
    %select_n3A_378 = arith.select %lt3A_371, %select_n3A_369, %select_n3A_377 : vector<1024x128xi1>, vector<1024x128xi32>
    %select_n3A_379 = arith.select %lt3A_371, %slice3A_370, %select_n3A_366 : vector<1024x128xi1>, vector<1024x128xf32>
    %jit3A_380 = arith.constant 27 : i32
    %broadcast_in_dim3A_381 = vector.broadcast %jit3A_380 : i32 to vector<1024x128xi32>
    %select_n3A_382 = arith.select %lt3A_371, %broadcast_in_dim3A_381, %select_n3A_369 : vector<1024x128xi1>, vector<1024x128xi32>
    %slice3A_383 = vector.extract_strided_slice %add3A_14 {offsets = [0, 3584], sizes = [1024, 128], strides = [1, 1]} : vector<1024x4096xf32> to vector<1024x128xf32>
    %lt3A_384 = arith.cmpf olt, %slice3A_383, %select_n3A_379 : vector<1024x128xf32>
    %lt3A_385 = arith.cmpf olt, %slice3A_383, %select_n3A_374 : vector<1024x128xf32>
    %select_n3A_386 = arith.select %lt3A_385, %slice3A_383, %select_n3A_374 : vector<1024x128xi1>, vector<1024x128xf32>
    %select_n3A_387 = arith.select %lt3A_384, %select_n3A_379, %select_n3A_386 : vector<1024x128xi1>, vector<1024x128xf32>
    %jit3A_388 = arith.constant 28 : i32
    %broadcast_in_dim3A_389 = vector.broadcast %jit3A_388 : i32 to vector<1024x128xi32>
    %select_n3A_390 = arith.select %lt3A_385, %broadcast_in_dim3A_389, %select_n3A_378 : vector<1024x128xi1>, vector<1024x128xi32>
    %select_n3A_391 = arith.select %lt3A_384, %select_n3A_382, %select_n3A_390 : vector<1024x128xi1>, vector<1024x128xi32>
    %select_n3A_392 = arith.select %lt3A_384, %slice3A_383, %select_n3A_379 : vector<1024x128xi1>, vector<1024x128xf32>
    %jit3A_393 = arith.constant 28 : i32
    %broadcast_in_dim3A_394 = vector.broadcast %jit3A_393 : i32 to vector<1024x128xi32>
    %select_n3A_395 = arith.select %lt3A_384, %broadcast_in_dim3A_394, %select_n3A_382 : vector<1024x128xi1>, vector<1024x128xi32>
    %slice3A_396 = vector.extract_strided_slice %add3A_14 {offsets = [0, 3712], sizes = [1024, 128], strides = [1, 1]} : vector<1024x4096xf32> to vector<1024x128xf32>
    %lt3A_397 = arith.cmpf olt, %slice3A_396, %select_n3A_392 : vector<1024x128xf32>
    %lt3A_398 = arith.cmpf olt, %slice3A_396, %select_n3A_387 : vector<1024x128xf32>
    %select_n3A_399 = arith.select %lt3A_398, %slice3A_396, %select_n3A_387 : vector<1024x128xi1>, vector<1024x128xf32>
    %select_n3A_400 = arith.select %lt3A_397, %select_n3A_392, %select_n3A_399 : vector<1024x128xi1>, vector<1024x128xf32>
    %jit3A_401 = arith.constant 29 : i32
    %broadcast_in_dim3A_402 = vector.broadcast %jit3A_401 : i32 to vector<1024x128xi32>
    %select_n3A_403 = arith.select %lt3A_398, %broadcast_in_dim3A_402, %select_n3A_391 : vector<1024x128xi1>, vector<1024x128xi32>
    %select_n3A_404 = arith.select %lt3A_397, %select_n3A_395, %select_n3A_403 : vector<1024x128xi1>, vector<1024x128xi32>
    %select_n3A_405 = arith.select %lt3A_397, %slice3A_396, %select_n3A_392 : vector<1024x128xi1>, vector<1024x128xf32>
    %jit3A_406 = arith.constant 29 : i32
    %broadcast_in_dim3A_407 = vector.broadcast %jit3A_406 : i32 to vector<1024x128xi32>
    %select_n3A_408 = arith.select %lt3A_397, %broadcast_in_dim3A_407, %select_n3A_395 : vector<1024x128xi1>, vector<1024x128xi32>
    %slice3A_409 = vector.extract_strided_slice %add3A_14 {offsets = [0, 3840], sizes = [1024, 128], strides = [1, 1]} : vector<1024x4096xf32> to vector<1024x128xf32>
    %lt3A_410 = arith.cmpf olt, %slice3A_409, %select_n3A_405 : vector<1024x128xf32>
    %lt3A_411 = arith.cmpf olt, %slice3A_409, %select_n3A_400 : vector<1024x128xf32>
    %select_n3A_412 = arith.select %lt3A_411, %slice3A_409, %select_n3A_400 : vector<1024x128xi1>, vector<1024x128xf32>
    %select_n3A_413 = arith.select %lt3A_410, %select_n3A_405, %select_n3A_412 : vector<1024x128xi1>, vector<1024x128xf32>
    %jit3A_414 = arith.constant 30 : i32
    %broadcast_in_dim3A_415 = vector.broadcast %jit3A_414 : i32 to vector<1024x128xi32>
    %select_n3A_416 = arith.select %lt3A_411, %broadcast_in_dim3A_415, %select_n3A_404 : vector<1024x128xi1>, vector<1024x128xi32>
    %select_n3A_417 = arith.select %lt3A_410, %select_n3A_408, %select_n3A_416 : vector<1024x128xi1>, vector<1024x128xi32>
    %select_n3A_418 = arith.select %lt3A_410, %slice3A_409, %select_n3A_405 : vector<1024x128xi1>, vector<1024x128xf32>
    %jit3A_419 = arith.constant 30 : i32
    %broadcast_in_dim3A_420 = vector.broadcast %jit3A_419 : i32 to vector<1024x128xi32>
    %select_n3A_421 = arith.select %lt3A_410, %broadcast_in_dim3A_420, %select_n3A_408 : vector<1024x128xi1>, vector<1024x128xi32>
    %slice3A_422 = vector.extract_strided_slice %add3A_14 {offsets = [0, 3968], sizes = [1024, 128], strides = [1, 1]} : vector<1024x4096xf32> to vector<1024x128xf32>
    %lt3A_423 = arith.cmpf olt, %slice3A_422, %select_n3A_418 : vector<1024x128xf32>
    %lt3A_424 = arith.cmpf olt, %slice3A_422, %select_n3A_413 : vector<1024x128xf32>
    %select_n3A_425 = arith.select %lt3A_424, %slice3A_422, %select_n3A_413 : vector<1024x128xi1>, vector<1024x128xf32>
    %select_n3A_426 = arith.select %lt3A_423, %select_n3A_418, %select_n3A_425 : vector<1024x128xi1>, vector<1024x128xf32>
    %jit3A_427 = arith.constant 31 : i32
    %broadcast_in_dim3A_428 = vector.broadcast %jit3A_427 : i32 to vector<1024x128xi32>
    %select_n3A_429 = arith.select %lt3A_424, %broadcast_in_dim3A_428, %select_n3A_417 : vector<1024x128xi1>, vector<1024x128xi32>
    %select_n3A_430 = arith.select %lt3A_423, %select_n3A_421, %select_n3A_429 : vector<1024x128xi1>, vector<1024x128xi32>
    %select_n3A_431 = arith.select %lt3A_423, %slice3A_422, %select_n3A_418 : vector<1024x128xi1>, vector<1024x128xf32>
    %jit3A_432 = arith.constant 31 : i32
    %broadcast_in_dim3A_433 = vector.broadcast %jit3A_432 : i32 to vector<1024x128xi32>
    %select_n3A_434 = arith.select %lt3A_423, %broadcast_in_dim3A_433, %select_n3A_421 : vector<1024x128xi1>, vector<1024x128xi32>
    %iota3A = tpu.iota {dimensions = array<i32: 1>} : vector<1024x128xi32>
    %concatenate3A = tpu.concatenate %select_n3A_431, %select_n3A_426 in 1 : vector<1024x128xf32>, vector<1024x128xf32> -> vector<1024x256xf32>
    %mul3A_435 = arith.constant 128 : i32
    %mul3A_436 = vector.broadcast %mul3A_435 : i32 to vector<1024x128xi32>
    %mul3A_437 = arith.muli %select_n3A_434, %mul3A_436 : vector<1024x128xi32>
    %add3A_438 = arith.addi %mul3A_437, %iota3A : vector<1024x128xi32>
    %mul3A_439 = arith.constant 128 : i32
    %mul3A_440 = vector.broadcast %mul3A_439 : i32 to vector<1024x128xi32>
    %mul3A_441 = arith.muli %select_n3A_430, %mul3A_440 : vector<1024x128xi32>
    %add3A_442 = arith.addi %mul3A_441, %iota3A : vector<1024x128xi32>
    %concatenate3A_443 = tpu.concatenate %add3A_438, %add3A_442 in 1 : vector<1024x128xi32>, vector<1024x128xi32> -> vector<1024x256xi32>
    %reduce_min3A = arith.constant dense<0x7F800000> : vector<1024xf32>
    %reduce_min3A_444 = vector.multi_reduction <minimumf>, %concatenate3A, %reduce_min3A [1] : vector<1024x256xf32> to vector<1024xf32>
    %broadcast_in_dim3A_445 = vector.shape_cast %reduce_min3A_444 : vector<1024xf32> to vector<1024x1xf32>
    %eq3A = vector.broadcast %broadcast_in_dim3A_445 : vector<1024x1xf32> to vector<1024x256xf32>
    %eq3A_446 = arith.cmpf oeq, %concatenate3A, %eq3A : vector<1024x256xf32>
    %jit3A_447 = arith.constant 1073741824 : i32
    %broadcast_in_dim3A_448 = vector.broadcast %jit3A_447 : i32 to vector<1024x256xi32>
    %select_n3A_449 = arith.select %eq3A_446, %concatenate3A_443, %broadcast_in_dim3A_448 : vector<1024x256xi1>, vector<1024x256xi32>
    %reduce_min3A_450 = arith.constant dense<2147483647> : vector<1024xi32>
    %reduce_min3A_451 = vector.multi_reduction <minsi>, %select_n3A_449, %reduce_min3A_450 [1] : vector<1024x256xi32> to vector<1024xi32>
    %mul3A_452 = arith.constant 4096 : i32
    %mul3A_453 = arith.muli %arg0, %mul3A_452 : i32
    %add3A_454 = vector.broadcast %mul3A_453 : i32 to vector<1024xi32>
    %add3A_455 = arith.addi %reduce_min3A_451, %add3A_454 : vector<1024xi32>
    %swap3A = arith.constant 0 : index
    %swap3A_456 = arith.constant 0 : index
    %swap3A_457 = arith.constant 0 : index
    %swap3A_458 = vector.load %arg4[%swap3A, %swap3A_456, %swap3A_457] : memref<1x3x1024xi32, #tpu.memory_space<vmem>>, vector<1x1x1024xi32>
    %swap3A_459 = vector.shape_cast %swap3A_458 : vector<1x1x1024xi32> to vector<1024xi32>
    %swap3A_460 = vector.shape_cast %add3A_455 : vector<1024xi32> to vector<1x1x1024xi32>
    tpu.vector_store %arg4[%swap3A, %swap3A_456, %swap3A_457], %swap3A_460 {strides = array<i32>} : memref<1x3x1024xi32, #tpu.memory_space<vmem>>, vector<1x1x1024xi32>,
    %jit3A_461 = arith.constant 3.000000e+38 : f32
    %broadcast_in_dim3A_462 = vector.broadcast %jit3A_461 : f32 to vector<1024x256xf32>
    %select_n3A_463 = arith.select %eq3A_446, %broadcast_in_dim3A_462, %concatenate3A : vector<1024x256xi1>, vector<1024x256xf32>
    %reduce_min3A_464 = arith.constant dense<0x7F800000> : vector<1024xf32>
    %reduce_min3A_465 = vector.multi_reduction <minimumf>, %select_n3A_463, %reduce_min3A_464 [1] : vector<1024x256xf32> to vector<1024xf32>
    %broadcast_in_dim3A_466 = vector.shape_cast %reduce_min3A_465 : vector<1024xf32> to vector<1024x1xf32>
    %eq3A_467 = vector.broadcast %broadcast_in_dim3A_466 : vector<1024x1xf32> to vector<1024x256xf32>
    %eq3A_468 = arith.cmpf oeq, %select_n3A_463, %eq3A_467 : vector<1024x256xf32>
    %jit3A_469 = arith.constant 1073741824 : i32
    %broadcast_in_dim3A_470 = vector.broadcast %jit3A_469 : i32 to vector<1024x256xi32>
    %select_n3A_471 = arith.select %eq3A_468, %concatenate3A_443, %broadcast_in_dim3A_470 : vector<1024x256xi1>, vector<1024x256xi32>
    %reduce_min3A_472 = arith.constant dense<2147483647> : vector<1024xi32>
    %reduce_min3A_473 = vector.multi_reduction <minsi>, %select_n3A_471, %reduce_min3A_472 [1] : vector<1024x256xi32> to vector<1024xi32>
    %mul3A_474 = arith.constant 4096 : i32
    %mul3A_475 = arith.muli %arg0, %mul3A_474 : i32
    %add3A_476 = vector.broadcast %mul3A_475 : i32 to vector<1024xi32>
    %add3A_477 = arith.addi %reduce_min3A_473, %add3A_476 : vector<1024xi32>
    %swap3A_478 = arith.constant 0 : index
    %swap3A_479 = arith.constant 1 : index
    %swap3A_480 = arith.constant 0 : index
    %swap3A_481 = vector.load %arg4[%swap3A_478, %swap3A_479, %swap3A_480] : memref<1x3x1024xi32, #tpu.memory_space<vmem>>, vector<1x1x1024xi32>
    %swap3A_482 = vector.shape_cast %swap3A_481 : vector<1x1x1024xi32> to vector<1024xi32>
    %swap3A_483 = vector.shape_cast %add3A_477 : vector<1024xi32> to vector<1x1x1024xi32>
    tpu.vector_store %arg4[%swap3A_478, %swap3A_479, %swap3A_480], %swap3A_483 {strides = array<i32>} : memref<1x3x1024xi32, #tpu.memory_space<vmem>>, vector<1x1x1024xi32>,
    %jit3A_484 = arith.constant 3.000000e+38 : f32
    %broadcast_in_dim3A_485 = vector.broadcast %jit3A_484 : f32 to vector<1024x256xf32>
    %select_n3A_486 = arith.select %eq3A_468, %broadcast_in_dim3A_485, %select_n3A_463 : vector<1024x256xi1>, vector<1024x256xf32>
    %reduce_min3A_487 = arith.constant dense<0x7F800000> : vector<1024xf32>
    %reduce_min3A_488 = vector.multi_reduction <minimumf>, %select_n3A_486, %reduce_min3A_487 [1] : vector<1024x256xf32> to vector<1024xf32>
    %broadcast_in_dim3A_489 = vector.shape_cast %reduce_min3A_488 : vector<1024xf32> to vector<1024x1xf32>
    %eq3A_490 = vector.broadcast %broadcast_in_dim3A_489 : vector<1024x1xf32> to vector<1024x256xf32>
    %eq3A_491 = arith.cmpf oeq, %select_n3A_486, %eq3A_490 : vector<1024x256xf32>
    %jit3A_492 = arith.constant 1073741824 : i32
    %broadcast_in_dim3A_493 = vector.broadcast %jit3A_492 : i32 to vector<1024x256xi32>
    %select_n3A_494 = arith.select %eq3A_491, %concatenate3A_443, %broadcast_in_dim3A_493 : vector<1024x256xi1>, vector<1024x256xi32>
    %reduce_min3A_495 = arith.constant dense<2147483647> : vector<1024xi32>
    %reduce_min3A_496 = vector.multi_reduction <minsi>, %select_n3A_494, %reduce_min3A_495 [1] : vector<1024x256xi32> to vector<1024xi32>
    %mul3A_497 = arith.constant 4096 : i32
    %mul3A_498 = arith.muli %arg0, %mul3A_497 : i32
    %add3A_499 = vector.broadcast %mul3A_498 : i32 to vector<1024xi32>
    %add3A_500 = arith.addi %reduce_min3A_496, %add3A_499 : vector<1024xi32>
    %swap3A_501 = arith.constant 0 : index
    %swap3A_502 = arith.constant 2 : index
    %swap3A_503 = arith.constant 0 : index
    %swap3A_504 = vector.load %arg4[%swap3A_501, %swap3A_502, %swap3A_503] : memref<1x3x1024xi32, #tpu.memory_space<vmem>>, vector<1x1x1024xi32>
    %swap3A_505 = vector.shape_cast %swap3A_504 : vector<1x1x1024xi32> to vector<1024xi32>
    %swap3A_506 = vector.shape_cast %add3A_500 : vector<1024xi32> to vector<1x1x1024xi32>
    tpu.vector_store %arg4[%swap3A_501, %swap3A_502, %swap3A_503], %swap3A_506 {strides = array<i32>} : memref<1x3x1024xi32, #tpu.memory_space<vmem>>, vector<1x1x1024xi32>,
    return
  }
  func.func @transform_0(%arg0: i32, %arg1: i32) -> (i32, i32, i32) {
    %c0_i32 = arith.constant 0 : i32
    %c0_i32_0 = arith.constant 0 : i32
    return %arg0, %c0_i32, %arg1 : i32, i32, i32
  }
  func.func @transform_1(%arg0: i32, %arg1: i32) -> (i32, i32, i32) {
    %c0_i32 = arith.constant 0 : i32
    %c0_i32_0 = arith.constant 0 : i32
    %c0_i32_1 = arith.constant 0 : i32
    return %arg0, %c0_i32, %c0_i32_0 : i32, i32, i32
  }
  func.func @transform_2(%arg0: i32, %arg1: i32) -> (i32, i32, i32) {
    %c0_i32 = arith.constant 0 : i32
    %c0_i32_0 = arith.constant 0 : i32
    return %arg0, %c0_i32, %arg1 : i32, i32, i32
  }
}

module attributes {stable_mosaic.version = 14 : i64} {
  func.func @_feat_body(%arg0: i32, %arg1: memref<1x3x4096xf32, #tpu.memory_space<vmem>>, %arg2: memref<3x128xf32, #tpu.memory_space<vmem>>, %arg3: memref<1x128xf32, #tpu.memory_space<vmem>>, %arg4: memref<128x128xf32, #tpu.memory_space<vmem>>, %arg5: memref<1x128xf32, #tpu.memory_space<vmem>>, %arg6: memref<128x128xf32, #tpu.memory_space<vmem>>, %arg7: memref<1x128xf32, #tpu.memory_space<vmem>>, %arg8: memref<128x128xf32, #tpu.memory_space<vmem>>, %arg9: memref<1x128xf32, #tpu.memory_space<vmem>>, %arg10: memref<4x128x256xf32, #tpu.memory_space<vmem>>, %arg11: memref<128x256xf32, #tpu.memory_space<vmem>>, %arg12: memref<1x256xf32, #tpu.memory_space<vmem>>, %arg13: memref<1x4096x256xf32, #tpu.memory_space<vmem>>, %arg14: memref<1x1x256xf32, #tpu.memory_space<vmem>>) attributes {dimension_semantics = [#tpu.dimension_semantics<arbitrary>], iteration_bounds = array<i64: 2>, scalar_prefetch = 0 : i64, scratch_operands = 0 : i64, tpu.core_type = #tpu.core_type<tc>, window_params = [{transform_indices = @transform_0, window_bounds = array<i64: 1, 3, 4096>}, {pipeline_mode = #tpu.pipeline_mode<synchronous>, transform_indices = @transform_1, window_bounds = array<i64: 3, 128>}, {pipeline_mode = #tpu.pipeline_mode<synchronous>, transform_indices = @transform_2, window_bounds = array<i64: 1, 128>}, {pipeline_mode = #tpu.pipeline_mode<synchronous>, transform_indices = @transform_3, window_bounds = array<i64: 128, 128>}, {pipeline_mode = #tpu.pipeline_mode<synchronous>, transform_indices = @transform_4, window_bounds = array<i64: 1, 128>}, {pipeline_mode = #tpu.pipeline_mode<synchronous>, transform_indices = @transform_5, window_bounds = array<i64: 128, 128>}, {pipeline_mode = #tpu.pipeline_mode<synchronous>, transform_indices = @transform_6, window_bounds = array<i64: 1, 128>}, {pipeline_mode = #tpu.pipeline_mode<synchronous>, transform_indices = @transform_7, window_bounds = array<i64: 128, 128>}, {pipeline_mode = #tpu.pipeline_mode<synchronous>, transform_indices = @transform_8, window_bounds = array<i64: 1, 128>}, {pipeline_mode = #tpu.pipeline_mode<synchronous>, transform_indices = @transform_9, window_bounds = array<i64: 4, 128, 256>}, {pipeline_mode = #tpu.pipeline_mode<synchronous>, transform_indices = @transform_10, window_bounds = array<i64: 128, 256>}, {pipeline_mode = #tpu.pipeline_mode<synchronous>, transform_indices = @transform_11, window_bounds = array<i64: 1, 256>}, {transform_indices = @transform_12, window_bounds = array<i64: 1, 4096, 256>}, {transform_indices = @transform_13, window_bounds = array<i64: 1, 1, 256>}]} {
    %get3A = arith.constant 0 : index
    %get3A_0 = arith.constant 0 : index
    %get3A_1 = arith.constant 0 : index
    %get3A_2 = vector.load %arg1[%get3A, %get3A_0, %get3A_1] : memref<1x3x4096xf32, #tpu.memory_space<vmem>>, vector<1x3x4096xf32>
    %get3A_3 = vector.shape_cast %get3A_2 : vector<1x3x4096xf32> to vector<3x4096xf32>
    %get3A_4 = arith.constant 0 : index
    %get3A_5 = arith.constant 0 : index
    %get3A_6 = vector.load %arg2[%get3A_4, %get3A_5] : memref<3x128xf32, #tpu.memory_space<vmem>>, vector<3x128xf32>
    %dot_general3A = arith.constant dense<0.000000e+00> : vector<128x4096xf32>
    %dot_general3A_7 = tpu.matmul %get3A_6, %get3A_3, %dot_general3A {dimension_numbers = #tpu.dot_dimension_numbers<[0], [0], [1], [1], [0, 1, 1, 1], [], []>, transpose_lhs_hint = false} : vector<3x128xf32>, vector<3x4096xf32>, vector<128x4096xf32> -> vector<128x4096xf32>
    %get3A_8 = arith.constant 0 : index
    %get3A_9 = arith.constant 0 : index
    %get3A_10 = vector.load %arg3[%get3A_8, %get3A_9] : memref<1x128xf32, #tpu.memory_space<vmem>>, vector<1x128xf32>
    %reshape3A = vector.shape_cast %get3A_10 : vector<1x128xf32> to vector<128x1xf32>
    %add3A = vector.broadcast %reshape3A : vector<128x1xf32> to vector<128x4096xf32>
    %add3A_11 = arith.addf %dot_general3A_7, %add3A : vector<128x4096xf32>
    %max3A = arith.constant 0.000000e+00 : f32
    %max3A_12 = vector.broadcast %max3A : f32 to vector<128x4096xf32>
    %max3A_13 = arith.maximumf %add3A_11, %max3A_12 : vector<128x4096xf32>
    %get3A_14 = arith.constant 0 : index
    %get3A_15 = arith.constant 0 : index
    %get3A_16 = arith.constant 0 : index
    %get3A_17 = vector.load %arg10[%get3A_14, %get3A_15, %get3A_16] : memref<4x128x256xf32, #tpu.memory_space<vmem>>, vector<1x128x256xf32>
    %get3A_18 = vector.shape_cast %get3A_17 : vector<1x128x256xf32> to vector<128x256xf32>
    %dot_general3A_19 = arith.constant dense<0.000000e+00> : vector<4096x256xf32>
    %dot_general3A_20 = tpu.matmul %max3A_13, %get3A_18, %dot_general3A_19 {dimension_numbers = #tpu.dot_dimension_numbers<[0], [0], [1], [1], [0, 1, 1, 1], [], []>, transpose_lhs_hint = false} : vector<128x4096xf32>, vector<128x256xf32>, vector<4096x256xf32> -> vector<4096x256xf32>
    %get3A_21 = arith.constant 0 : index
    %get3A_22 = arith.constant 0 : index
    %get3A_23 = vector.load %arg4[%get3A_21, %get3A_22] : memref<128x128xf32, #tpu.memory_space<vmem>>, vector<128x128xf32>
    %dot_general3A_24 = arith.constant dense<0.000000e+00> : vector<128x4096xf32>
    %dot_general3A_25 = tpu.matmul %get3A_23, %max3A_13, %dot_general3A_24 {dimension_numbers = #tpu.dot_dimension_numbers<[0], [0], [1], [1], [0, 1, 1, 1], [], []>, transpose_lhs_hint = false} : vector<128x128xf32>, vector<128x4096xf32>, vector<128x4096xf32> -> vector<128x4096xf32>
    %get3A_26 = arith.constant 0 : index
    %get3A_27 = arith.constant 0 : index
    %get3A_28 = vector.load %arg5[%get3A_26, %get3A_27] : memref<1x128xf32, #tpu.memory_space<vmem>>, vector<1x128xf32>
    %reshape3A_29 = vector.shape_cast %get3A_28 : vector<1x128xf32> to vector<128x1xf32>
    %add3A_30 = vector.broadcast %reshape3A_29 : vector<128x1xf32> to vector<128x4096xf32>
    %add3A_31 = arith.addf %dot_general3A_25, %add3A_30 : vector<128x4096xf32>
    %max3A_32 = arith.constant 0.000000e+00 : f32
    %max3A_33 = vector.broadcast %max3A_32 : f32 to vector<128x4096xf32>
    %max3A_34 = arith.maximumf %add3A_31, %max3A_33 : vector<128x4096xf32>
    %get3A_35 = arith.constant 1 : index
    %get3A_36 = arith.constant 0 : index
    %get3A_37 = arith.constant 0 : index
    %get3A_38 = vector.load %arg10[%get3A_35, %get3A_36, %get3A_37] : memref<4x128x256xf32, #tpu.memory_space<vmem>>, vector<1x128x256xf32>
    %get3A_39 = vector.shape_cast %get3A_38 : vector<1x128x256xf32> to vector<128x256xf32>
    %dot_general3A_40 = arith.constant dense<0.000000e+00> : vector<4096x256xf32>
    %dot_general3A_41 = tpu.matmul %max3A_34, %get3A_39, %dot_general3A_40 {dimension_numbers = #tpu.dot_dimension_numbers<[0], [0], [1], [1], [0, 1, 1, 1], [], []>, transpose_lhs_hint = false} : vector<128x4096xf32>, vector<128x256xf32>, vector<4096x256xf32> -> vector<4096x256xf32>
    %add3A_42 = arith.addf %dot_general3A_20, %dot_general3A_41 : vector<4096x256xf32>
    %get3A_43 = arith.constant 0 : index
    %get3A_44 = arith.constant 0 : index
    %get3A_45 = vector.load %arg6[%get3A_43, %get3A_44] : memref<128x128xf32, #tpu.memory_space<vmem>>, vector<128x128xf32>
    %dot_general3A_46 = arith.constant dense<0.000000e+00> : vector<128x4096xf32>
    %dot_general3A_47 = tpu.matmul %get3A_45, %max3A_34, %dot_general3A_46 {dimension_numbers = #tpu.dot_dimension_numbers<[0], [0], [1], [1], [0, 1, 1, 1], [], []>, transpose_lhs_hint = false} : vector<128x128xf32>, vector<128x4096xf32>, vector<128x4096xf32> -> vector<128x4096xf32>
    %get3A_48 = arith.constant 0 : index
    %get3A_49 = arith.constant 0 : index
    %get3A_50 = vector.load %arg7[%get3A_48, %get3A_49] : memref<1x128xf32, #tpu.memory_space<vmem>>, vector<1x128xf32>
    %reshape3A_51 = vector.shape_cast %get3A_50 : vector<1x128xf32> to vector<128x1xf32>
    %add3A_52 = vector.broadcast %reshape3A_51 : vector<128x1xf32> to vector<128x4096xf32>
    %add3A_53 = arith.addf %dot_general3A_47, %add3A_52 : vector<128x4096xf32>
    %max3A_54 = arith.constant 0.000000e+00 : f32
    %max3A_55 = vector.broadcast %max3A_54 : f32 to vector<128x4096xf32>
    %max3A_56 = arith.maximumf %add3A_53, %max3A_55 : vector<128x4096xf32>
    %get3A_57 = arith.constant 2 : index
    %get3A_58 = arith.constant 0 : index
    %get3A_59 = arith.constant 0 : index
    %get3A_60 = vector.load %arg10[%get3A_57, %get3A_58, %get3A_59] : memref<4x128x256xf32, #tpu.memory_space<vmem>>, vector<1x128x256xf32>
    %get3A_61 = vector.shape_cast %get3A_60 : vector<1x128x256xf32> to vector<128x256xf32>
    %dot_general3A_62 = arith.constant dense<0.000000e+00> : vector<4096x256xf32>
    %dot_general3A_63 = tpu.matmul %max3A_56, %get3A_61, %dot_general3A_62 {dimension_numbers = #tpu.dot_dimension_numbers<[0], [0], [1], [1], [0, 1, 1, 1], [], []>, transpose_lhs_hint = false} : vector<128x4096xf32>, vector<128x256xf32>, vector<4096x256xf32> -> vector<4096x256xf32>
    %add3A_64 = arith.addf %add3A_42, %dot_general3A_63 : vector<4096x256xf32>
    %get3A_65 = arith.constant 0 : index
    %get3A_66 = arith.constant 0 : index
    %get3A_67 = vector.load %arg8[%get3A_65, %get3A_66] : memref<128x128xf32, #tpu.memory_space<vmem>>, vector<128x128xf32>
    %dot_general3A_68 = arith.constant dense<0.000000e+00> : vector<128x4096xf32>
    %dot_general3A_69 = tpu.matmul %get3A_67, %max3A_56, %dot_general3A_68 {dimension_numbers = #tpu.dot_dimension_numbers<[0], [0], [1], [1], [0, 1, 1, 1], [], []>, transpose_lhs_hint = false} : vector<128x128xf32>, vector<128x4096xf32>, vector<128x4096xf32> -> vector<128x4096xf32>
    %get3A_70 = arith.constant 0 : index
    %get3A_71 = arith.constant 0 : index
    %get3A_72 = vector.load %arg9[%get3A_70, %get3A_71] : memref<1x128xf32, #tpu.memory_space<vmem>>, vector<1x128xf32>
    %reshape3A_73 = vector.shape_cast %get3A_72 : vector<1x128xf32> to vector<128x1xf32>
    %add3A_74 = vector.broadcast %reshape3A_73 : vector<128x1xf32> to vector<128x4096xf32>
    %add3A_75 = arith.addf %dot_general3A_69, %add3A_74 : vector<128x4096xf32>
    %max3A_76 = arith.constant 0.000000e+00 : f32
    %max3A_77 = vector.broadcast %max3A_76 : f32 to vector<128x4096xf32>
    %max3A_78 = arith.maximumf %add3A_75, %max3A_77 : vector<128x4096xf32>
    %get3A_79 = arith.constant 3 : index
    %get3A_80 = arith.constant 0 : index
    %get3A_81 = arith.constant 0 : index
    %get3A_82 = vector.load %arg10[%get3A_79, %get3A_80, %get3A_81] : memref<4x128x256xf32, #tpu.memory_space<vmem>>, vector<1x128x256xf32>
    %get3A_83 = vector.shape_cast %get3A_82 : vector<1x128x256xf32> to vector<128x256xf32>
    %dot_general3A_84 = arith.constant dense<0.000000e+00> : vector<4096x256xf32>
    %dot_general3A_85 = tpu.matmul %max3A_78, %get3A_83, %dot_general3A_84 {dimension_numbers = #tpu.dot_dimension_numbers<[0], [0], [1], [1], [0, 1, 1, 1], [], []>, transpose_lhs_hint = false} : vector<128x4096xf32>, vector<128x256xf32>, vector<4096x256xf32> -> vector<4096x256xf32>
    %add3A_86 = arith.addf %add3A_64, %dot_general3A_85 : vector<4096x256xf32>
    %swap3A = arith.constant 0 : index
    %swap3A_87 = arith.constant 0 : index
    %swap3A_88 = arith.constant 0 : index
    %swap3A_89 = vector.load %arg13[%swap3A, %swap3A_87, %swap3A_88] : memref<1x4096x256xf32, #tpu.memory_space<vmem>>, vector<1x4096x256xf32>
    %swap3A_90 = vector.shape_cast %swap3A_89 : vector<1x4096x256xf32> to vector<4096x256xf32>
    %swap3A_91 = vector.shape_cast %add3A_86 : vector<4096x256xf32> to vector<1x4096x256xf32>
    tpu.vector_store %arg13[%swap3A, %swap3A_87, %swap3A_88], %swap3A_91 {strides = array<i32>} : memref<1x4096x256xf32, #tpu.memory_space<vmem>>, vector<1x4096x256xf32>,
    %reduce_max3A = arith.constant dense<0xFF800000> : vector<128xf32>
    %reduce_max3A_92 = vector.multi_reduction <maximumf>, %max3A_78, %reduce_max3A [1] : vector<128x4096xf32> to vector<128xf32>
    %reshape3A_93 = vector.shape_cast %reduce_max3A_92 : vector<128xf32> to vector<1x128xf32>
    %get3A_94 = arith.constant 0 : index
    %get3A_95 = arith.constant 0 : index
    %get3A_96 = vector.load %arg11[%get3A_94, %get3A_95] : memref<128x256xf32, #tpu.memory_space<vmem>>, vector<128x256xf32>
    %dot_general3A_97 = arith.constant dense<0.000000e+00> : vector<1x256xf32>
    %dot_general3A_98 = tpu.matmul %reshape3A_93, %get3A_96, %dot_general3A_97 {dimension_numbers = #tpu.dot_dimension_numbers<[1], [0], [0], [1], [0, 0, 1, 1], [], []>, transpose_lhs_hint = false} : vector<1x128xf32>, vector<128x256xf32>, vector<1x256xf32> -> vector<1x256xf32>
    %get3A_99 = arith.constant 0 : index
    %get3A_100 = arith.constant 0 : index
    %get3A_101 = vector.load %arg12[%get3A_99, %get3A_100] : memref<1x256xf32, #tpu.memory_space<vmem>>, vector<1x256xf32>
    %add3A_102 = arith.addf %dot_general3A_98, %get3A_101 : vector<1x256xf32>
    %swap3A_103 = arith.constant 0 : index
    %swap3A_104 = arith.constant 0 : index
    %swap3A_105 = arith.constant 0 : index
    %swap3A_106 = vector.load %arg14[%swap3A_103, %swap3A_104, %swap3A_105] : memref<1x1x256xf32, #tpu.memory_space<vmem>>, vector<1x1x256xf32>
    %swap3A_107 = vector.shape_cast %swap3A_106 : vector<1x1x256xf32> to vector<1x256xf32>
    %swap3A_108 = vector.shape_cast %add3A_102 : vector<1x256xf32> to vector<1x1x256xf32>
    tpu.vector_store %arg14[%swap3A_103, %swap3A_104, %swap3A_105], %swap3A_108 {strides = array<i32>} : memref<1x1x256xf32, #tpu.memory_space<vmem>>, vector<1x1x256xf32>,
    return
  }
  func.func @transform_0(%arg0: i32) -> (i32, i32, i32) {
    %c0_i32 = arith.constant 0 : i32
    %c0_i32_0 = arith.constant 0 : i32
    %c0_i32_1 = arith.constant 0 : i32
    return %arg0, %c0_i32, %c0_i32_0 : i32, i32, i32
  }
  func.func @transform_1(%arg0: i32) -> (i32, i32) {
    %c0_i32 = arith.constant 0 : i32
    %c0_i32_0 = arith.constant 0 : i32
    %c0_i32_1 = arith.constant 0 : i32
    return %c0_i32, %c0_i32_0 : i32, i32
  }
  func.func @transform_2(%arg0: i32) -> (i32, i32) {
    %c0_i32 = arith.constant 0 : i32
    %c0_i32_0 = arith.constant 0 : i32
    %c0_i32_1 = arith.constant 0 : i32
    return %c0_i32, %c0_i32_0 : i32, i32
  }
  func.func @transform_3(%arg0: i32) -> (i32, i32) {
    %c0_i32 = arith.constant 0 : i32
    %c0_i32_0 = arith.constant 0 : i32
    %c0_i32_1 = arith.constant 0 : i32
    return %c0_i32, %c0_i32_0 : i32, i32
  }
  func.func @transform_4(%arg0: i32) -> (i32, i32) {
    %c0_i32 = arith.constant 0 : i32
    %c0_i32_0 = arith.constant 0 : i32
    %c0_i32_1 = arith.constant 0 : i32
    return %c0_i32, %c0_i32_0 : i32, i32
  }
  func.func @transform_5(%arg0: i32) -> (i32, i32) {
    %c0_i32 = arith.constant 0 : i32
    %c0_i32_0 = arith.constant 0 : i32
    %c0_i32_1 = arith.constant 0 : i32
    return %c0_i32, %c0_i32_0 : i32, i32
  }
  func.func @transform_6(%arg0: i32) -> (i32, i32) {
    %c0_i32 = arith.constant 0 : i32
    %c0_i32_0 = arith.constant 0 : i32
    %c0_i32_1 = arith.constant 0 : i32
    return %c0_i32, %c0_i32_0 : i32, i32
  }
  func.func @transform_7(%arg0: i32) -> (i32, i32) {
    %c0_i32 = arith.constant 0 : i32
    %c0_i32_0 = arith.constant 0 : i32
    %c0_i32_1 = arith.constant 0 : i32
    return %c0_i32, %c0_i32_0 : i32, i32
  }
  func.func @transform_8(%arg0: i32) -> (i32, i32) {
    %c0_i32 = arith.constant 0 : i32
    %c0_i32_0 = arith.constant 0 : i32
    %c0_i32_1 = arith.constant 0 : i32
    return %c0_i32, %c0_i32_0 : i32, i32
  }
  func.func @transform_9(%arg0: i32) -> (i32, i32, i32) {
    %c0_i32 = arith.constant 0 : i32
    %c0_i32_0 = arith.constant 0 : i32
    %c0_i32_1 = arith.constant 0 : i32
    %c0_i32_2 = arith.constant 0 : i32
    return %c0_i32, %c0_i32_0, %c0_i32_1 : i32, i32, i32
  }
  func.func @transform_10(%arg0: i32) -> (i32, i32) {
    %c0_i32 = arith.constant 0 : i32
    %c0_i32_0 = arith.constant 0 : i32
    %c0_i32_1 = arith.constant 0 : i32
    return %c0_i32, %c0_i32_0 : i32, i32
  }
  func.func @transform_11(%arg0: i32) -> (i32, i32) {
    %c0_i32 = arith.constant 0 : i32
    %c0_i32_0 = arith.constant 0 : i32
    %c0_i32_1 = arith.constant 0 : i32
    return %c0_i32, %c0_i32_0 : i32, i32
  }
  func.func @transform_12(%arg0: i32) -> (i32, i32, i32) {
    %c0_i32 = arith.constant 0 : i32
    %c0_i32_0 = arith.constant 0 : i32
    %c0_i32_1 = arith.constant 0 : i32
    return %arg0, %c0_i32, %c0_i32_0 : i32, i32, i32
  }
  func.func @transform_13(%arg0: i32) -> (i32, i32, i32) {
    %c0_i32 = arith.constant 0 : i32
    %c0_i32_0 = arith.constant 0 : i32
    %c0_i32_1 = arith.constant 0 : i32
    return %arg0, %c0_i32, %c0_i32_0 : i32, i32, i32
  }
}

module attributes {stable_mosaic.version = 14 : i64} {
  func.func @_reg_body(%arg0: i32, %arg1: i32, %arg2: memref<1x3x1024x256xf32, #tpu.memory_space<vmem>>, %arg3: memref<1x3x1024x128xf32, #tpu.memory_space<vmem>>, %arg4: memref<1x3x1024xf32, #tpu.memory_space<vmem>>, %arg5: memref<1x1x256xf32, #tpu.memory_space<vmem>>, %arg6: memref<3x256xf32, #tpu.memory_space<vmem>>, %arg7: memref<256x64xf32, #tpu.memory_space<vmem>>, %arg8: memref<1x64xf32, #tpu.memory_space<vmem>>, %arg9: memref<64x1xf32, #tpu.memory_space<vmem>>, %arg10: memref<1x1xf32, #tpu.memory_space<vmem>>, %arg11: memref<1x1x1024xf32, #tpu.memory_space<vmem>>) attributes {dimension_semantics = [#tpu.dimension_semantics<arbitrary>, #tpu.dimension_semantics<arbitrary>], iteration_bounds = array<i64: 2, 4>, scalar_prefetch = 0 : i64, scratch_operands = 0 : i64, tpu.core_type = #tpu.core_type<tc>, window_params = [{transform_indices = @transform_0, window_bounds = array<i64: 1, 3, 1024, 256>}, {transform_indices = @transform_1, window_bounds = array<i64: 1, 3, 1024, 128>}, {transform_indices = @transform_2, window_bounds = array<i64: 1, 3, 1024>}, {transform_indices = @transform_3, window_bounds = array<i64: 1, 1, 256>}, {pipeline_mode = #tpu.pipeline_mode<synchronous>, transform_indices = @transform_4, window_bounds = array<i64: 3, 256>}, {pipeline_mode = #tpu.pipeline_mode<synchronous>, transform_indices = @transform_5, window_bounds = array<i64: 256, 64>}, {pipeline_mode = #tpu.pipeline_mode<synchronous>, transform_indices = @transform_6, window_bounds = array<i64: 1, 64>}, {pipeline_mode = #tpu.pipeline_mode<synchronous>, transform_indices = @transform_7, window_bounds = array<i64: 64, 1>}, {pipeline_mode = #tpu.pipeline_mode<synchronous>, transform_indices = @transform_8, window_bounds = array<i64: 1, 1>}, {transform_indices = @transform_9, window_bounds = array<i64: 1, 1, 1024>}]} {
    %get3A = arith.constant 0 : index
    %get3A_0 = arith.constant 0 : index
    %get3A_1 = arith.constant 0 : index
    %get3A_2 = vector.load %arg4[%get3A, %get3A_0, %get3A_1] : memref<1x3x1024xf32, #tpu.memory_space<vmem>>, vector<1x3x1024xf32>
    %get3A_3 = vector.shape_cast %get3A_2 : vector<1x3x1024xf32> to vector<3x1024xf32>
    %get3A_4 = arith.constant 0 : index
    %get3A_5 = arith.constant 0 : index
    %get3A_6 = arith.constant 0 : index
    %get3A_7 = arith.constant 0 : index
    %get3A_8 = vector.load %arg3[%get3A_4, %get3A_5, %get3A_6, %get3A_7] : memref<1x3x1024x128xf32, #tpu.memory_space<vmem>>, vector<1x1x1024x128xf32>
    %get3A_9 = vector.shape_cast %get3A_8 : vector<1x1x1024x128xf32> to vector<1024x128xf32>
    %slice3A = vector.extract_strided_slice %get3A_9 {offsets = [0, 0], sizes = [1024, 1], strides = [1, 1]} : vector<1024x128xf32> to vector<1024x1xf32>
    %squeeze3A = vector.shape_cast %slice3A : vector<1024x1xf32> to vector<1024xf32>
    %slice3A_10 = vector.extract_strided_slice %get3A_3 {offsets = [0, 0], sizes = [1, 1024], strides = [1, 1]} : vector<3x1024xf32> to vector<1x1024xf32>
    %squeeze3A_11 = vector.shape_cast %slice3A_10 : vector<1x1024xf32> to vector<1024xf32>
    %sub3A = arith.subf %squeeze3A, %squeeze3A_11 : vector<1024xf32>
    %slice3A_12 = vector.extract_strided_slice %get3A_9 {offsets = [0, 1], sizes = [1024, 1], strides = [1, 1]} : vector<1024x128xf32> to vector<1024x1xf32>
    %squeeze3A_13 = vector.shape_cast %slice3A_12 : vector<1024x1xf32> to vector<1024xf32>
    %slice3A_14 = vector.extract_strided_slice %get3A_3 {offsets = [1, 0], sizes = [1, 1024], strides = [1, 1]} : vector<3x1024xf32> to vector<1x1024xf32>
    %squeeze3A_15 = vector.shape_cast %slice3A_14 : vector<1x1024xf32> to vector<1024xf32>
    %sub3A_16 = arith.subf %squeeze3A_13, %squeeze3A_15 : vector<1024xf32>
    %slice3A_17 = vector.extract_strided_slice %get3A_9 {offsets = [0, 2], sizes = [1024, 1], strides = [1, 1]} : vector<1024x128xf32> to vector<1024x1xf32>
    %squeeze3A_18 = vector.shape_cast %slice3A_17 : vector<1024x1xf32> to vector<1024xf32>
    %slice3A_19 = vector.extract_strided_slice %get3A_3 {offsets = [2, 0], sizes = [1, 1024], strides = [1, 1]} : vector<3x1024xf32> to vector<1x1024xf32>
    %squeeze3A_20 = vector.shape_cast %slice3A_19 : vector<1x1024xf32> to vector<1024xf32>
    %sub3A_21 = arith.subf %squeeze3A_18, %squeeze3A_20 : vector<1024xf32>
    %mul3A = arith.mulf %sub3A, %sub3A : vector<1024xf32>
    %mul3A_22 = arith.mulf %sub3A_16, %sub3A_16 : vector<1024xf32>
    %add3A = arith.addf %mul3A, %mul3A_22 : vector<1024xf32>
    %mul3A_23 = arith.mulf %sub3A_21, %sub3A_21 : vector<1024xf32>
    %add3A_24 = arith.addf %add3A, %mul3A_23 : vector<1024xf32>
    %add3A_25 = arith.constant 9.99999996E-13 : f32
    %add3A_26 = vector.broadcast %add3A_25 : f32 to vector<1024xf32>
    %add3A_27 = arith.addf %add3A_24, %add3A_26 : vector<1024xf32>
    %sqrt3A = math.sqrt %add3A_27 : vector<1024xf32>
    %add3A_28 = arith.constant 9.99999993E-9 : f32
    %add3A_29 = vector.broadcast %add3A_28 : f32 to vector<1024xf32>
    %add3A_30 = arith.addf %sqrt3A, %add3A_29 : vector<1024xf32>
    %div3A = arith.constant 1.000000e+00 : f32
    %div3A_31 = vector.broadcast %div3A : f32 to vector<1024xf32>
    %div3A_32 = arith.divf %div3A_31, %add3A_30 : vector<1024xf32>
    %get3A_33 = arith.constant 0 : index
    %get3A_34 = arith.constant 1 : index
    %get3A_35 = arith.constant 0 : index
    %get3A_36 = arith.constant 0 : index
    %get3A_37 = vector.load %arg3[%get3A_33, %get3A_34, %get3A_35, %get3A_36] : memref<1x3x1024x128xf32, #tpu.memory_space<vmem>>, vector<1x1x1024x128xf32>
    %get3A_38 = vector.shape_cast %get3A_37 : vector<1x1x1024x128xf32> to vector<1024x128xf32>
    %slice3A_39 = vector.extract_strided_slice %get3A_38 {offsets = [0, 0], sizes = [1024, 1], strides = [1, 1]} : vector<1024x128xf32> to vector<1024x1xf32>
    %squeeze3A_40 = vector.shape_cast %slice3A_39 : vector<1024x1xf32> to vector<1024xf32>
    %slice3A_41 = vector.extract_strided_slice %get3A_3 {offsets = [0, 0], sizes = [1, 1024], strides = [1, 1]} : vector<3x1024xf32> to vector<1x1024xf32>
    %squeeze3A_42 = vector.shape_cast %slice3A_41 : vector<1x1024xf32> to vector<1024xf32>
    %sub3A_43 = arith.subf %squeeze3A_40, %squeeze3A_42 : vector<1024xf32>
    %slice3A_44 = vector.extract_strided_slice %get3A_38 {offsets = [0, 1], sizes = [1024, 1], strides = [1, 1]} : vector<1024x128xf32> to vector<1024x1xf32>
    %squeeze3A_45 = vector.shape_cast %slice3A_44 : vector<1024x1xf32> to vector<1024xf32>
    %slice3A_46 = vector.extract_strided_slice %get3A_3 {offsets = [1, 0], sizes = [1, 1024], strides = [1, 1]} : vector<3x1024xf32> to vector<1x1024xf32>
    %squeeze3A_47 = vector.shape_cast %slice3A_46 : vector<1x1024xf32> to vector<1024xf32>
    %sub3A_48 = arith.subf %squeeze3A_45, %squeeze3A_47 : vector<1024xf32>
    %slice3A_49 = vector.extract_strided_slice %get3A_38 {offsets = [0, 2], sizes = [1024, 1], strides = [1, 1]} : vector<1024x128xf32> to vector<1024x1xf32>
    %squeeze3A_50 = vector.shape_cast %slice3A_49 : vector<1024x1xf32> to vector<1024xf32>
    %slice3A_51 = vector.extract_strided_slice %get3A_3 {offsets = [2, 0], sizes = [1, 1024], strides = [1, 1]} : vector<3x1024xf32> to vector<1x1024xf32>
    %squeeze3A_52 = vector.shape_cast %slice3A_51 : vector<1x1024xf32> to vector<1024xf32>
    %sub3A_53 = arith.subf %squeeze3A_50, %squeeze3A_52 : vector<1024xf32>
    %mul3A_54 = arith.mulf %sub3A_43, %sub3A_43 : vector<1024xf32>
    %mul3A_55 = arith.mulf %sub3A_48, %sub3A_48 : vector<1024xf32>
    %add3A_56 = arith.addf %mul3A_54, %mul3A_55 : vector<1024xf32>
    %mul3A_57 = arith.mulf %sub3A_53, %sub3A_53 : vector<1024xf32>
    %add3A_58 = arith.addf %add3A_56, %mul3A_57 : vector<1024xf32>
    %add3A_59 = arith.constant 9.99999996E-13 : f32
    %add3A_60 = vector.broadcast %add3A_59 : f32 to vector<1024xf32>
    %add3A_61 = arith.addf %add3A_58, %add3A_60 : vector<1024xf32>
    %sqrt3A_62 = math.sqrt %add3A_61 : vector<1024xf32>
    %add3A_63 = arith.constant 9.99999993E-9 : f32
    %add3A_64 = vector.broadcast %add3A_63 : f32 to vector<1024xf32>
    %add3A_65 = arith.addf %sqrt3A_62, %add3A_64 : vector<1024xf32>
    %div3A_66 = arith.constant 1.000000e+00 : f32
    %div3A_67 = vector.broadcast %div3A_66 : f32 to vector<1024xf32>
    %div3A_68 = arith.divf %div3A_67, %add3A_65 : vector<1024xf32>
    %get3A_69 = arith.constant 0 : index
    %get3A_70 = arith.constant 2 : index
    %get3A_71 = arith.constant 0 : index
    %get3A_72 = arith.constant 0 : index
    %get3A_73 = vector.load %arg3[%get3A_69, %get3A_70, %get3A_71, %get3A_72] : memref<1x3x1024x128xf32, #tpu.memory_space<vmem>>, vector<1x1x1024x128xf32>
    %get3A_74 = vector.shape_cast %get3A_73 : vector<1x1x1024x128xf32> to vector<1024x128xf32>
    %slice3A_75 = vector.extract_strided_slice %get3A_74 {offsets = [0, 0], sizes = [1024, 1], strides = [1, 1]} : vector<1024x128xf32> to vector<1024x1xf32>
    %squeeze3A_76 = vector.shape_cast %slice3A_75 : vector<1024x1xf32> to vector<1024xf32>
    %slice3A_77 = vector.extract_strided_slice %get3A_3 {offsets = [0, 0], sizes = [1, 1024], strides = [1, 1]} : vector<3x1024xf32> to vector<1x1024xf32>
    %squeeze3A_78 = vector.shape_cast %slice3A_77 : vector<1x1024xf32> to vector<1024xf32>
    %sub3A_79 = arith.subf %squeeze3A_76, %squeeze3A_78 : vector<1024xf32>
    %slice3A_80 = vector.extract_strided_slice %get3A_74 {offsets = [0, 1], sizes = [1024, 1], strides = [1, 1]} : vector<1024x128xf32> to vector<1024x1xf32>
    %squeeze3A_81 = vector.shape_cast %slice3A_80 : vector<1024x1xf32> to vector<1024xf32>
    %slice3A_82 = vector.extract_strided_slice %get3A_3 {offsets = [1, 0], sizes = [1, 1024], strides = [1, 1]} : vector<3x1024xf32> to vector<1x1024xf32>
    %squeeze3A_83 = vector.shape_cast %slice3A_82 : vector<1x1024xf32> to vector<1024xf32>
    %sub3A_84 = arith.subf %squeeze3A_81, %squeeze3A_83 : vector<1024xf32>
    %slice3A_85 = vector.extract_strided_slice %get3A_74 {offsets = [0, 2], sizes = [1024, 1], strides = [1, 1]} : vector<1024x128xf32> to vector<1024x1xf32>
    %squeeze3A_86 = vector.shape_cast %slice3A_85 : vector<1024x1xf32> to vector<1024xf32>
    %slice3A_87 = vector.extract_strided_slice %get3A_3 {offsets = [2, 0], sizes = [1, 1024], strides = [1, 1]} : vector<3x1024xf32> to vector<1x1024xf32>
    %squeeze3A_88 = vector.shape_cast %slice3A_87 : vector<1x1024xf32> to vector<1024xf32>
    %sub3A_89 = arith.subf %squeeze3A_86, %squeeze3A_88 : vector<1024xf32>
    %mul3A_90 = arith.mulf %sub3A_79, %sub3A_79 : vector<1024xf32>
    %mul3A_91 = arith.mulf %sub3A_84, %sub3A_84 : vector<1024xf32>
    %add3A_92 = arith.addf %mul3A_90, %mul3A_91 : vector<1024xf32>
    %mul3A_93 = arith.mulf %sub3A_89, %sub3A_89 : vector<1024xf32>
    %add3A_94 = arith.addf %add3A_92, %mul3A_93 : vector<1024xf32>
    %add3A_95 = arith.constant 9.99999996E-13 : f32
    %add3A_96 = vector.broadcast %add3A_95 : f32 to vector<1024xf32>
    %add3A_97 = arith.addf %add3A_94, %add3A_96 : vector<1024xf32>
    %sqrt3A_98 = math.sqrt %add3A_97 : vector<1024xf32>
    %add3A_99 = arith.constant 9.99999993E-9 : f32
    %add3A_100 = vector.broadcast %add3A_99 : f32 to vector<1024xf32>
    %add3A_101 = arith.addf %sqrt3A_98, %add3A_100 : vector<1024xf32>
    %div3A_102 = arith.constant 1.000000e+00 : f32
    %div3A_103 = vector.broadcast %div3A_102 : f32 to vector<1024xf32>
    %div3A_104 = arith.divf %div3A_103, %add3A_101 : vector<1024xf32>
    %add3A_105 = arith.addf %div3A_32, %div3A_68 : vector<1024xf32>
    %add3A_106 = arith.addf %add3A_105, %div3A_104 : vector<1024xf32>
    %div3A_107 = arith.divf %div3A_32, %add3A_106 : vector<1024xf32>
    %broadcast_in_dim3A = vector.shape_cast %div3A_107 : vector<1024xf32> to vector<1024x1xf32>
    %get3A_108 = arith.constant 0 : index
    %get3A_109 = arith.constant 0 : index
    %get3A_110 = arith.constant 0 : index
    %get3A_111 = arith.constant 0 : index
    %get3A_112 = vector.load %arg2[%get3A_108, %get3A_109, %get3A_110, %get3A_111] : memref<1x3x1024x256xf32, #tpu.memory_space<vmem>>, vector<1x1x1024x256xf32>
    %get3A_113 = vector.shape_cast %get3A_112 : vector<1x1x1024x256xf32> to vector<1024x256xf32>
    %mul3A_114 = vector.broadcast %broadcast_in_dim3A : vector<1024x1xf32> to vector<1024x256xf32>
    %mul3A_115 = arith.mulf %mul3A_114, %get3A_113 : vector<1024x256xf32>
    %div3A_116 = arith.divf %div3A_68, %add3A_106 : vector<1024xf32>
    %broadcast_in_dim3A_117 = vector.shape_cast %div3A_116 : vector<1024xf32> to vector<1024x1xf32>
    %get3A_118 = arith.constant 0 : index
    %get3A_119 = arith.constant 1 : index
    %get3A_120 = arith.constant 0 : index
    %get3A_121 = arith.constant 0 : index
    %get3A_122 = vector.load %arg2[%get3A_118, %get3A_119, %get3A_120, %get3A_121] : memref<1x3x1024x256xf32, #tpu.memory_space<vmem>>, vector<1x1x1024x256xf32>
    %get3A_123 = vector.shape_cast %get3A_122 : vector<1x1x1024x256xf32> to vector<1024x256xf32>
    %mul3A_124 = vector.broadcast %broadcast_in_dim3A_117 : vector<1024x1xf32> to vector<1024x256xf32>
    %mul3A_125 = arith.mulf %mul3A_124, %get3A_123 : vector<1024x256xf32>
    %add3A_126 = arith.addf %mul3A_115, %mul3A_125 : vector<1024x256xf32>
    %div3A_127 = arith.divf %div3A_104, %add3A_106 : vector<1024xf32>
    %broadcast_in_dim3A_128 = vector.shape_cast %div3A_127 : vector<1024xf32> to vector<1024x1xf32>
    %get3A_129 = arith.constant 0 : index
    %get3A_130 = arith.constant 2 : index
    %get3A_131 = arith.constant 0 : index
    %get3A_132 = arith.constant 0 : index
    %get3A_133 = vector.load %arg2[%get3A_129, %get3A_130, %get3A_131, %get3A_132] : memref<1x3x1024x256xf32, #tpu.memory_space<vmem>>, vector<1x1x1024x256xf32>
    %get3A_134 = vector.shape_cast %get3A_133 : vector<1x1x1024x256xf32> to vector<1024x256xf32>
    %mul3A_135 = vector.broadcast %broadcast_in_dim3A_128 : vector<1024x1xf32> to vector<1024x256xf32>
    %mul3A_136 = arith.mulf %mul3A_135, %get3A_134 : vector<1024x256xf32>
    %add3A_137 = arith.addf %add3A_126, %mul3A_136 : vector<1024x256xf32>
    %get3A_138 = arith.constant 0 : index
    %get3A_139 = arith.constant 0 : index
    %get3A_140 = vector.load %arg6[%get3A_138, %get3A_139] : memref<3x256xf32, #tpu.memory_space<vmem>>, vector<3x256xf32>
    %dot_general3A = arith.constant dense<0.000000e+00> : vector<1024x256xf32>
    %dot_general3A_141 = tpu.matmul %get3A_3, %get3A_140, %dot_general3A {dimension_numbers = #tpu.dot_dimension_numbers<[0], [0], [1], [1], [0, 1, 1, 1], [], []>, transpose_lhs_hint = false} : vector<3x1024xf32>, vector<3x256xf32>, vector<1024x256xf32> -> vector<1024x256xf32>
    %add3A_142 = arith.addf %add3A_137, %dot_general3A_141 : vector<1024x256xf32>
    %get3A_143 = arith.constant 0 : index
    %get3A_144 = arith.constant 0 : index
    %get3A_145 = arith.constant 0 : index
    %get3A_146 = vector.load %arg5[%get3A_143, %get3A_144, %get3A_145] : memref<1x1x256xf32, #tpu.memory_space<vmem>>, vector<1x1x256xf32>
    %get3A_147 = vector.shape_cast %get3A_146 : vector<1x1x256xf32> to vector<1x256xf32>
    %add3A_148 = vector.broadcast %get3A_147 : vector<1x256xf32> to vector<1024x256xf32>
    %add3A_149 = arith.addf %add3A_142, %add3A_148 : vector<1024x256xf32>
    %max3A = arith.constant 0.000000e+00 : f32
    %max3A_150 = vector.broadcast %max3A : f32 to vector<1024x256xf32>
    %max3A_151 = arith.maximumf %add3A_149, %max3A_150 : vector<1024x256xf32>
    %get3A_152 = arith.constant 0 : index
    %get3A_153 = arith.constant 0 : index
    %get3A_154 = vector.load %arg7[%get3A_152, %get3A_153] : memref<256x64xf32, #tpu.memory_space<vmem>>, vector<256x64xf32>
    %dot_general3A_155 = arith.constant dense<0.000000e+00> : vector<1024x64xf32>
    %dot_general3A_156 = tpu.matmul %max3A_151, %get3A_154, %dot_general3A_155 {dimension_numbers = #tpu.dot_dimension_numbers<[1], [0], [0], [1], [0, 0, 1, 1], [], []>, transpose_lhs_hint = false} : vector<1024x256xf32>, vector<256x64xf32>, vector<1024x64xf32> -> vector<1024x64xf32>
    %get3A_157 = arith.constant 0 : index
    %get3A_158 = arith.constant 0 : index
    %get3A_159 = vector.load %arg8[%get3A_157, %get3A_158] : memref<1x64xf32, #tpu.memory_space<vmem>>, vector<1x64xf32>
    %add3A_160 = vector.broadcast %get3A_159 : vector<1x64xf32> to vector<1024x64xf32>
    %add3A_161 = arith.addf %dot_general3A_156, %add3A_160 : vector<1024x64xf32>
    %max3A_162 = arith.constant 0.000000e+00 : f32
    %max3A_163 = vector.broadcast %max3A_162 : f32 to vector<1024x64xf32>
    %max3A_164 = arith.maximumf %add3A_161, %max3A_163 : vector<1024x64xf32>
    %get3A_165 = arith.constant 0 : index
    %get3A_166 = arith.constant 0 : index
    %get3A_167 = vector.load %arg9[%get3A_165, %get3A_166] : memref<64x1xf32, #tpu.memory_space<vmem>>, vector<64x1xf32>
    %dot_general3A_168 = arith.constant dense<0.000000e+00> : vector<1024x1xf32>
    %dot_general3A_169 = tpu.matmul %max3A_164, %get3A_167, %dot_general3A_168 {dimension_numbers = #tpu.dot_dimension_numbers<[1], [0], [0], [1], [0, 0, 1, 1], [], []>, transpose_lhs_hint = false} : vector<1024x64xf32>, vector<64x1xf32>, vector<1024x1xf32> -> vector<1024x1xf32>
    %squeeze3A_170 = vector.shape_cast %dot_general3A_169 : vector<1024x1xf32> to vector<1024xf32>
    %get3A_171 = arith.constant 0 : index
    %get3A_172 = arith.constant 0 : index
    %get3A_173 = vector.load %arg10[%get3A_171, %get3A_172] : memref<1x1xf32, #tpu.memory_space<vmem>>, vector<1x1xf32>
    %get3A_174 = vector.extract %get3A_173[0, 0] : f32 from vector<1x1xf32>
    %add3A_175 = vector.broadcast %get3A_174 : f32 to vector<1024xf32>
    %add3A_176 = arith.addf %squeeze3A_170, %add3A_175 : vector<1024xf32>
    %swap3A = arith.constant 0 : index
    %swap3A_177 = arith.constant 0 : index
    %swap3A_178 = arith.constant 0 : index
    %swap3A_179 = vector.load %arg11[%swap3A, %swap3A_177, %swap3A_178] : memref<1x1x1024xf32, #tpu.memory_space<vmem>>, vector<1x1x1024xf32>
    %swap3A_180 = vector.shape_cast %swap3A_179 : vector<1x1x1024xf32> to vector<1024xf32>
    %swap3A_181 = vector.shape_cast %add3A_176 : vector<1024xf32> to vector<1x1x1024xf32>
    tpu.vector_store %arg11[%swap3A, %swap3A_177, %swap3A_178], %swap3A_181 {strides = array<i32>} : memref<1x1x1024xf32, #tpu.memory_space<vmem>>, vector<1x1x1024xf32>,
    return
  }
  func.func @transform_0(%arg0: i32, %arg1: i32) -> (i32, i32, i32, i32) {
    %c0_i32 = arith.constant 0 : i32
    %c0_i32_0 = arith.constant 0 : i32
    %c0_i32_1 = arith.constant 0 : i32
    return %arg0, %c0_i32, %arg1, %c0_i32_0 : i32, i32, i32, i32
  }
  func.func @transform_1(%arg0: i32, %arg1: i32) -> (i32, i32, i32, i32) {
    %c0_i32 = arith.constant 0 : i32
    %c0_i32_0 = arith.constant 0 : i32
    %c0_i32_1 = arith.constant 0 : i32
    return %arg0, %c0_i32, %arg1, %c0_i32_0 : i32, i32, i32, i32
  }
  func.func @transform_2(%arg0: i32, %arg1: i32) -> (i32, i32, i32) {
    %c0_i32 = arith.constant 0 : i32
    %c0_i32_0 = arith.constant 0 : i32
    return %arg0, %c0_i32, %arg1 : i32, i32, i32
  }
  func.func @transform_3(%arg0: i32, %arg1: i32) -> (i32, i32, i32) {
    %c0_i32 = arith.constant 0 : i32
    %c0_i32_0 = arith.constant 0 : i32
    %c0_i32_1 = arith.constant 0 : i32
    return %arg0, %c0_i32, %c0_i32_0 : i32, i32, i32
  }
  func.func @transform_4(%arg0: i32, %arg1: i32) -> (i32, i32) {
    %c0_i32 = arith.constant 0 : i32
    %c0_i32_0 = arith.constant 0 : i32
    %c0_i32_1 = arith.constant 0 : i32
    return %c0_i32, %c0_i32_0 : i32, i32
  }
  func.func @transform_5(%arg0: i32, %arg1: i32) -> (i32, i32) {
    %c0_i32 = arith.constant 0 : i32
    %c0_i32_0 = arith.constant 0 : i32
    %c0_i32_1 = arith.constant 0 : i32
    return %c0_i32, %c0_i32_0 : i32, i32
  }
  func.func @transform_6(%arg0: i32, %arg1: i32) -> (i32, i32) {
    %c0_i32 = arith.constant 0 : i32
    %c0_i32_0 = arith.constant 0 : i32
    %c0_i32_1 = arith.constant 0 : i32
    return %c0_i32, %c0_i32_0 : i32, i32
  }
  func.func @transform_7(%arg0: i32, %arg1: i32) -> (i32, i32) {
    %c0_i32 = arith.constant 0 : i32
    %c0_i32_0 = arith.constant 0 : i32
    %c0_i32_1 = arith.constant 0 : i32
    return %c0_i32, %c0_i32_0 : i32, i32
  }
  func.func @transform_8(%arg0: i32, %arg1: i32) -> (i32, i32) {
    %c0_i32 = arith.constant 0 : i32
    %c0_i32_0 = arith.constant 0 : i32
    %c0_i32_1 = arith.constant 0 : i32
    return %c0_i32, %c0_i32_0 : i32, i32
  }
  func.func @transform_9(%arg0: i32, %arg1: i32) -> (i32, i32, i32) {
    %c0_i32 = arith.constant 0 : i32
    %c0_i32_0 = arith.constant 0 : i32
    return %arg0, %c0_i32, %arg1 : i32, i32, i32
  }
}

</mosaic_0001>

<sc_bundles>
// kernel: kernel.6.cloned.1.call-start
scs
__scs_entry_jumppad:
0x0: {  	(pc) =	sbr.rel $0x88, $3  }
0x1: {  	(tag) =	ssettag $0x0;
	lr =	simm.s32 $0x1  }
0x2: {  	[smem:$0x3F91] =	sst lr;
	_ =	strace $0xD0000000  }
0x3: {  	_ = 	snop  }
0x4: {  	_ = 	snop  }
0x5: {  	_ = 	snop  }
0x6: {  	_ = 	snop  }
0x7: {  	_ = 	snop  }
__scs_overlays_trampoline_lowered:
0x8: {  	[smem:$0x3FA0] =	sst s0  }
0x9: {  	[smem:$0x3FA1] =	sst s1  }
0xa: {  	[smem:$0x3FA2] =	sst s2  }
0xb: {  	[smem:$0x3FA3] =	sst s3  }
0xc: {  	[smem:$0x3FA4] =	sst s4  }
0xd: {  	[smem:$0x3FA5] =	sst s5  }
0xe: {  	[smem:$0x3FA6] =	sst s6  }
0xf: {  	[smem:$0x3FA7] =	sst s7  }
0x10: {  	[smem:$0x3FA8] =	sst s8  }
0x11: {  	[smem:$0x3FA9] =	sst s9;
	s0 =	simm.s32 @!p0 $0x0  }
0x12: {  	s1 =	sld [smem:$0x3F8F];
	s0 =	simm.s32 @p0 $0x1  }
0x13: {  	[smem:$0x3FAA] =	sst s0;
	s0 =	simm.s32 @!p1 $0x0  }
0x14: {  	s2 =	sld [smem:$0x3F8E];
	s0 =	simm.s32 @p1 $0x1  }
0x15: {  	[smem:$0x3FAB] =	sst s0;
	s0 =	simm.s32 @!p2 $0x0  }
0x16: {  	s3 =	sld [smem:$0x3FDB];
	s0 =	simm.s32 @p2 $0x1  }
0x17: {  	s4 =	simm.s32 $0x1BF5;
	[smem:$0x3FAD] =	sst s0  }
0x18: {  	s0 =	sld [smem:$0x3F90];
	_ =	swait.ge [sflag:s4], $0x0  }
0x19: {  	s7 =	sld [smem:$0x3F91]  }
0x1a: {  	s8 =	sadd.s32 $0xFFFFE003, lr  }
0x1b: {  	s9 =	sadd.s32 $0xFFFFFEF7, lr;
	s5 =	simm.s32 $0xFFFFFFFF;
	p2 =	slt.u32 s8, $0xFFFFF086  }
0x1c: {  	p1 =	slt.u32 s9, $0xF7A;
	s5 =	simm.s32 @!p2 $0x0  }
0x1d: {  	s5 =	simm.s32 @p1 $0x1;
	p0 =	seq.s32 s7, s2  }
0x1e: {  	s7 =	smul.u32 @!p0 $0xF7A, s2;
	p2 =	seq.s32 @!p0 s5, $0x0  }
0x1f: {  	s9 =	smul.u32 $0xF7A, s1;
	s8 =	simm.s32 @!p0 $0x1BF5;
	p2 =	por !p2, p0  }
0x20: {  	[sflag:s8] =	ssyncset.s32 @!p0 $0xFFFFF086;
	s6 =	sadd.s32 @!p0 s3, s7;
	s7 =	simm.s32 @!p0 $0x108  }
0x21: {  	s3 =	sadd.s32 s3, s9;
	s6 =	sadd.s32 @!p0 $0x88, s6;
	s7 =	simm.s32 @p2 $0x1082  }
0x22: {  	[simem:s7], [sflag:s8] =	dma.local @!p0 [hbm:s6], $0xF7A  }
0x23: {  	s9 =	sor.u32 $0xD0000000, s2;
	s6 =	simm.s32 $0x108;
	_ =	swait.ge @!p0 [sflag:s8], $0x0  }
0x24: {  	s3 =	sadd.s32 $0x88, s3;
	s6 =	simm.s32 @!p1 $0x1082;
	[sflag:s4] =	ssyncset.s32 $0xFFFFF086  }
0x25: {  	[simem:s6], [sflag:s4] =	dma.local [hbm:s3], $0xF7A  }
0x26: {  	[smem:$0x3F91] =	sst s1;
	(tag) =	ssettag s2;
	_ =	strace s9  }
0x27: {  	s1 =	sld [smem:$0x3FA1]  }
0x28: {  	s2 =	sld [smem:$0x3FA2]  }
0x29: {  	s4 =	sld [smem:$0x3FA4]  }
0x2a: {  	p0 =	seq.s32 s5, $0x0;
	s5 =	sld [smem:$0x3FA5]  }
0x2b: {  	s6 =	sld [smem:$0x3FA6]  }
0x2c: {  	s7 =	sld [smem:$0x3FA7]  }
0x2d: {  	s3 =	simm.s32 $0x108;
	s8 =	sld [smem:$0x3FA8]  }
0x2e: {  	s3 =	simm.s32 @!p0 $0x1082;
	s9 =	sld [smem:$0x3FA9]  }
0x2f: {  	lr =	sadd.s32 s0, s3;
	s0 =	sld [smem:$0x3FA0]  }
0x30: {  	s3 =	sld [smem:$0x3FA3]  }
0x31: {  	[smem:$0x3FAC] =	sst s10  }
0x32: {  	s10 =	sld [smem:$0x3FAA];
	_ =	sdelay $0x3  }
0x33: {  	p0 =	seq.s32 s10, $0x1;
	s10 =	sld [smem:$0x3FAC];
	_ =	sdelay $0x3  }
0x34: {  	[smem:$0x3FAC] =	sst s10  }
0x35: {  	s10 =	sld [smem:$0x3FAB];
	_ =	sdelay $0x3  }
0x36: {  	p1 =	seq.s32 s10, $0x1;
	s10 =	sld [smem:$0x3FAC];
	_ =	sdelay $0x3  }
0x37: {  	[smem:$0x3FAC] =	sst s10  }
0x38: {  	s10 =	sld [smem:$0x3FAD]  }
0x39: {  	_ = 	snop;
	(pc) =	sbr.ind lr, $3  }
0x3a: {  	_ = 	snop  }
0x3b: {  	_ = 	snop  }
0x3c: {  	p2 =	seq.s32 s10, $0x1;
	s10 =	sld [smem:$0x3FAC]  }
0x3d: {  	_ =	shalt  }
0x3e: {  	_ =	shalt  }
0x3f: {  	_ =	shalt  }
0x40: {  	_ =	shalt  }
0x41: {  	_ =	shalt  }
0x42: {  	_ =	shalt  }
0x43: {  	_ =	shalt  }
0x44: {  	_ =	shalt  }
0x45: {  	_ =	shalt  }
0x46: {  	_ =	shalt  }
0x47: {  	_ =	shalt  }
0x48: {  	_ =	shalt  }
0x49: {  	_ =	shalt  }
0x4a: {  	_ =	shalt  }
0x4b: {  	_ =	shalt  }
0x4c: {  	_ =	shalt  }
0x4d: {  	_ =	shalt  }
0x4e: {  	_ =	shalt  }
0x4f: {  	_ =	shalt  }
0x50: {  	_ =	shalt  }
0x51: {  	_ =	shalt  }
0x52: {  	_ =	shalt  }
0x53: {  	_ =	shalt  }
0x54: {  	_ =	shalt  }
0x55: {  	_ =	shalt  }
0x56: {  	_ =	shalt  }
0x57: {  	_ =	shalt  }
0x58: {  	_ =	shalt  }
0x59: {  	_ =	shalt  }
0x5a: {  	_ =	shalt  }
0x5b: {  	_ =	shalt  }
0x5c: {  	_ =	shalt  }
0x5d: {  	_ =	shalt  }
0x5e: {  	_ =	shalt  }
0x5f: {  	_ =	shalt  }
0x60: {  	_ =	shalt  }
0x61: {  	_ =	shalt  }
0x62: {  	_ =	shalt  }
0x63: {  	_ =	shalt  }
0x64: {  	_ =	shalt  }
0x65: {  	_ =	shalt  }
0x66: {  	_ =	shalt  }
0x67: {  	_ =	shalt  }
0x68: {  	_ =	shalt  }
0x69: {  	_ =	shalt  }
0x6a: {  	_ =	shalt  }
0x6b: {  	_ =	shalt  }
0x6c: {  	_ =	shalt  }
0x6d: {  	_ =	shalt  }
0x6e: {  	_ =	shalt  }
0x6f: {  	_ =	shalt  }
0x70: {  	_ =	shalt  }
0x71: {  	_ =	shalt  }
0x72: {  	_ =	shalt  }
0x73: {  	_ =	shalt  }
0x74: {  	_ =	shalt  }
0x75: {  	_ =	shalt  }
0x76: {  	_ =	shalt  }
0x77: {  	_ =	shalt  }
0x78: {  	_ =	shalt  }
0x79: {  	_ =	shalt  }
0x7a: {  	_ =	shalt  }
0x7b: {  	_ =	shalt  }
0x7c: {  	_ =	shalt  }
0x7d: {  	_ =	shalt  }
0x7e: {  	_ =	shalt  }
0x7f: {  	_ =	shalt  }
0x80: {  	_ =	shalt  }
0x81: {  	_ =	shalt  }
0x82: {  	_ =	shalt  }
0x83: {  	_ =	shalt  }
0x84: {  	_ =	shalt  }
0x85: {  	_ =	shalt  }
0x86: {  	_ =	shalt  }
0x87: {  	_ =	shalt  }
.Lfunc_end0:
.L_simem_size_0:
called_computation_lowered:
.L_overlay_start_0:
0x88: {  	s2 =	sld [smem:$0x3FD9]  }
0x89: {  	s3 =	sld [smem:$0x3FFE];
	_ =	sdelay $0x1  }
0x8a: {  	s1 =	srdreg.scid  }
0x8b: {  	s0 =	sand.u32 $0x1, s1  }
0x8c: {  	s16 =	sshll.u32 s0, $0xA;
	s2 =	sadd.s32 s3, s2  }
0x8d: {  	s2 =	sadd.s32 s2, s16  }
0x8e: {  	[smem:$0x3FB8] =	sst s2  }
0x8f: {  	_ = 	snop  }
0x90: {  	(tm) =	ssettm $0x1  }
0x91: {  	s17 =	sld [smem:$0x3FFB];
	_ =	sdelay $0x3  }
0x92: {  	_ =	strace s17  }
0x93: {  	s2 =	sld [smem:$0x3FFC];
	_ =	sdelay $0x3  }
0x94: {  	_ =	strace s2  }
0x95: {  	s2 =	sld [smem:$0x3FFD];
	_ =	sdelay $0x3  }
0x96: {  	_ =	strace s2  }
0x97: {  	_ =	strace $0x8FFFFFFF  }
0x98: {  	s18 =	sld [smem:$0x3FDB];
	_ =	sdelay $0x1  }
0x99: {  	s19 =	simm.s32 $_scs_section_size  }
0x9a: {  	s4 =	simm.s32 $_size__tile_overlayer_lowered;
	s5 =	simm.s32 $_tile_overlayer_lowered  }
0x9b: {  	s22 =	simm.s32 $0x1BFF;
	s21 =	sshll.u32 s5, $0x1;
	s2 =	sadd.s32 s19, s18  }
0x9c: {  	s6 =	simm.s32 $0x0;
	s20 =	sshll.u32 s4, $0x1;
	s4 =	sadd.s32 s21, s2  }
0x9d: {  	[timem:s6], [sflag:s22] =	dma.local [hbm:s4], s20  }
0x9e: {  	_ =	swait.ge [sflag:s22], s20  }
0x9f: {  	s3 =	ssub.s32 $0x0, s20;
	[sflag:s22] =	ssyncset.done $0x0  }
0xa0: {  	[sflag:s22] =	ssyncadd.s32 s3;
	_ =	sdelay $0x1  }
0xa1: {  	s23 =	simm.s32 $0x1B8B  }
0xa2: {  	_ =	swait.ge [sflag:s23], $0x1  }
0xa3: {  	[sflag:s23] =	ssyncset.done $0x0  }
0xa4: {  	s25 =	simm.s32 $0x1B8E;
	s24 =	sld [smem:$0x3FFE];
	[sflag:s23] =	ssyncadd.s32 $0xFFFFFFFF  }
0xa5: {  	s26 =	simm.s32 $execute0_lowered;
	[smem:$0x3FD2] =	sst s25  }
0xa6: {  	s4 =	sshll.u32 s26, $0x1;
	_ =	strace $0x80000046;
	[dreg:$0x1] =	wrdreg $0xFFFFFFFF  }
0xa7: {  	s28 =	simm.s32 $_size_execute0_lowered;
	s2 =	sadd.s32 s2, s4;
	[dreg:$0x0] =	wrdreg $0x0  }
0xa8: {  	s4 =	sshll.u32 s28, $0x1;
	[dreg:$0x2] =	wrdreg s2  }
0xa9: {  	[dreg:$0x3] =	wrdreg s4  }
0xaa: {  	[dreg:$0x4] =	wrdreg $0xC0  }
0xab: {  	_ =	task [dreg:s6], $0x5FFFF  }
0xac: {  	[dreg:$0x1] =	wrdreg $0xFFFFFFFF  }
0xad: {  	[dreg:$0x0] =	wrdreg $0x60  }
0xae: {  	[dreg:$0x2] =	wrdreg s24  }
0xaf: {  	[dreg:$0x3] =	wrdreg $0x9  }
0xb0: {  	_ =	task.clear_ibuf [dreg:s6], $0x4FFFF;
	_ =	strace $0x90000046  }
0xb1: {  	s29 =	simm.s32 $0x9;
	_ =	strace $0x80000048  }
0xb2: {  	_ =	swait.ge [sflag:s29], $0x1  }
0xb3: {  	[sflag:s29] =	ssyncadd.s32 $0xFFFFFFFF  }
0xb4: {  	_ =	strace $0x90000048  }
0xb5: {  	_ =	sfence  }
0xb6: {  	s30 =	sld [smem:$0x0];
	_ =	sdelay $0x2  }
0xb7: {  	s31 =	sshll.u32 s1, $0xD;
	s1 =	sshrl.u32 s1, $0x2  }
0xb8: {  	s3 =	sand.u32 $0x4000, s31;
	s1 =	sadd.s32 s1, s30  }
0xb9: {  	s0 =	sor.u32 s3, s0;
	s1 =	sshll.u32 s1, $0x11  }
0xba: {  	s0 =	sor.u32 s1, s0  }
0xbb: {  	s0 =	sadd.s32 $0x8F2B, s0  }
0xbc: {  	[sflag:s0] =	ssyncadd.remote.s32 $0x1  }
0xbd: {  	_ =	sfence.sel $0xFFFF  }
0xbe: {  	[dreg:$0x0] =	wrdreg $0xFFFFFFFF;
	(pc) =	sbr.abs _section_cstart, $3  }
0xbf: {  	[dreg:$0x1] =	wrdreg $0xFFFFFFFF  }
0xc0: {  	_ =	task.clear_ibuf [dreg:s6], $0x2FFFF;
	_ =	strace $0x9FFFFFFF  }
0xc1: {  	(tm) =	ssettm $0x7FFFFFFF  }
tec
execute0_lowered:
.L_overlay_start_1:
0x0: {  	(tag) =	ssettag $0x1  }
0x1: {  	s1 =	srdreg.scid  }
0x2: {  	s2 =	stileid.u32;
	s0 =	rddreg [dreg:$0x0];
	s28 =	simm.s32 $0x2900  }
0x3: {  	s29 =	simm.s32 $0x3100;
	s1 =	sand.u32 $0x1, s1;
	s3 =	sshll.u32 s2, $0x1  }
0x4: {  	s30 =	simm.s32 $0x3900;
	s31 =	simm.s32 $0x4100;
	s3 =	sor.u32 s1, s3  }
0x5: {  	s2 =	simm.s32 $0x0;
	s5 =	sadd.s32 $0x2600, s0;
	s4 =	smul.u32 $0x300, s3  }
0x6: {  	s6 =	sadd.s32 $0xC3200, s0;
	s7 =	sadd.s32 $0x63200, s0;
	s11 =	smul.u32 $0x6000, s3  }
0x7: {  	[smem:$0x7FF] =	sst s2;
	s1 =	ssub.s32 $0x2, s1;
	s3 =	smul.u32 $0x3000, s3  }
0x8: {  	_ =	strace $0x80000047;
	s8 =	sshrl.u32 s4, $0x3;
	s9 =	sor.u32 $0x80, s4  }
0x9: {  	s17 =	sadd.s32 s6, s11;
	s18 =	sadd.s32 $0x100, s4;
	s3 =	sadd.s32 s7, s3  }
0xa: {  	s23 =	sadd.s32 $0x180, s4;
	s12 =	sadd.s32 $0x200, s4;
	s4 =	sadd.s32 $0x280, s4  }
0xb: {  	s8 =	sadd.s32 s5, s8;
	s10 =	sshrl.u32 s9, $0x3;
	[dreg:$0x4] =	wrdreg s17  }
0xc: {  	s19 =	sshrl.u32 s18, $0x3;
	[dreg:$0x5] =	wrdreg s3;
	s21 =	sshll.u32 s9, $0x5  }
0xd: {  	s22 =	sshll.u32 s9, $0x4;
	s25 =	sshrl.u32 s23, $0x3;
	s11 =	sshll.u32 s18, $0x4  }
0xe: {  	s13 =	sshrl.u32 s12, $0x3;
	s15 =	sshll.u32 s23, $0x5;
	s9 =	sshll.u32 s23, $0x4  }
0xf: {  	s17 =	sshrl.u32 s4, $0x3;
	[dreg:$0x2] =	wrdreg s8;
	s16 =	sadd.s32 s5, s10  }
0x10: {  	s20 =	sadd.s32 s5, s19;
	s3 =	sadd.s32 s6, s21;
	s24 =	sadd.s32 s7, s22  }
0x11: {  	s26 =	sadd.s32 s5, s25;
	s8 =	sshll.u32 s18, $0x5;
	[dreg:$0x3] =	wrdreg s16  }
0x12: {  	s14 =	sadd.s32 s5, s13;
	s5 =	sadd.s32 s5, s17;
	[dreg:$0x6] =	wrdreg s20  }
0x13: {  	s18 =	sshll.u32 s12, $0x5;
	s22 =	sshll.u32 s4, $0x5;
	[dreg:$0x7] =	wrdreg s3  }
0x14: {  	s4 =	sshll.u32 s4, $0x4;
	s17 =	simm.s32 $0x1;
	[dreg:$0x8] =	wrdreg s24  }
0x15: {  	s10 =	simm.s32 $0x6900;
	s13 =	simm.s32 $0x8900;
	[dreg:$0x9] =	wrdreg s26  }
0x16: {  	s3 =	sadd.s32 s6, s8;
	s8 =	sadd.s32 s7, s11;
	[dreg:$0xc] =	wrdreg s14  }
0x17: {  	s16 =	sadd.s32 s7, s9;
	[dreg:$0xf] =	wrdreg s5;
	s19 =	sadd.s32 s6, s18  }
0x18: {  	s20 =	sshll.u32 s12, $0x4;
	s23 =	sadd.s32 s6, s22;
	s24 =	sshrl.u32 s1, $0x1  }
0x19: {  	s25 =	sadd.s32 s7, s4;
	s4 =	sadd.s32 $0x3200, s0;
	[dreg:$0xa] =	wrdreg s3  }
0x1a: {  	s18 =	simm.s32 $0x2;
	s22 =	simm.s32 $0x1900;
	[dreg:$0xb] =	wrdreg s8  }
0x1b: {  	s9 =	simm.s32 $0x6100;
	s11 =	simm.s32 $0x7100;
	[dreg:$0xe] =	wrdreg s16  }
0x1c: {  	s12 =	simm.s32 $0x7900;
	s14 =	simm.s32 $0x9100;
	[dreg:$0x10] =	wrdreg s19  }
0x1d: {  	s3 =	sadd.s32 $0x23200, s0;
	s8 =	sadd.s32 s6, s15;
	[dreg:$0x12] =	wrdreg s23  }
0x1e: {  	s21 =	sadd.s32 s7, s20;
	s26 =	ssub.s32 s1, s24;
	[dreg:$0x13] =	wrdreg s25  }
0x1f: {  	s6 =	simm.s32 $0x3;
	s23 =	simm.s32 $0x80;
	s7 =	simm.s32 $0x14100  }
0x20: {  	s24 =	simm.s32 $0x100;
	s20 =	simm.s32 $0x900;
	s1 =	simm.s32 $0x4900  }
0x21: {  	v2 =	vlaneseq.u32;
	s25 =	simm.s32 $0x10100;
	s16 =	simm.s32 $0x8100;
	[dreg:$0xd] =	wrdreg s8  }
0x22: {  	vm0 =	vmmov $0xffff;
	v1 =	vshrl.u32 v2, $0x3;
	s15 =	simm.s32 $0x9900;
	[dreg:$0x11] =	wrdreg s21;
	s5 =	smax.u32 s26, $0x1  }
0x23: {  	v0 =	vand.u32 $0x7, v2;
	v2 =	vor.u32 $0x8, v2;
	v1 =	vmul.u32 $0x8, v1;
	s21 =	simm.s32 $0x1100;
	s26 =	simm.s32 $0x2100;
	s8 =	simm.s32 $0x5900  }
.LBB2_1:
0x24: {  	s19 =	rddreg [dreg:$0x2]  }
0x25: {  	[tilespmem:s2], [sflag:$0x3] =	stream.linear.gather [hbm4b:s19+s2], $0x80, $0x38;
	[tilespmem:$0x18100] =	vst v63  }
0x26: {  	_ =	swait.ge [sflag:s6], $0x80  }
0x27: {  	[sflag:s6] =	ssyncset.done $0x0  }
0x28: {  	[sflag:s6] =	ssyncadd.s32 $0xFFFFFF80  }
0x29: {  	v3 =	vld [tilespmem:$0x0];
	_ =	sdelay $0x4  }
0x2a: {  	v4 =	vshll.u32 v3, $0x1  }
0x2b: {  	v3 =	vand.u32 $0x7, v3;
	v4 =	vand.u32 $0xFFFFFFF0, v4  }
0x2c: {  	v3 =	vor.u32 v3, v4  }
0x2d: {  	v4 =	vperm.xlane v3, v0;
	_ =	sdelay $0x1  }
0x2e: {  	v3 =	vperm.xlane v3, v2;
	v4 =	vadd.s32 v1, v4;
	_ =	sdelay $0x1  }
0x2f: {  	v3 =	vadd.s32 v1, v3;
	_ =	sdelay $0x2  }
0x30: {  	[tilespmem:s24], [sflag:$0x1] =	stream.indirect_vreg.gather [hbm4b:s3+s2], $0x80, v4, vm0, $0xb8;
	[tilespmem:$0x18100] =	vst v63  }
0x31: {  	_ = 	snop  }
0x32: {  	[tilespmem:s20], [sflag:$0x1] =	stream.indirect_vreg.gather [hbm4b:s3+s2], $0x80, v3, vm0, $0xb8;
	[tilespmem:$0x18100] =	vst v63  }
0x33: {  	v3 =	vld [tilespmem:$0x10];
	_ =	sdelay $0x4  }
0x34: {  	v17 =	vshll.u32 v3, $0x1  }
0x35: {  	v3 =	vand.u32 $0x7, v3;
	v4 =	vand.u32 $0xFFFFFFF0, v17  }
0x36: {  	v3 =	vor.u32 v3, v4  }
0x37: {  	v4 =	vperm.xlane v3, v0;
	_ =	sdelay $0x1  }
0x38: {  	v3 =	vperm.xlane v3, v2;
	v4 =	vadd.s32 v1, v4;
	_ =	sdelay $0x1  }
0x39: {  	v3 =	vadd.s32 v1, v3;
	_ =	sdelay $0x2  }
0x3a: {  	[tilespmem:s21], [sflag:$0x1] =	stream.indirect_vreg.gather [hbm4b:s3+s2], $0x80, v4, vm0, $0xb8;
	[tilespmem:$0x18100] =	vst v63  }
0x3b: {  	_ = 	snop  }
0x3c: {  	[tilespmem:s22], [sflag:$0x1] =	stream.indirect_vreg.gather [hbm4b:s3+s2], $0x80, v3, vm0, $0xb8;
	[tilespmem:$0x18100] =	vst v63  }
0x3d: {  	v3 =	vld [tilespmem:$0x20];
	_ =	sdelay $0x4  }
0x3e: {  	v18 =	vshll.u32 v3, $0x1  }
0x3f: {  	v3 =	vand.u32 $0x7, v3;
	v4 =	vand.u32 $0xFFFFFFF0, v18  }
0x40: {  	v3 =	vor.u32 v3, v4  }
0x41: {  	v4 =	vperm.xlane v3, v0;
	_ =	sdelay $0x1  }
0x42: {  	v3 =	vperm.xlane v3, v2;
	v4 =	vadd.s32 v1, v4;
	_ =	sdelay $0x1  }
0x43: {  	v3 =	vadd.s32 v1, v3;
	_ =	sdelay $0x2  }
0x44: {  	[tilespmem:s26], [sflag:$0x1] =	stream.indirect_vreg.gather [hbm4b:s3+s2], $0x80, v4, vm0, $0xb8;
	[tilespmem:$0x18100] =	vst v63  }
0x45: {  	_ = 	snop  }
0x46: {  	[tilespmem:s28], [sflag:$0x1] =	stream.indirect_vreg.gather [hbm4b:s3+s2], $0x80, v3, vm0, $0xb8;
	[tilespmem:$0x18100] =	vst v63  }
0x47: {  	v3 =	vld [tilespmem:$0x30];
	_ =	sdelay $0x4  }
0x48: {  	v19 =	vshll.u32 v3, $0x1  }
0x49: {  	v3 =	vand.u32 $0x7, v3;
	v4 =	vand.u32 $0xFFFFFFF0, v19  }
0x4a: {  	v3 =	vor.u32 v3, v4  }
0x4b: {  	v4 =	vperm.xlane v3, v0;
	_ =	sdelay $0x1  }
0x4c: {  	v3 =	vperm.xlane v3, v2;
	v4 =	vadd.s32 v1, v4;
	_ =	sdelay $0x1  }
0x4d: {  	v3 =	vadd.s32 v1, v3;
	_ =	sdelay $0x2  }
0x4e: {  	[tilespmem:s29], [sflag:$0x1] =	stream.indirect_vreg.gather [hbm4b:s3+s2], $0x80, v4, vm0, $0xb8;
	[tilespmem:$0x18100] =	vst v63  }
0x4f: {  	_ = 	snop  }
0x50: {  	[tilespmem:s30], [sflag:$0x1] =	stream.indirect_vreg.gather [hbm4b:s3+s2], $0x80, v3, vm0, $0xb8;
	[tilespmem:$0x18100] =	vst v63  }
0x51: {  	v3 =	vld [tilespmem:$0x40];
	_ =	sdelay $0x4  }
0x52: {  	v20 =	vshll.u32 v3, $0x1  }
0x53: {  	v3 =	vand.u32 $0x7, v3;
	v4 =	vand.u32 $0xFFFFFFF0, v20  }
0x54: {  	v3 =	vor.u32 v3, v4  }
0x55: {  	v4 =	vperm.xlane v3, v0;
	_ =	sdelay $0x1  }
0x56: {  	v3 =	vperm.xlane v3, v2;
	v4 =	vadd.s32 v1, v4;
	_ =	sdelay $0x1  }
0x57: {  	v3 =	vadd.s32 v1, v3;
	_ =	sdelay $0x2  }
0x58: {  	[tilespmem:s31], [sflag:$0x1] =	stream.indirect_vreg.gather [hbm4b:s3+s2], $0x80, v4, vm0, $0xb8;
	[tilespmem:$0x18100] =	vst v63  }
0x59: {  	_ = 	snop  }
0x5a: {  	[tilespmem:s1], [sflag:$0x1] =	stream.indirect_vreg.gather [hbm4b:s3+s2], $0x80, v3, vm0, $0xb8;
	[tilespmem:$0x18100] =	vst v63  }
0x5b: {  	v3 =	vld [tilespmem:$0x50];
	_ =	sdelay $0x4  }
0x5c: {  	v21 =	vshll.u32 v3, $0x1  }
0x5d: {  	v3 =	vand.u32 $0x7, v3;
	v4 =	vand.u32 $0xFFFFFFF0, v21  }
0x5e: {  	v3 =	vor.u32 v3, v4  }
0x5f: {  	v4 =	vperm.xlane v3, v0;
	_ =	sdelay $0x1  }
0x60: {  	v3 =	vperm.xlane v3, v2;
	v4 =	vadd.s32 v1, v4;
	_ =	sdelay $0x1  }
0x61: {  	v3 =	vadd.s32 v1, v3;
	_ =	sdelay $0x1  }
0x62: {  	s0 =	simm.s32 $0x5100  }
0x63: {  	[tilespmem:s0], [sflag:$0x1] =	stream.indirect_vreg.gather [hbm4b:s3+s2], $0x80, v4, vm0, $0xb8;
	[tilespmem:$0x18100] =	vst v63  }
0x64: {  	_ = 	snop  }
0x65: {  	[tilespmem:s8], [sflag:$0x1] =	stream.indirect_vreg.gather [hbm4b:s3+s2], $0x80, v3, vm0, $0xb8;
	[tilespmem:$0x18100] =	vst v63  }
0x66: {  	v3 =	vld [tilespmem:$0x60];
	_ =	sdelay $0x4  }
0x67: {  	v22 =	vshll.u32 v3, $0x1  }
0x68: {  	v3 =	vand.u32 $0x7, v3;
	v4 =	vand.u32 $0xFFFFFFF0, v22  }
0x69: {  	v3 =	vor.u32 v3, v4  }
0x6a: {  	v4 =	vperm.xlane v3, v0;
	_ =	sdelay $0x1  }
0x6b: {  	v3 =	vperm.xlane v3, v2;
	v4 =	vadd.s32 v1, v4;
	_ =	sdelay $0x1  }
0x6c: {  	v3 =	vadd.s32 v1, v3;
	_ =	sdelay $0x2  }
0x6d: {  	[tilespmem:s9], [sflag:$0x1] =	stream.indirect_vreg.gather [hbm4b:s3+s2], $0x80, v4, vm0, $0xb8;
	[tilespmem:$0x18100] =	vst v63  }
0x6e: {  	_ = 	snop  }
0x6f: {  	[tilespmem:s10], [sflag:$0x1] =	stream.indirect_vreg.gather [hbm4b:s3+s2], $0x80, v3, vm0, $0xb8;
	[tilespmem:$0x18100] =	vst v63  }
0x70: {  	v3 =	vld [tilespmem:$0x70];
	_ =	sdelay $0x4  }
0x71: {  	v23 =	vshll.u32 v3, $0x1  }
0x72: {  	v3 =	vand.u32 $0x7, v3;
	v4 =	vand.u32 $0xFFFFFFF0, v23  }
0x73: {  	v3 =	vor.u32 v3, v4  }
0x74: {  	v4 =	vperm.xlane v3, v0;
	_ =	sdelay $0x1  }
0x75: {  	v3 =	vperm.xlane v3, v2;
	v4 =	vadd.s32 v1, v4;
	_ =	sdelay $0x1  }
0x76: {  	v3 =	vadd.s32 v1, v3;
	_ =	sdelay $0x2  }
0x77: {  	[tilespmem:s11], [sflag:$0x1] =	stream.indirect_vreg.gather [hbm4b:s3+s2], $0x80, v4, vm0, $0xb8;
	[tilespmem:$0x18100] =	vst v63  }
0x78: {  	_ = 	snop  }
0x79: {  	[tilespmem:s12], [sflag:$0x1] =	stream.indirect_vreg.gather [hbm4b:s3+s2], $0x80, v3, vm0, $0xb8;
	[tilespmem:$0x18100] =	vst v63  }
0x7a: {  	_ = 	snop  }
0x7b: {  	[tilespmem:s25], [sflag:$0x1] =	stream.indirect.gather [hbm4b:s4+s23], $0x80, s2, s23, $0xb8;
	[tilespmem:$0x18100] =	vst v63  }
0x7c: {  	s19 =	rddreg [dreg:$0x3]  }
0x7d: {  	[tilespmem:s23], [sflag:$0x3] =	stream.linear.gather [hbm4b:s19+s2], $0x80, $0x38;
	[tilespmem:$0x18100] =	vst v63  }
0x7e: {  	_ =	swait.ge [sflag:s6], $0x80  }
0x7f: {  	[sflag:s6] =	ssyncset.done $0x0  }
0x80: {  	[sflag:s6] =	ssyncadd.s32 $0xFFFFFF80  }
0x81: {  	v3 =	vld [tilespmem:$0x80];
	_ =	sdelay $0x4  }
0x82: {  	v24 =	vshll.u32 v3, $0x1  }
0x83: {  	v3 =	vand.u32 $0x7, v3;
	v4 =	vand.u32 $0xFFFFFFF0, v24  }
0x84: {  	v3 =	vor.u32 v3, v4  }
0x85: {  	v4 =	vperm.xlane v3, v0;
	_ =	sdelay $0x1  }
0x86: {  	v3 =	vperm.xlane v3, v2;
	v4 =	vadd.s32 v1, v4;
	_ =	sdelay $0x1  }
0x87: {  	v3 =	vadd.s32 v1, v3;
	_ =	sdelay $0x2  }
0x88: {  	[tilespmem:s16], [sflag:$0x2] =	stream.indirect_vreg.gather [hbm4b:s3+s2], $0x80, v4, vm0, $0xb8;
	[tilespmem:$0x18100] =	vst v63  }
0x89: {  	_ = 	snop  }
0x8a: {  	[tilespmem:s13], [sflag:$0x2] =	stream.indirect_vreg.gather [hbm4b:s3+s2], $0x80, v3, vm0, $0xb8;
	[tilespmem:$0x18100] =	vst v63  }
0x8b: {  	v3 =	vld [tilespmem:$0x90];
	_ =	sdelay $0x4  }
0x8c: {  	v25 =	vshll.u32 v3, $0x1  }
0x8d: {  	v3 =	vand.u32 $0x7, v3;
	v4 =	vand.u32 $0xFFFFFFF0, v25  }
0x8e: {  	v3 =	vor.u32 v3, v4  }
0x8f: {  	v4 =	vperm.xlane v3, v0;
	_ =	sdelay $0x1  }
0x90: {  	v3 =	vperm.xlane v3, v2;
	v4 =	vadd.s32 v1, v4;
	_ =	sdelay $0x1  }
0x91: {  	v3 =	vadd.s32 v1, v3;
	_ =	sdelay $0x2  }
0x92: {  	[tilespmem:s14], [sflag:$0x2] =	stream.indirect_vreg.gather [hbm4b:s3+s2], $0x80, v4, vm0, $0xb8;
	[tilespmem:$0x18100] =	vst v63  }
0x93: {  	_ = 	snop  }
0x94: {  	[tilespmem:s15], [sflag:$0x2] =	stream.indirect_vreg.gather [hbm4b:s3+s2], $0x80, v3, vm0, $0xb8;
	[tilespmem:$0x18100] =	vst v63  }
0x95: {  	v3 =	vld [tilespmem:$0xA0];
	_ =	sdelay $0x4  }
0x96: {  	v26 =	vshll.u32 v3, $0x1  }
0x97: {  	v3 =	vand.u32 $0x7, v3;
	v4 =	vand.u32 $0xFFFFFFF0, v26  }
0x98: {  	v3 =	vor.u32 v3, v4  }
0x99: {  	v4 =	vperm.xlane v3, v0;
	_ =	sdelay $0x1  }
0x9a: {  	v3 =	vperm.xlane v3, v2;
	v4 =	vadd.s32 v1, v4;
	_ =	sdelay $0x1  }
0x9b: {  	v3 =	vadd.s32 v1, v3;
	_ =	sdelay $0x1  }
0x9c: {  	s19 =	simm.s32 $0xA100  }
0x9d: {  	[tilespmem:s19], [sflag:$0x2] =	stream.indirect_vreg.gather [hbm4b:s3+s2], $0x80, v4, vm0, $0xb8;
	[tilespmem:$0x18100] =	vst v63  }
0x9e: {  	s19 =	simm.s32 $0xA900  }
0x9f: {  	[tilespmem:s19], [sflag:$0x2] =	stream.indirect_vreg.gather [hbm4b:s3+s2], $0x80, v3, vm0, $0xb8;
	[tilespmem:$0x18100] =	vst v63  }
0xa0: {  	v3 =	vld [tilespmem:$0xB0];
	_ =	sdelay $0x4  }
0xa1: {  	v27 =	vshll.u32 v3, $0x1  }
0xa2: {  	v3 =	vand.u32 $0x7, v3;
	v4 =	vand.u32 $0xFFFFFFF0, v27  }
0xa3: {  	v3 =	vor.u32 v3, v4  }
0xa4: {  	v4 =	vperm.xlane v3, v0;
	_ =	sdelay $0x1  }
0xa5: {  	v3 =	vperm.xlane v3, v2;
	v4 =	vadd.s32 v1, v4;
	_ =	sdelay $0x1  }
0xa6: {  	v3 =	vadd.s32 v1, v3;
	_ =	sdelay $0x1  }
0xa7: {  	s19 =	simm.s32 $0xB100  }
0xa8: {  	[tilespmem:s19], [sflag:$0x2] =	stream.indirect_vreg.gather [hbm4b:s3+s2], $0x80, v4, vm0, $0xb8;
	[tilespmem:$0x18100] =	vst v63  }
0xa9: {  	s19 =	simm.s32 $0xB900  }
0xaa: {  	[tilespmem:s19], [sflag:$0x2] =	stream.indirect_vreg.gather [hbm4b:s3+s2], $0x80, v3, vm0, $0xb8;
	[tilespmem:$0x18100] =	vst v63  }
0xab: {  	v3 =	vld [tilespmem:$0xC0];
	_ =	sdelay $0x4  }
0xac: {  	v28 =	vshll.u32 v3, $0x1  }
0xad: {  	v3 =	vand.u32 $0x7, v3;
	v4 =	vand.u32 $0xFFFFFFF0, v28  }
0xae: {  	v3 =	vor.u32 v3, v4  }
0xaf: {  	v4 =	vperm.xlane v3, v0;
	_ =	sdelay $0x1  }
0xb0: {  	v3 =	vperm.xlane v3, v2;
	v4 =	vadd.s32 v1, v4;
	_ =	sdelay $0x1  }
0xb1: {  	v3 =	vadd.s32 v1, v3;
	_ =	sdelay $0x1  }
0xb2: {  	s19 =	simm.s32 $0xC100  }
0xb3: {  	[tilespmem:s19], [sflag:$0x2] =	stream.indirect_vreg.gather [hbm4b:s3+s2], $0x80, v4, vm0, $0xb8;
	[tilespmem:$0x18100] =	vst v63  }
0xb4: {  	s19 =	simm.s32 $0xC900  }
0xb5: {  	[tilespmem:s19], [sflag:$0x2] =	stream.indirect_vreg.gather [hbm4b:s3+s2], $0x80, v3, vm0, $0xb8;
	[tilespmem:$0x18100] =	vst v63  }
0xb6: {  	v3 =	vld [tilespmem:$0xD0];
	_ =	sdelay $0x4  }
0xb7: {  	v29 =	vshll.u32 v3, $0x1  }
0xb8: {  	v3 =	vand.u32 $0x7, v3;
	v4 =	vand.u32 $0xFFFFFFF0, v29  }
0xb9: {  	v3 =	vor.u32 v3, v4  }
0xba: {  	v4 =	vperm.xlane v3, v0;
	_ =	sdelay $0x1  }
0xbb: {  	v3 =	vperm.xlane v3, v2;
	v4 =	vadd.s32 v1, v4;
	_ =	sdelay $0x1  }
0xbc: {  	v3 =	vadd.s32 v1, v3;
	_ =	sdelay $0x1  }
0xbd: {  	s19 =	simm.s32 $0xD100  }
0xbe: {  	[tilespmem:s19], [sflag:$0x2] =	stream.indirect_vreg.gather [hbm4b:s3+s2], $0x80, v4, vm0, $0xb8;
	[tilespmem:$0x18100] =	vst v63  }
0xbf: {  	s19 =	simm.s32 $0xD900  }
0xc0: {  	[tilespmem:s19], [sflag:$0x2] =	stream.indirect_vreg.gather [hbm4b:s3+s2], $0x80, v3, vm0, $0xb8;
	[tilespmem:$0x18100] =	vst v63  }
0xc1: {  	v3 =	vld [tilespmem:$0xE0];
	_ =	sdelay $0x4  }
0xc2: {  	v30 =	vshll.u32 v3, $0x1  }
0xc3: {  	v3 =	vand.u32 $0x7, v3;
	v4 =	vand.u32 $0xFFFFFFF0, v30  }
0xc4: {  	v3 =	vor.u32 v3, v4  }
0xc5: {  	v4 =	vperm.xlane v3, v0;
	_ =	sdelay $0x1  }
0xc6: {  	v3 =	vperm.xlane v3, v2;
	v4 =	vadd.s32 v1, v4;
	_ =	sdelay $0x1  }
0xc7: {  	v3 =	vadd.s32 v1, v3;
	_ =	sdelay $0x1  }
0xc8: {  	s19 =	simm.s32 $0xE100  }
0xc9: {  	[tilespmem:s19], [sflag:$0x2] =	stream.indirect_vreg.gather [hbm4b:s3+s2], $0x80, v4, vm0, $0xb8;
	[tilespmem:$0x18100] =	vst v63  }
0xca: {  	s19 =	simm.s32 $0xE900  }
0xcb: {  	[tilespmem:s19], [sflag:$0x2] =	stream.indirect_vreg.gather [hbm4b:s3+s2], $0x80, v3, vm0, $0xb8;
	[tilespmem:$0x18100] =	vst v63  }
0xcc: {  	v3 =	vld [tilespmem:$0xF0];
	_ =	sdelay $0x4  }
0xcd: {  	v31 =	vshll.u32 v3, $0x1  }
0xce: {  	v3 =	vand.u32 $0x7, v3;
	v4 =	vand.u32 $0xFFFFFFF0, v31  }
0xcf: {  	v3 =	vor.u32 v3, v4  }
0xd0: {  	v4 =	vperm.xlane v3, v0;
	_ =	sdelay $0x1  }
0xd1: {  	v3 =	vperm.xlane v3, v2;
	v4 =	vadd.s32 v1, v4;
	_ =	sdelay $0x1  }
0xd2: {  	v3 =	vadd.s32 v1, v3;
	_ =	sdelay $0x1  }
0xd3: {  	s19 =	simm.s32 $0xF100  }
0xd4: {  	[tilespmem:s19], [sflag:$0x2] =	stream.indirect_vreg.gather [hbm4b:s3+s2], $0x80, v4, vm0, $0xb8;
	[tilespmem:$0x18100] =	vst v63  }
0xd5: {  	s19 =	simm.s32 $0xF900  }
0xd6: {  	[tilespmem:s19], [sflag:$0x2] =	stream.indirect_vreg.gather [hbm4b:s3+s2], $0x80, v3, vm0, $0xb8;
	[tilespmem:$0x18100] =	vst v63  }
0xd7: {  	_ = 	snop  }
0xd8: {  	[tilespmem:s7], [sflag:$0x2] =	stream.indirect.gather [hbm4b:s4+s23], $0x80, s23, s23, $0xb8;
	[tilespmem:$0x18100] =	vst v63  }
0xd9: {  	_ =	swait.ge [sflag:s17], $0x8000  }
0xda: {  	[sflag:s17] =	ssyncset.done $0x0  }
0xdb: {  	[sflag:s17] =	ssyncadd.s32 $0xFFFF8000  }
0xdc: {  	_ =	swait.ge [sflag:s17], $0x4000  }
0xdd: {  	[sflag:s17] =	ssyncset.done $0x0  }
0xde: {  	s19 =	rddreg [dreg:$0x4];
	[sflag:s17] =	ssyncadd.s32 $0xFFFFC000  }
0xdf: {  	[hbm4b:s19+s2] =	stream.linear.scatter [tilespmem:s24], [sflag:$0x3], $0x8000, $0x38;
	[tilespmem:$0x18100] =	vst v63  }
0xe0: {  	_ =	swait.ge [sflag:s6], $0x8000  }
0xe1: {  	[sflag:s6] =	ssyncset.done $0x0  }
0xe2: {  	s19 =	rddreg [dreg:$0x5];
	[sflag:s6] =	ssyncadd.s32 $0xFFFF8000  }
0xe3: {  	[hbm4b:s19+s2] =	stream.linear.scatter [tilespmem:s25], [sflag:$0x3], $0x4000, $0x38;
	[tilespmem:$0x18100] =	vst v63  }
0xe4: {  	_ =	swait.ge [sflag:s6], $0x4000  }
0xe5: {  	[sflag:s6] =	ssyncset.done $0x0  }
0xe6: {  	s19 =	rddreg [dreg:$0x6];
	[sflag:s6] =	ssyncadd.s32 $0xFFFFC000  }
0xe7: {  	[tilespmem:s2], [sflag:$0x3] =	stream.linear.gather [hbm4b:s19+s2], $0x80, $0x38;
	[tilespmem:$0x18100] =	vst v63  }
0xe8: {  	_ =	swait.ge [sflag:s6], $0x80  }
0xe9: {  	[sflag:s6] =	ssyncset.done $0x0  }
0xea: {  	[sflag:s6] =	ssyncadd.s32 $0xFFFFFF80  }
0xeb: {  	v3 =	vld [tilespmem:$0x0];
	_ =	sdelay $0x4  }
0xec: {  	v32 =	vshll.u32 v3, $0x1  }
0xed: {  	v3 =	vand.u32 $0x7, v3;
	v4 =	vand.u32 $0xFFFFFFF0, v32  }
0xee: {  	v3 =	vor.u32 v3, v4  }
0xef: {  	v4 =	vperm.xlane v3, v0;
	_ =	sdelay $0x1  }
0xf0: {  	v3 =	vperm.xlane v3, v2;
	v4 =	vadd.s32 v1, v4;
	_ =	sdelay $0x1  }
0xf1: {  	v3 =	vadd.s32 v1, v3;
	_ =	sdelay $0x2  }
0xf2: {  	[tilespmem:s24], [sflag:$0x1] =	stream.indirect_vreg.gather [hbm4b:s3+s2], $0x80, v4, vm0, $0xb8;
	[tilespmem:$0x18100] =	vst v63  }
0xf3: {  	_ = 	snop  }
0xf4: {  	[tilespmem:s20], [sflag:$0x1] =	stream.indirect_vreg.gather [hbm4b:s3+s2], $0x80, v3, vm0, $0xb8;
	[tilespmem:$0x18100] =	vst v63  }
0xf5: {  	v3 =	vld [tilespmem:$0x10];
	_ =	sdelay $0x4  }
0xf6: {  	v33 =	vshll.u32 v3, $0x1  }
0xf7: {  	v3 =	vand.u32 $0x7, v3;
	v4 =	vand.u32 $0xFFFFFFF0, v33  }
0xf8: {  	v3 =	vor.u32 v3, v4  }
0xf9: {  	v4 =	vperm.xlane v3, v0;
	_ =	sdelay $0x1  }
0xfa: {  	v3 =	vperm.xlane v3, v2;
	v4 =	vadd.s32 v1, v4;
	_ =	sdelay $0x1  }
0xfb: {  	v3 =	vadd.s32 v1, v3;
	_ =	sdelay $0x2  }
0xfc: {  	[tilespmem:s21], [sflag:$0x1] =	stream.indirect_vreg.gather [hbm4b:s3+s2], $0x80, v4, vm0, $0xb8;
	[tilespmem:$0x18100] =	vst v63  }
0xfd: {  	_ = 	snop  }
0xfe: {  	[tilespmem:s22], [sflag:$0x1] =	stream.indirect_vreg.gather [hbm4b:s3+s2], $0x80, v3, vm0, $0xb8;
	[tilespmem:$0x18100] =	vst v63  }
0xff: {  	v3 =	vld [tilespmem:$0x20];
	_ =	sdelay $0x4  }
0x100: {  	v34 =	vshll.u32 v3, $0x1  }
0x101: {  	v3 =	vand.u32 $0x7, v3;
	v4 =	vand.u32 $0xFFFFFFF0, v34  }
0x102: {  	v3 =	vor.u32 v3, v4  }
0x103: {  	v4 =	vperm.xlane v3, v0;
	_ =	sdelay $0x1  }
0x104: {  	v3 =	vperm.xlane v3, v2;
	v4 =	vadd.s32 v1, v4;
	_ =	sdelay $0x1  }
0x105: {  	v3 =	vadd.s32 v1, v3;
	_ =	sdelay $0x2  }
0x106: {  	[tilespmem:s26], [sflag:$0x1] =	stream.indirect_vreg.gather [hbm4b:s3+s2], $0x80, v4, vm0, $0xb8;
	[tilespmem:$0x18100] =	vst v63  }
0x107: {  	_ = 	snop  }
0x108: {  	[tilespmem:s28], [sflag:$0x1] =	stream.indirect_vreg.gather [hbm4b:s3+s2], $0x80, v3, vm0, $0xb8;
	[tilespmem:$0x18100] =	vst v63  }
0x109: {  	v3 =	vld [tilespmem:$0x30];
	_ =	sdelay $0x4  }
0x10a: {  	v35 =	vshll.u32 v3, $0x1  }
0x10b: {  	v3 =	vand.u32 $0x7, v3;
	v4 =	vand.u32 $0xFFFFFFF0, v35  }
0x10c: {  	v3 =	vor.u32 v3, v4  }
0x10d: {  	v4 =	vperm.xlane v3, v0;
	_ =	sdelay $0x1  }
0x10e: {  	v3 =	vperm.xlane v3, v2;
	v4 =	vadd.s32 v1, v4;
	_ =	sdelay $0x1  }
0x10f: {  	v3 =	vadd.s32 v1, v3;
	_ =	sdelay $0x2  }
0x110: {  	[tilespmem:s29], [sflag:$0x1] =	stream.indirect_vreg.gather [hbm4b:s3+s2], $0x80, v4, vm0, $0xb8;
	[tilespmem:$0x18100] =	vst v63  }
0x111: {  	_ = 	snop  }
0x112: {  	[tilespmem:s30], [sflag:$0x1] =	stream.indirect_vreg.gather [hbm4b:s3+s2], $0x80, v3, vm0, $0xb8;
	[tilespmem:$0x18100] =	vst v63  }
0x113: {  	v3 =	vld [tilespmem:$0x40];
	_ =	sdelay $0x4  }
0x114: {  	v36 =	vshll.u32 v3, $0x1  }
0x115: {  	v3 =	vand.u32 $0x7, v3;
	v4 =	vand.u32 $0xFFFFFFF0, v36  }
0x116: {  	v3 =	vor.u32 v3, v4  }
0x117: {  	v4 =	vperm.xlane v3, v0;
	_ =	sdelay $0x1  }
0x118: {  	v3 =	vperm.xlane v3, v2;
	v4 =	vadd.s32 v1, v4;
	_ =	sdelay $0x1  }
0x119: {  	v3 =	vadd.s32 v1, v3;
	_ =	sdelay $0x2  }
0x11a: {  	[tilespmem:s31], [sflag:$0x1] =	stream.indirect_vreg.gather [hbm4b:s3+s2], $0x80, v4, vm0, $0xb8;
	[tilespmem:$0x18100] =	vst v63  }
0x11b: {  	_ = 	snop  }
0x11c: {  	[tilespmem:s1], [sflag:$0x1] =	stream.indirect_vreg.gather [hbm4b:s3+s2], $0x80, v3, vm0, $0xb8;
	[tilespmem:$0x18100] =	vst v63  }
0x11d: {  	v3 =	vld [tilespmem:$0x50];
	_ =	sdelay $0x4  }
0x11e: {  	v37 =	vshll.u32 v3, $0x1  }
0x11f: {  	v3 =	vand.u32 $0x7, v3;
	v4 =	vand.u32 $0xFFFFFFF0, v37  }
0x120: {  	v3 =	vor.u32 v3, v4  }
0x121: {  	v4 =	vperm.xlane v3, v0;
	_ =	sdelay $0x1  }
0x122: {  	v3 =	vperm.xlane v3, v2;
	v4 =	vadd.s32 v1, v4;
	_ =	sdelay $0x1  }
0x123: {  	v3 =	vadd.s32 v1, v3;
	_ =	sdelay $0x2  }
0x124: {  	[tilespmem:s0], [sflag:$0x1] =	stream.indirect_vreg.gather [hbm4b:s3+s2], $0x80, v4, vm0, $0xb8;
	[tilespmem:$0x18100] =	vst v63  }
0x125: {  	_ = 	snop  }
0x126: {  	[tilespmem:s8], [sflag:$0x1] =	stream.indirect_vreg.gather [hbm4b:s3+s2], $0x80, v3, vm0, $0xb8;
	[tilespmem:$0x18100] =	vst v63  }
0x127: {  	v3 =	vld [tilespmem:$0x60];
	_ =	sdelay $0x4  }
0x128: {  	v38 =	vshll.u32 v3, $0x1  }
0x129: {  	v3 =	vand.u32 $0x7, v3;
	v4 =	vand.u32 $0xFFFFFFF0, v38  }
0x12a: {  	v3 =	vor.u32 v3, v4  }
0x12b: {  	v4 =	vperm.xlane v3, v0;
	_ =	sdelay $0x1  }
0x12c: {  	v3 =	vperm.xlane v3, v2;
	v4 =	vadd.s32 v1, v4;
	_ =	sdelay $0x1  }
0x12d: {  	v3 =	vadd.s32 v1, v3;
	_ =	sdelay $0x2  }
0x12e: {  	[tilespmem:s9], [sflag:$0x1] =	stream.indirect_vreg.gather [hbm4b:s3+s2], $0x80, v4, vm0, $0xb8;
	[tilespmem:$0x18100] =	vst v63  }
0x12f: {  	_ = 	snop  }
0x130: {  	[tilespmem:s10], [sflag:$0x1] =	stream.indirect_vreg.gather [hbm4b:s3+s2], $0x80, v3, vm0, $0xb8;
	[tilespmem:$0x18100] =	vst v63  }
0x131: {  	v3 =	vld [tilespmem:$0x70];
	_ =	sdelay $0x4  }
0x132: {  	v39 =	vshll.u32 v3, $0x1  }
0x133: {  	v3 =	vand.u32 $0x7, v3;
	v4 =	vand.u32 $0xFFFFFFF0, v39  }
0x134: {  	v3 =	vor.u32 v3, v4  }
0x135: {  	v4 =	vperm.xlane v3, v0;
	_ =	sdelay $0x1  }
0x136: {  	v3 =	vperm.xlane v3, v2;
	v4 =	vadd.s32 v1, v4;
	_ =	sdelay $0x1  }
0x137: {  	v3 =	vadd.s32 v1, v3;
	_ =	sdelay $0x2  }
0x138: {  	[tilespmem:s11], [sflag:$0x1] =	stream.indirect_vreg.gather [hbm4b:s3+s2], $0x80, v4, vm0, $0xb8;
	[tilespmem:$0x18100] =	vst v63  }
0x139: {  	_ = 	snop  }
0x13a: {  	[tilespmem:s12], [sflag:$0x1] =	stream.indirect_vreg.gather [hbm4b:s3+s2], $0x80, v3, vm0, $0xb8;
	[tilespmem:$0x18100] =	vst v63  }
0x13b: {  	_ = 	snop  }
0x13c: {  	[tilespmem:s25], [sflag:$0x1] =	stream.indirect.gather [hbm4b:s4+s23], $0x80, s2, s23, $0xb8;
	[tilespmem:$0x18100] =	vst v63  }
0x13d: {  	_ =	swait.ge [sflag:s18], $0x8000  }
0x13e: {  	[sflag:s18] =	ssyncset.done $0x0  }
0x13f: {  	[sflag:s18] =	ssyncadd.s32 $0xFFFF8000  }
0x140: {  	_ =	swait.ge [sflag:s18], $0x4000  }
0x141: {  	[sflag:s18] =	ssyncset.done $0x0  }
0x142: {  	s19 =	rddreg [dreg:$0x7];
	[sflag:s18] =	ssyncadd.s32 $0xFFFFC000  }
0x143: {  	[hbm4b:s19+s2] =	stream.linear.scatter [tilespmem:s16], [sflag:$0x3], $0x8000, $0x38;
	[tilespmem:$0x18100] =	vst v63  }
0x144: {  	_ =	swait.ge [sflag:s6], $0x8000  }
0x145: {  	[sflag:s6] =	ssyncset.done $0x0  }
0x146: {  	s19 =	rddreg [dreg:$0x8];
	[sflag:s6] =	ssyncadd.s32 $0xFFFF8000  }
0x147: {  	[hbm4b:s19+s2] =	stream.linear.scatter [tilespmem:s7], [sflag:$0x3], $0x4000, $0x38;
	[tilespmem:$0x18100] =	vst v63  }
0x148: {  	_ =	swait.ge [sflag:s6], $0x4000  }
0x149: {  	[sflag:s6] =	ssyncset.done $0x0  }
0x14a: {  	s19 =	rddreg [dreg:$0x9];
	[sflag:s6] =	ssyncadd.s32 $0xFFFFC000  }
0x14b: {  	[tilespmem:s23], [sflag:$0x3] =	stream.linear.gather [hbm4b:s19+s2], $0x80, $0x38;
	[tilespmem:$0x18100] =	vst v63  }
0x14c: {  	_ =	swait.ge [sflag:s6], $0x80  }
0x14d: {  	[sflag:s6] =	ssyncset.done $0x0  }
0x14e: {  	[sflag:s6] =	ssyncadd.s32 $0xFFFFFF80  }
0x14f: {  	v3 =	vld [tilespmem:$0x80];
	_ =	sdelay $0x4  }
0x150: {  	v40 =	vshll.u32 v3, $0x1  }
0x151: {  	v3 =	vand.u32 $0x7, v3;
	v4 =	vand.u32 $0xFFFFFFF0, v40  }
0x152: {  	v3 =	vor.u32 v3, v4  }
0x153: {  	v4 =	vperm.xlane v3, v0;
	_ =	sdelay $0x1  }
0x154: {  	v3 =	vperm.xlane v3, v2;
	v4 =	vadd.s32 v1, v4;
	_ =	sdelay $0x1  }
0x155: {  	v3 =	vadd.s32 v1, v3;
	_ =	sdelay $0x2  }
0x156: {  	[tilespmem:s16], [sflag:$0x2] =	stream.indirect_vreg.gather [hbm4b:s3+s2], $0x80, v4, vm0, $0xb8;
	[tilespmem:$0x18100] =	vst v63  }
0x157: {  	_ = 	snop  }
0x158: {  	[tilespmem:s13], [sflag:$0x2] =	stream.indirect_vreg.gather [hbm4b:s3+s2], $0x80, v3, vm0, $0xb8;
	[tilespmem:$0x18100] =	vst v63  }
0x159: {  	v3 =	vld [tilespmem:$0x90];
	_ =	sdelay $0x4  }
0x15a: {  	v41 =	vshll.u32 v3, $0x1  }
0x15b: {  	v3 =	vand.u32 $0x7, v3;
	v4 =	vand.u32 $0xFFFFFFF0, v41  }
0x15c: {  	v3 =	vor.u32 v3, v4  }
0x15d: {  	v4 =	vperm.xlane v3, v0;
	_ =	sdelay $0x1  }
0x15e: {  	v3 =	vperm.xlane v3, v2;
	v4 =	vadd.s32 v1, v4;
	_ =	sdelay $0x1  }
0x15f: {  	v3 =	vadd.s32 v1, v3;
	_ =	sdelay $0x2  }
0x160: {  	[tilespmem:s14], [sflag:$0x2] =	stream.indirect_vreg.gather [hbm4b:s3+s2], $0x80, v4, vm0, $0xb8;
	[tilespmem:$0x18100] =	vst v63  }
0x161: {  	_ = 	snop  }
0x162: {  	[tilespmem:s15], [sflag:$0x2] =	stream.indirect_vreg.gather [hbm4b:s3+s2], $0x80, v3, vm0, $0xb8;
	[tilespmem:$0x18100] =	vst v63  }
0x163: {  	v3 =	vld [tilespmem:$0xA0];
	_ =	sdelay $0x4  }
0x164: {  	v42 =	vshll.u32 v3, $0x1  }
0x165: {  	v3 =	vand.u32 $0x7, v3;
	v4 =	vand.u32 $0xFFFFFFF0, v42  }
0x166: {  	v3 =	vor.u32 v3, v4  }
0x167: {  	v4 =	vperm.xlane v3, v0;
	_ =	sdelay $0x1  }
0x168: {  	v3 =	vperm.xlane v3, v2;
	v4 =	vadd.s32 v1, v4;
	_ =	sdelay $0x1  }
0x169: {  	v3 =	vadd.s32 v1, v3;
	_ =	sdelay $0x1  }
0x16a: {  	s19 =	simm.s32 $0xA100  }
0x16b: {  	[tilespmem:s19], [sflag:$0x2] =	stream.indirect_vreg.gather [hbm4b:s3+s2], $0x80, v4, vm0, $0xb8;
	[tilespmem:$0x18100] =	vst v63  }
0x16c: {  	s19 =	simm.s32 $0xA900  }
0x16d: {  	[tilespmem:s19], [sflag:$0x2] =	stream.indirect_vreg.gather [hbm4b:s3+s2], $0x80, v3, vm0, $0xb8;
	[tilespmem:$0x18100] =	vst v63  }
0x16e: {  	v3 =	vld [tilespmem:$0xB0];
	_ =	sdelay $0x4  }
0x16f: {  	v43 =	vshll.u32 v3, $0x1  }
0x170: {  	v3 =	vand.u32 $0x7, v3;
	v4 =	vand.u32 $0xFFFFFFF0, v43  }
0x171: {  	v3 =	vor.u32 v3, v4  }
0x172: {  	v4 =	vperm.xlane v3, v0;
	_ =	sdelay $0x1  }
0x173: {  	v3 =	vperm.xlane v3, v2;
	v4 =	vadd.s32 v1, v4;
	_ =	sdelay $0x1  }
0x174: {  	v3 =	vadd.s32 v1, v3;
	_ =	sdelay $0x1  }
0x175: {  	s19 =	simm.s32 $0xB100  }
0x176: {  	[tilespmem:s19], [sflag:$0x2] =	stream.indirect_vreg.gather [hbm4b:s3+s2], $0x80, v4, vm0, $0xb8;
	[tilespmem:$0x18100] =	vst v63  }
0x177: {  	s19 =	simm.s32 $0xB900  }
0x178: {  	[tilespmem:s19], [sflag:$0x2] =	stream.indirect_vreg.gather [hbm4b:s3+s2], $0x80, v3, vm0, $0xb8;
	[tilespmem:$0x18100] =	vst v63  }
0x179: {  	v3 =	vld [tilespmem:$0xC0];
	_ =	sdelay $0x4  }
0x17a: {  	v44 =	vshll.u32 v3, $0x1  }
0x17b: {  	v3 =	vand.u32 $0x7, v3;
	v4 =	vand.u32 $0xFFFFFFF0, v44  }
0x17c: {  	v3 =	vor.u32 v3, v4  }
0x17d: {  	v4 =	vperm.xlane v3, v0;
	_ =	sdelay $0x1  }
0x17e: {  	v3 =	vperm.xlane v3, v2;
	v4 =	vadd.s32 v1, v4;
	_ =	sdelay $0x1  }
0x17f: {  	v3 =	vadd.s32 v1, v3;
	_ =	sdelay $0x1  }
0x180: {  	s19 =	simm.s32 $0xC100  }
0x181: {  	[tilespmem:s19], [sflag:$0x2] =	stream.indirect_vreg.gather [hbm4b:s3+s2], $0x80, v4, vm0, $0xb8;
	[tilespmem:$0x18100] =	vst v63  }
0x182: {  	s19 =	simm.s32 $0xC900  }
0x183: {  	[tilespmem:s19], [sflag:$0x2] =	stream.indirect_vreg.gather [hbm4b:s3+s2], $0x80, v3, vm0, $0xb8;
	[tilespmem:$0x18100] =	vst v63  }
0x184: {  	v3 =	vld [tilespmem:$0xD0];
	_ =	sdelay $0x4  }
0x185: {  	v45 =	vshll.u32 v3, $0x1  }
0x186: {  	v3 =	vand.u32 $0x7, v3;
	v4 =	vand.u32 $0xFFFFFFF0, v45  }
0x187: {  	v3 =	vor.u32 v3, v4  }
0x188: {  	v4 =	vperm.xlane v3, v0;
	_ =	sdelay $0x1  }
0x189: {  	v3 =	vperm.xlane v3, v2;
	v4 =	vadd.s32 v1, v4;
	_ =	sdelay $0x1  }
0x18a: {  	v3 =	vadd.s32 v1, v3;
	_ =	sdelay $0x1  }
0x18b: {  	s19 =	simm.s32 $0xD100  }
0x18c: {  	[tilespmem:s19], [sflag:$0x2] =	stream.indirect_vreg.gather [hbm4b:s3+s2], $0x80, v4, vm0, $0xb8;
	[tilespmem:$0x18100] =	vst v63  }
0x18d: {  	s19 =	simm.s32 $0xD900  }
0x18e: {  	[tilespmem:s19], [sflag:$0x2] =	stream.indirect_vreg.gather [hbm4b:s3+s2], $0x80, v3, vm0, $0xb8;
	[tilespmem:$0x18100] =	vst v63  }
0x18f: {  	v3 =	vld [tilespmem:$0xE0];
	_ =	sdelay $0x4  }
0x190: {  	v46 =	vshll.u32 v3, $0x1  }
0x191: {  	v3 =	vand.u32 $0x7, v3;
	v4 =	vand.u32 $0xFFFFFFF0, v46  }
0x192: {  	v3 =	vor.u32 v3, v4  }
0x193: {  	v4 =	vperm.xlane v3, v0;
	_ =	sdelay $0x1  }
0x194: {  	v3 =	vperm.xlane v3, v2;
	v4 =	vadd.s32 v1, v4;
	_ =	sdelay $0x1  }
0x195: {  	v3 =	vadd.s32 v1, v3;
	_ =	sdelay $0x1  }
0x196: {  	s19 =	simm.s32 $0xE100  }
0x197: {  	[tilespmem:s19], [sflag:$0x2] =	stream.indirect_vreg.gather [hbm4b:s3+s2], $0x80, v4, vm0, $0xb8;
	[tilespmem:$0x18100] =	vst v63  }
0x198: {  	s19 =	simm.s32 $0xE900  }
0x199: {  	[tilespmem:s19], [sflag:$0x2] =	stream.indirect_vreg.gather [hbm4b:s3+s2], $0x80, v3, vm0, $0xb8;
	[tilespmem:$0x18100] =	vst v63  }
0x19a: {  	v3 =	vld [tilespmem:$0xF0];
	_ =	sdelay $0x4  }
0x19b: {  	v47 =	vshll.u32 v3, $0x1  }
0x19c: {  	v3 =	vand.u32 $0x7, v3;
	v4 =	vand.u32 $0xFFFFFFF0, v47  }
0x19d: {  	v3 =	vor.u32 v3, v4  }
0x19e: {  	v4 =	vperm.xlane v3, v0;
	_ =	sdelay $0x1  }
0x19f: {  	v3 =	vperm.xlane v3, v2;
	v4 =	vadd.s32 v1, v4;
	_ =	sdelay $0x1  }
0x1a0: {  	v3 =	vadd.s32 v1, v3;
	_ =	sdelay $0x1  }
0x1a1: {  	s19 =	simm.s32 $0xF100  }
0x1a2: {  	[tilespmem:s19], [sflag:$0x2] =	stream.indirect_vreg.gather [hbm4b:s3+s2], $0x80, v4, vm0, $0xb8;
	[tilespmem:$0x18100] =	vst v63  }
0x1a3: {  	s19 =	simm.s32 $0xF900  }
0x1a4: {  	[tilespmem:s19], [sflag:$0x2] =	stream.indirect_vreg.gather [hbm4b:s3+s2], $0x80, v3, vm0, $0xb8;
	[tilespmem:$0x18100] =	vst v63  }
0x1a5: {  	_ = 	snop  }
0x1a6: {  	[tilespmem:s7], [sflag:$0x2] =	stream.indirect.gather [hbm4b:s4+s23], $0x80, s23, s23, $0xb8;
	[tilespmem:$0x18100] =	vst v63  }
0x1a7: {  	_ =	swait.ge [sflag:s17], $0x8000  }
0x1a8: {  	[sflag:s17] =	ssyncset.done $0x0  }
0x1a9: {  	[sflag:s17] =	ssyncadd.s32 $0xFFFF8000  }
0x1aa: {  	_ =	swait.ge [sflag:s17], $0x4000  }
0x1ab: {  	[sflag:s17] =	ssyncset.done $0x0  }
0x1ac: {  	s19 =	rddreg [dreg:$0xa];
	[sflag:s17] =	ssyncadd.s32 $0xFFFFC000  }
0x1ad: {  	[hbm4b:s19+s2] =	stream.linear.scatter [tilespmem:s24], [sflag:$0x3], $0x8000, $0x38;
	[tilespmem:$0x18100] =	vst v63  }
0x1ae: {  	_ =	swait.ge [sflag:s6], $0x8000  }
0x1af: {  	[sflag:s6] =	ssyncset.done $0x0  }
0x1b0: {  	s19 =	rddreg [dreg:$0xb];
	[sflag:s6] =	ssyncadd.s32 $0xFFFF8000  }
0x1b1: {  	[hbm4b:s19+s2] =	stream.linear.scatter [tilespmem:s25], [sflag:$0x3], $0x4000, $0x38;
	[tilespmem:$0x18100] =	vst v63  }
0x1b2: {  	_ =	swait.ge [sflag:s6], $0x4000  }
0x1b3: {  	[sflag:s6] =	ssyncset.done $0x0  }
0x1b4: {  	s19 =	rddreg [dreg:$0xc];
	[sflag:s6] =	ssyncadd.s32 $0xFFFFC000  }
0x1b5: {  	[tilespmem:s2], [sflag:$0x3] =	stream.linear.gather [hbm4b:s19+s2], $0x80, $0x38;
	[tilespmem:$0x18100] =	vst v63  }
0x1b6: {  	_ =	swait.ge [sflag:s6], $0x80  }
0x1b7: {  	[sflag:s6] =	ssyncset.done $0x0  }
0x1b8: {  	[sflag:s6] =	ssyncadd.s32 $0xFFFFFF80  }
0x1b9: {  	v3 =	vld [tilespmem:$0x0];
	_ =	sdelay $0x4  }
0x1ba: {  	v48 =	vshll.u32 v3, $0x1  }
0x1bb: {  	v3 =	vand.u32 $0x7, v3;
	v4 =	vand.u32 $0xFFFFFFF0, v48  }
0x1bc: {  	v3 =	vor.u32 v3, v4  }
0x1bd: {  	v4 =	vperm.xlane v3, v0;
	_ =	sdelay $0x1  }
0x1be: {  	v3 =	vperm.xlane v3, v2;
	v4 =	vadd.s32 v1, v4;
	_ =	sdelay $0x1  }
0x1bf: {  	v3 =	vadd.s32 v1, v3;
	_ =	sdelay $0x2  }
0x1c0: {  	[tilespmem:s24], [sflag:$0x1] =	stream.indirect_vreg.gather [hbm4b:s3+s2], $0x80, v4, vm0, $0xb8;
	[tilespmem:$0x18100] =	vst v63  }
0x1c1: {  	_ = 	snop  }
0x1c2: {  	[tilespmem:s20], [sflag:$0x1] =	stream.indirect_vreg.gather [hbm4b:s3+s2], $0x80, v3, vm0, $0xb8;
	[tilespmem:$0x18100] =	vst v63  }
0x1c3: {  	v3 =	vld [tilespmem:$0x10];
	_ =	sdelay $0x4  }
0x1c4: {  	v49 =	vshll.u32 v3, $0x1  }
0x1c5: {  	v3 =	vand.u32 $0x7, v3;
	v4 =	vand.u32 $0xFFFFFFF0, v49  }
0x1c6: {  	v3 =	vor.u32 v3, v4  }
0x1c7: {  	v4 =	vperm.xlane v3, v0;
	_ =	sdelay $0x1  }
0x1c8: {  	v3 =	vperm.xlane v3, v2;
	v4 =	vadd.s32 v1, v4;
	_ =	sdelay $0x1  }
0x1c9: {  	v3 =	vadd.s32 v1, v3;
	_ =	sdelay $0x2  }
0x1ca: {  	[tilespmem:s21], [sflag:$0x1] =	stream.indirect_vreg.gather [hbm4b:s3+s2], $0x80, v4, vm0, $0xb8;
	[tilespmem:$0x18100] =	vst v63  }
0x1cb: {  	_ = 	snop  }
0x1cc: {  	[tilespmem:s22], [sflag:$0x1] =	stream.indirect_vreg.gather [hbm4b:s3+s2], $0x80, v3, vm0, $0xb8;
	[tilespmem:$0x18100] =	vst v63  }
0x1cd: {  	v3 =	vld [tilespmem:$0x20];
	_ =	sdelay $0x4  }
0x1ce: {  	v50 =	vshll.u32 v3, $0x1  }
0x1cf: {  	v3 =	vand.u32 $0x7, v3;
	v4 =	vand.u32 $0xFFFFFFF0, v50  }
0x1d0: {  	v3 =	vor.u32 v3, v4  }
0x1d1: {  	v4 =	vperm.xlane v3, v0;
	_ =	sdelay $0x1  }
0x1d2: {  	v3 =	vperm.xlane v3, v2;
	v4 =	vadd.s32 v1, v4;
	_ =	sdelay $0x1  }
0x1d3: {  	v3 =	vadd.s32 v1, v3;
	_ =	sdelay $0x2  }
0x1d4: {  	[tilespmem:s26], [sflag:$0x1] =	stream.indirect_vreg.gather [hbm4b:s3+s2], $0x80, v4, vm0, $0xb8;
	[tilespmem:$0x18100] =	vst v63  }
0x1d5: {  	_ = 	snop  }
0x1d6: {  	[tilespmem:s28], [sflag:$0x1] =	stream.indirect_vreg.gather [hbm4b:s3+s2], $0x80, v3, vm0, $0xb8;
	[tilespmem:$0x18100] =	vst v63  }
0x1d7: {  	v3 =	vld [tilespmem:$0x30];
	_ =	sdelay $0x4  }
0x1d8: {  	v51 =	vshll.u32 v3, $0x1  }
0x1d9: {  	v3 =	vand.u32 $0x7, v3;
	v4 =	vand.u32 $0xFFFFFFF0, v51  }
0x1da: {  	v3 =	vor.u32 v3, v4  }
0x1db: {  	v4 =	vperm.xlane v3, v0;
	_ =	sdelay $0x1  }
0x1dc: {  	v3 =	vperm.xlane v3, v2;
	v4 =	vadd.s32 v1, v4;
	_ =	sdelay $0x1  }
0x1dd: {  	v3 =	vadd.s32 v1, v3;
	_ =	sdelay $0x2  }
0x1de: {  	[tilespmem:s29], [sflag:$0x1] =	stream.indirect_vreg.gather [hbm4b:s3+s2], $0x80, v4, vm0, $0xb8;
	[tilespmem:$0x18100] =	vst v63  }
0x1df: {  	_ = 	snop  }
0x1e0: {  	[tilespmem:s30], [sflag:$0x1] =	stream.indirect_vreg.gather [hbm4b:s3+s2], $0x80, v3, vm0, $0xb8;
	[tilespmem:$0x18100] =	vst v63  }
0x1e1: {  	v3 =	vld [tilespmem:$0x40];
	_ =	sdelay $0x4  }
0x1e2: {  	v52 =	vshll.u32 v3, $0x1  }
0x1e3: {  	v3 =	vand.u32 $0x7, v3;
	v4 =	vand.u32 $0xFFFFFFF0, v52  }
0x1e4: {  	v3 =	vor.u32 v3, v4  }
0x1e5: {  	v4 =	vperm.xlane v3, v0;
	_ =	sdelay $0x1  }
0x1e6: {  	v3 =	vperm.xlane v3, v2;
	v4 =	vadd.s32 v1, v4;
	_ =	sdelay $0x1  }
0x1e7: {  	v3 =	vadd.s32 v1, v3;
	_ =	sdelay $0x2  }
0x1e8: {  	[tilespmem:s31], [sflag:$0x1] =	stream.indirect_vreg.gather [hbm4b:s3+s2], $0x80, v4, vm0, $0xb8;
	[tilespmem:$0x18100] =	vst v63  }
0x1e9: {  	_ = 	snop  }
0x1ea: {  	[tilespmem:s1], [sflag:$0x1] =	stream.indirect_vreg.gather [hbm4b:s3+s2], $0x80, v3, vm0, $0xb8;
	[tilespmem:$0x18100] =	vst v63  }
0x1eb: {  	v3 =	vld [tilespmem:$0x50];
	_ =	sdelay $0x4  }
0x1ec: {  	v53 =	vshll.u32 v3, $0x1  }
0x1ed: {  	v3 =	vand.u32 $0x7, v3;
	v4 =	vand.u32 $0xFFFFFFF0, v53  }
0x1ee: {  	v3 =	vor.u32 v3, v4  }
0x1ef: {  	v4 =	vperm.xlane v3, v0;
	_ =	sdelay $0x1  }
0x1f0: {  	v3 =	vperm.xlane v3, v2;
	v4 =	vadd.s32 v1, v4;
	_ =	sdelay $0x1  }
0x1f1: {  	v3 =	vadd.s32 v1, v3;
	_ =	sdelay $0x2  }
0x1f2: {  	[tilespmem:s0], [sflag:$0x1] =	stream.indirect_vreg.gather [hbm4b:s3+s2], $0x80, v4, vm0, $0xb8;
	[tilespmem:$0x18100] =	vst v63  }
0x1f3: {  	_ = 	snop  }
0x1f4: {  	[tilespmem:s8], [sflag:$0x1] =	stream.indirect_vreg.gather [hbm4b:s3+s2], $0x80, v3, vm0, $0xb8;
	[tilespmem:$0x18100] =	vst v63  }
0x1f5: {  	v3 =	vld [tilespmem:$0x60];
	_ =	sdelay $0x4  }
0x1f6: {  	v54 =	vshll.u32 v3, $0x1  }
0x1f7: {  	v3 =	vand.u32 $0x7, v3;
	v4 =	vand.u32 $0xFFFFFFF0, v54  }
0x1f8: {  	v3 =	vor.u32 v3, v4  }
0x1f9: {  	v4 =	vperm.xlane v3, v0;
	_ =	sdelay $0x1  }
0x1fa: {  	v3 =	vperm.xlane v3, v2;
	v4 =	vadd.s32 v1, v4;
	_ =	sdelay $0x1  }
0x1fb: {  	v3 =	vadd.s32 v1, v3;
	_ =	sdelay $0x2  }
0x1fc: {  	[tilespmem:s9], [sflag:$0x1] =	stream.indirect_vreg.gather [hbm4b:s3+s2], $0x80, v4, vm0, $0xb8;
	[tilespmem:$0x18100] =	vst v63  }
0x1fd: {  	_ = 	snop  }
0x1fe: {  	[tilespmem:s10], [sflag:$0x1] =	stream.indirect_vreg.gather [hbm4b:s3+s2], $0x80, v3, vm0, $0xb8;
	[tilespmem:$0x18100] =	vst v63  }
0x1ff: {  	v3 =	vld [tilespmem:$0x70];
	_ =	sdelay $0x4  }
0x200: {  	v55 =	vshll.u32 v3, $0x1  }
0x201: {  	v3 =	vand.u32 $0x7, v3;
	v4 =	vand.u32 $0xFFFFFFF0, v55  }
0x202: {  	v3 =	vor.u32 v3, v4  }
0x203: {  	v4 =	vperm.xlane v3, v0;
	_ =	sdelay $0x1  }
0x204: {  	v3 =	vperm.xlane v3, v2;
	v4 =	vadd.s32 v1, v4;
	_ =	sdelay $0x1  }
0x205: {  	v3 =	vadd.s32 v1, v3;
	_ =	sdelay $0x2  }
0x206: {  	[tilespmem:s11], [sflag:$0x1] =	stream.indirect_vreg.gather [hbm4b:s3+s2], $0x80, v4, vm0, $0xb8;
	[tilespmem:$0x18100] =	vst v63  }
0x207: {  	_ = 	snop  }
0x208: {  	[tilespmem:s12], [sflag:$0x1] =	stream.indirect_vreg.gather [hbm4b:s3+s2], $0x80, v3, vm0, $0xb8;
	[tilespmem:$0x18100] =	vst v63  }
0x209: {  	_ = 	snop  }
0x20a: {  	[tilespmem:s25], [sflag:$0x1] =	stream.indirect.gather [hbm4b:s4+s23], $0x80, s2, s23, $0xb8;
	[tilespmem:$0x18100] =	vst v63  }
0x20b: {  	_ =	swait.ge [sflag:s18], $0x8000  }
0x20c: {  	[sflag:s18] =	ssyncset.done $0x0  }
0x20d: {  	[sflag:s18] =	ssyncadd.s32 $0xFFFF8000  }
0x20e: {  	_ =	swait.ge [sflag:s18], $0x4000  }
0x20f: {  	[sflag:s18] =	ssyncset.done $0x0  }
0x210: {  	s0 =	rddreg [dreg:$0xd];
	[sflag:s18] =	ssyncadd.s32 $0xFFFFC000  }
0x211: {  	[hbm4b:s0+s2] =	stream.linear.scatter [tilespmem:s16], [sflag:$0x3], $0x8000, $0x38;
	[tilespmem:$0x18100] =	vst v63  }
0x212: {  	_ =	swait.ge [sflag:s6], $0x8000  }
0x213: {  	[sflag:s6] =	ssyncset.done $0x0  }
0x214: {  	s0 =	rddreg [dreg:$0xe];
	[sflag:s6] =	ssyncadd.s32 $0xFFFF8000  }
0x215: {  	[hbm4b:s0+s2] =	stream.linear.scatter [tilespmem:s7], [sflag:$0x3], $0x4000, $0x38;
	[tilespmem:$0x18100] =	vst v63  }
0x216: {  	_ =	swait.ge [sflag:s6], $0x4000  }
0x217: {  	[sflag:s6] =	ssyncset.done $0x0  }
0x218: {  	s0 =	rddreg [dreg:$0xf];
	[sflag:s6] =	ssyncadd.s32 $0xFFFFC000  }
0x219: {  	[tilespmem:s23], [sflag:$0x3] =	stream.linear.gather [hbm4b:s0+s2], $0x80, $0x38;
	[tilespmem:$0x18100] =	vst v63  }
0x21a: {  	_ =	swait.ge [sflag:s6], $0x80  }
0x21b: {  	[sflag:s6] =	ssyncset.done $0x0  }
0x21c: {  	[sflag:s6] =	ssyncadd.s32 $0xFFFFFF80  }
0x21d: {  	v3 =	vld [tilespmem:$0x80];
	_ =	sdelay $0x4  }
0x21e: {  	v56 =	vshll.u32 v3, $0x1  }
0x21f: {  	v3 =	vand.u32 $0x7, v3;
	v4 =	vand.u32 $0xFFFFFFF0, v56  }
0x220: {  	v3 =	vor.u32 v3, v4  }
0x221: {  	v4 =	vperm.xlane v3, v0;
	_ =	sdelay $0x1  }
0x222: {  	v3 =	vperm.xlane v3, v2;
	v4 =	vadd.s32 v1, v4;
	_ =	sdelay $0x1  }
0x223: {  	v3 =	vadd.s32 v1, v3;
	_ =	sdelay $0x2  }
0x224: {  	[tilespmem:s16], [sflag:$0x2] =	stream.indirect_vreg.gather [hbm4b:s3+s2], $0x80, v4, vm0, $0xb8;
	[tilespmem:$0x18100] =	vst v63  }
0x225: {  	_ = 	snop  }
0x226: {  	[tilespmem:s13], [sflag:$0x2] =	stream.indirect_vreg.gather [hbm4b:s3+s2], $0x80, v3, vm0, $0xb8;
	[tilespmem:$0x18100] =	vst v63  }
0x227: {  	v3 =	vld [tilespmem:$0x90];
	_ =	sdelay $0x4  }
0x228: {  	v57 =	vshll.u32 v3, $0x1  }
0x229: {  	v3 =	vand.u32 $0x7, v3;
	v4 =	vand.u32 $0xFFFFFFF0, v57  }
0x22a: {  	v3 =	vor.u32 v3, v4  }
0x22b: {  	v4 =	vperm.xlane v3, v0;
	_ =	sdelay $0x1  }
0x22c: {  	v3 =	vperm.xlane v3, v2;
	v4 =	vadd.s32 v1, v4;
	_ =	sdelay $0x1  }
0x22d: {  	v3 =	vadd.s32 v1, v3;
	_ =	sdelay $0x2  }
0x22e: {  	[tilespmem:s14], [sflag:$0x2] =	stream.indirect_vreg.gather [hbm4b:s3+s2], $0x80, v4, vm0, $0xb8;
	[tilespmem:$0x18100] =	vst v63  }
0x22f: {  	_ = 	snop  }
0x230: {  	[tilespmem:s15], [sflag:$0x2] =	stream.indirect_vreg.gather [hbm4b:s3+s2], $0x80, v3, vm0, $0xb8;
	[tilespmem:$0x18100] =	vst v63  }
0x231: {  	v3 =	vld [tilespmem:$0xA0];
	_ =	sdelay $0x4  }
0x232: {  	v58 =	vshll.u32 v3, $0x1  }
0x233: {  	v3 =	vand.u32 $0x7, v3;
	v4 =	vand.u32 $0xFFFFFFF0, v58  }
0x234: {  	v3 =	vor.u32 v3, v4  }
0x235: {  	v4 =	vperm.xlane v3, v0;
	_ =	sdelay $0x1  }
0x236: {  	v3 =	vperm.xlane v3, v2;
	v4 =	vadd.s32 v1, v4;
	_ =	sdelay $0x1  }
0x237: {  	v3 =	vadd.s32 v1, v3;
	_ =	sdelay $0x1  }
0x238: {  	s19 =	simm.s32 $0xA100  }
0x239: {  	[tilespmem:s19], [sflag:$0x2] =	stream.indirect_vreg.gather [hbm4b:s3+s2], $0x80, v4, vm0, $0xb8;
	[tilespmem:$0x18100] =	vst v63  }
0x23a: {  	s19 =	simm.s32 $0xA900  }
0x23b: {  	[tilespmem:s19], [sflag:$0x2] =	stream.indirect_vreg.gather [hbm4b:s3+s2], $0x80, v3, vm0, $0xb8;
	[tilespmem:$0x18100] =	vst v63  }
0x23c: {  	v3 =	vld [tilespmem:$0xB0];
	_ =	sdelay $0x4  }
0x23d: {  	v59 =	vshll.u32 v3, $0x1  }
0x23e: {  	v3 =	vand.u32 $0x7, v3;
	v4 =	vand.u32 $0xFFFFFFF0, v59  }
0x23f: {  	v3 =	vor.u32 v3, v4  }
0x240: {  	v4 =	vperm.xlane v3, v0;
	_ =	sdelay $0x1  }
0x241: {  	v3 =	vperm.xlane v3, v2;
	v4 =	vadd.s32 v1, v4;
	_ =	sdelay $0x1  }
0x242: {  	v3 =	vadd.s32 v1, v3;
	_ =	sdelay $0x1  }
0x243: {  	s19 =	simm.s32 $0xB100  }
0x244: {  	[tilespmem:s19], [sflag:$0x2] =	stream.indirect_vreg.gather [hbm4b:s3+s2], $0x80, v4, vm0, $0xb8;
	[tilespmem:$0x18100] =	vst v63  }
0x245: {  	s19 =	simm.s32 $0xB900  }
0x246: {  	[tilespmem:s19], [sflag:$0x2] =	stream.indirect_vreg.gather [hbm4b:s3+s2], $0x80, v3, vm0, $0xb8;
	[tilespmem:$0x18100] =	vst v63  }
0x247: {  	v3 =	vld [tilespmem:$0xC0];
	_ =	sdelay $0x4  }
0x248: {  	v60 =	vshll.u32 v3, $0x1  }
0x249: {  	v3 =	vand.u32 $0x7, v3;
	v4 =	vand.u32 $0xFFFFFFF0, v60  }
0x24a: {  	v3 =	vor.u32 v3, v4  }
0x24b: {  	v4 =	vperm.xlane v3, v0;
	_ =	sdelay $0x1  }
0x24c: {  	v3 =	vperm.xlane v3, v2;
	v4 =	vadd.s32 v1, v4;
	_ =	sdelay $0x1  }
0x24d: {  	v3 =	vadd.s32 v1, v3;
	_ =	sdelay $0x1  }
0x24e: {  	s19 =	simm.s32 $0xC100  }
0x24f: {  	[tilespmem:s19], [sflag:$0x2] =	stream.indirect_vreg.gather [hbm4b:s3+s2], $0x80, v4, vm0, $0xb8;
	[tilespmem:$0x18100] =	vst v63  }
0x250: {  	s19 =	simm.s32 $0xC900  }
0x251: {  	[tilespmem:s19], [sflag:$0x2] =	stream.indirect_vreg.gather [hbm4b:s3+s2], $0x80, v3, vm0, $0xb8;
	[tilespmem:$0x18100] =	vst v63  }
0x252: {  	v3 =	vld [tilespmem:$0xD0];
	_ =	sdelay $0x4  }
0x253: {  	v61 =	vshll.u32 v3, $0x1  }
0x254: {  	v3 =	vand.u32 $0x7, v3;
	v4 =	vand.u32 $0xFFFFFFF0, v61  }
0x255: {  	v3 =	vor.u32 v3, v4  }
0x256: {  	v4 =	vperm.xlane v3, v0;
	_ =	sdelay $0x1  }
0x257: {  	v3 =	vperm.xlane v3, v2;
	v4 =	vadd.s32 v1, v4;
	_ =	sdelay $0x1  }
0x258: {  	v3 =	vadd.s32 v1, v3;
	_ =	sdelay $0x1  }
0x259: {  	s19 =	simm.s32 $0xD100  }
0x25a: {  	[tilespmem:s19], [sflag:$0x2] =	stream.indirect_vreg.gather [hbm4b:s3+s2], $0x80, v4, vm0, $0xb8;
	[tilespmem:$0x18100] =	vst v63  }
0x25b: {  	s19 =	simm.s32 $0xD900  }
0x25c: {  	[tilespmem:s19], [sflag:$0x2] =	stream.indirect_vreg.gather [hbm4b:s3+s2], $0x80, v3, vm0, $0xb8;
	[tilespmem:$0x18100] =	vst v63  }
0x25d: {  	v3 =	vld [tilespmem:$0xE0];
	_ =	sdelay $0x4  }
0x25e: {  	v62 =	vshll.u32 v3, $0x1  }
0x25f: {  	v3 =	vand.u32 $0x7, v3;
	v4 =	vand.u32 $0xFFFFFFF0, v62  }
0x260: {  	v3 =	vor.u32 v3, v4  }
0x261: {  	v4 =	vperm.xlane v3, v0;
	_ =	sdelay $0x1  }
0x262: {  	v3 =	vperm.xlane v3, v2;
	v4 =	vadd.s32 v1, v4;
	_ =	sdelay $0x1  }
0x263: {  	v3 =	vadd.s32 v1, v3;
	_ =	sdelay $0x1  }
0x264: {  	s19 =	simm.s32 $0xE100  }
0x265: {  	[tilespmem:s19], [sflag:$0x2] =	stream.indirect_vreg.gather [hbm4b:s3+s2], $0x80, v4, vm0, $0xb8;
	[tilespmem:$0x18100] =	vst v63  }
0x266: {  	s19 =	simm.s32 $0xE900  }
0x267: {  	[tilespmem:s19], [sflag:$0x2] =	stream.indirect_vreg.gather [hbm4b:s3+s2], $0x80, v3, vm0, $0xb8;
	[tilespmem:$0x18100] =	vst v63  }
0x268: {  	v3 =	vld [tilespmem:$0xF0];
	_ =	sdelay $0x4  }
0x269: {  	v63 =	vshll.u32 v3, $0x1  }
0x26a: {  	v3 =	vand.u32 $0x7, v3;
	v4 =	vand.u32 $0xFFFFFFF0, v63  }
0x26b: {  	v3 =	vor.u32 v3, v4  }
0x26c: {  	v4 =	vperm.xlane v3, v0;
	_ =	sdelay $0x1  }
0x26d: {  	v3 =	vperm.xlane v3, v2;
	v4 =	vadd.s32 v1, v4;
	_ =	sdelay $0x1  }
0x26e: {  	v3 =	vadd.s32 v1, v3;
	_ =	sdelay $0x1  }
0x26f: {  	s19 =	simm.s32 $0xF100  }
0x270: {  	[tilespmem:s19], [sflag:$0x2] =	stream.indirect_vreg.gather [hbm4b:s3+s2], $0x80, v4, vm0, $0xb8;
	[tilespmem:$0x18100] =	vst v63  }
0x271: {  	s19 =	simm.s32 $0xF900  }
0x272: {  	[tilespmem:s19], [sflag:$0x2] =	stream.indirect_vreg.gather [hbm4b:s3+s2], $0x80, v3, vm0, $0xb8;
	[tilespmem:$0x18100] =	vst v63  }
0x273: {  	_ = 	snop  }
0x274: {  	[tilespmem:s7], [sflag:$0x2] =	stream.indirect.gather [hbm4b:s4+s23], $0x80, s23, s23, $0xb8;
	[tilespmem:$0x18100] =	vst v63  }
0x275: {  	_ =	swait.ge [sflag:s17], $0x8000  }
0x276: {  	[sflag:s17] =	ssyncset.done $0x0  }
0x277: {  	[sflag:s17] =	ssyncadd.s32 $0xFFFF8000  }
0x278: {  	_ =	swait.ge [sflag:s17], $0x4000  }
0x279: {  	[sflag:s17] =	ssyncset.done $0x0  }
0x27a: {  	s0 =	rddreg [dreg:$0x10];
	[sflag:s17] =	ssyncadd.s32 $0xFFFFC000  }
0x27b: {  	[hbm4b:s0+s2] =	stream.linear.scatter [tilespmem:s24], [sflag:$0x3], $0x8000, $0x38;
	[tilespmem:$0x18100] =	vst v63  }
0x27c: {  	_ =	swait.ge [sflag:s6], $0x8000  }
0x27d: {  	[sflag:s6] =	ssyncset.done $0x0  }
0x27e: {  	s0 =	rddreg [dreg:$0x11];
	[sflag:s6] =	ssyncadd.s32 $0xFFFF8000  }
0x27f: {  	[hbm4b:s0+s2] =	stream.linear.scatter [tilespmem:s25], [sflag:$0x3], $0x4000, $0x38;
	[tilespmem:$0x18100] =	vst v63  }
0x280: {  	_ =	swait.ge [sflag:s6], $0x4000  }
0x281: {  	[sflag:s6] =	ssyncset.done $0x0  }
0x282: {  	[sflag:s6] =	ssyncadd.s32 $0xFFFFC000  }
0x283: {  	_ =	swait.ge [sflag:s18], $0x8000  }
0x284: {  	[sflag:s18] =	ssyncset.done $0x0  }
0x285: {  	[sflag:s18] =	ssyncadd.s32 $0xFFFF8000  }
0x286: {  	_ =	swait.ge [sflag:s18], $0x4000  }
0x287: {  	[sflag:s18] =	ssyncset.done $0x0  }
0x288: {  	s0 =	rddreg [dreg:$0x12];
	[sflag:s18] =	ssyncadd.s32 $0xFFFFC000  }
0x289: {  	[hbm4b:s0+s2] =	stream.linear.scatter [tilespmem:s16], [sflag:$0x3], $0x8000, $0x38;
	[tilespmem:$0x18100] =	vst v63  }
0x28a: {  	_ =	swait.ge [sflag:s6], $0x8000  }
0x28b: {  	p0 =	sne.s32 s5, $0x1;
	[sflag:s6] =	ssyncset.done $0x0  }
.Ltmp0:
0x28c: {  	s0 =	rddreg [dreg:$0x13];
	[sflag:s6] =	ssyncadd.s32 $0xFFFF8000;
	(pc) =	sbr.rel @p0 .LBB2_1-.Ltmp0, $4  }
0x28d: {  	[hbm4b:s0+s2] =	stream.linear.scatter [tilespmem:s7], [sflag:$0x3], $0x4000, $0x38;
	[tilespmem:$0x18100] =	vst v63  }
0x28e: {  	_ =	swait.ge [sflag:s6], $0x4000  }
0x28f: {  	[sflag:s6] =	ssyncset.done $0x0  }
0x290: {  	s5 =	sadd.s32 $0xFFFFFFFF, s5;
	[sflag:s6] =	ssyncadd.s32 $0xFFFFC000  }
0x291: {  	_ =	sfence.sel $0x180000  }
0x292: {  	[bflag:$0x0] =	sbarrier.arrive $0xFFFF  }
0x293: {  	_ =	strace $0x90000047  }
0x294: {  	s0 =	stileid.u32;
	[bflag:$0x2] =	sbarrier.arrive $0xFFFF  }
0x295: {  	p0 =	sne.s32 s0, $0x0;
	s0 =	rddreg [dreg:$0x1]  }
0x296: {  	s0 =	sadd.s32 @!p0 $0x100000, s0  }
0x297: {  	[sflag:s0] =	ssyncadd.tile.s32 @!p0 $0x1;
	_ =	shalt  }
.Lfunc_end2:
_tile_overlayer_lowered:
.L_overlay_start_2:
0x298: {  	(tag) =	ssettag $0x2  }
0x299: {  	s0 =	rddreg [dreg:$0x0];
	s2 =	stileid.u32  }
0x29a: {  	s1 =	rddreg [dreg:$0x1];
	p0 =	sne.s32 s2, $0x0  }
0x29b: {  	s3 =	rddreg [dreg:$0x2];
	[bflag:$0x3] =	sbarrier.arrive $0xFFFF;
	s2 =	simm.s32 @!p0 $0x1C03  }
0x29c: {  	[timem:s3], [sflag:s2] =	dma.local @!p0 [hbm:s0], s1  }
0x29d: {  	s0 =	simm.s32 @!p0 $0x3  }
0x29e: {  	_ =	swait.ge @!p0 [sflag:s0], s1  }
0x29f: {  	s1 =	ssub.s32 @!p0 $0x0, s1;
	[sflag:s0] =	ssyncset.done @!p0 $0x0  }
0x2a0: {  	[sflag:s0] =	ssyncadd.s32 @!p0 s1  }
0x2a1: {  	[bflag:$0x3] =	sbarrier.arrive $0xFFFF  }
0x2a2: {  	_ =	shalt  }

</sc_bundles>
